<compile_context>
chip_gen: v7x
topology: tpu7x:2x2x1
jax: 0.10.2.dev20260603
libtpu: 0.0.44.dev20260713+nightly
codegen_flags: <defaults>
</compile_context>

<pallas_src>
import functools

import jax
import jax.numpy as jnp
from jax import lax
from jax.experimental import pallas as pl
from jax.experimental.pallas import tpu as pltpu
from jax.experimental.pallas import tpu_sc as plsc

_N = 10000
_E = 320000
_F = 128
_NC = 2
_NT = 16
_NW = _NC * _NT
_CHUNK1 = 40
_CHUNK2 = 40
_K = 5
_RPT = 624
_TAIL_OFF = _RPT * _NT
_TAIL = _N - _TAIL_OFF


def _seg_body(with_deg, chunk, *refs):
    if with_deg:
        (msg, srcs, dsts, zeros1,
         out, deg_out, degv, acc, srcv, *rest) = refs
    else:
        (msg, srcs, dsts,
         out, acc, srcv, *rest) = refs
    dstv = rest[:_K]
    rows = rest[_K:2 * _K]
    isem = rest[2 * _K]
    jsem = rest[2 * _K + 1:3 * _K + 1]
    gsem = rest[3 * _K + 1:4 * _K + 1]
    ssem = rest[4 * _K + 1:5 * _K + 1]

    steps = _E // (_NW * chunk)
    c = lax.axis_index("c")
    s = lax.axis_index("s")

    z16 = jnp.zeros((16,), jnp.float32)

    def zrow(i, carry):
        for k in range(_F // 16):
            rows[0][i, pl.ds(k * 16, 16)] = z16
        return carry

    lax.fori_loop(0, chunk, zrow, 0)
    row0 = pl.multiple_of(s * _RPT, 8)
    zd = []
    for t in range(_RPT // chunk):
        zd.append(pltpu.async_copy(
            rows[0], acc.at[pl.ds(row0 + t * chunk, chunk)], isem))
    _REM = _RPT % chunk
    if _REM:
        zd.append(pltpu.async_copy(
            rows[0].at[pl.ds(0, _REM)],
            acc.at[pl.ds(row0 + _RPT - _REM, _REM)], isem))

    @pl.when(s == _NT - 1)
    def _zero_tail():
        pltpu.sync_copy(rows[0].at[pl.ds(0, _TAIL)],
                        acc.at[pl.ds(_TAIL_OFF, _TAIL)])

    for d in zd:
        d.wait()

    if with_deg:
        pltpu.sync_copy(zeros1, degv)
    plsc.subcore_barrier()

    base0 = c * (_E // _NC) + s * (steps * chunk)
    if with_deg:
        ones16 = jnp.ones((16,), jnp.float32)
        windows = [(k * 16, None) for k in range(chunk // 16)]
        if chunk % 16:
            tail = chunk % 16
            windows.append((chunk - 16,
                            lax.iota(jnp.int32, 16) >= (16 - tail)))

    def step(g, carry):
        off = pl.multiple_of(base0 + g * (_K * chunk), 8)
        isrc = pltpu.async_copy(srcs.at[pl.ds(off, _K * chunk)], srcv, isem)
        jdsc = []
        for j in range(_K):
            @pl.when(g > 0)
            def _drain():
                pltpu.make_async_copy(msg, rows[j], ssem[j]).wait()

            o = pl.multiple_of(off + j * chunk, 8)
            jdsc.append(pltpu.async_copy(dsts.at[pl.ds(o, chunk)],
                                         dstv[j], jsem[j]))
        isrc.wait()
        gd = []
        for j in range(_K):
            gd.append(pltpu.async_copy(
                msg.at[srcv.at[pl.ds(j * chunk, chunk)]], rows[j], gsem[j]))
        for j in range(_K):
            gd[j].wait()
            jdsc[j].wait()
            pltpu.async_copy(rows[j], acc.at[dstv[j]], ssem[j], add=True)
            if with_deg:
                for o, mask in windows:
                    idx = dstv[j][pl.ds(o, 16)]
                    plsc.addupdate_scatter(degv, [idx], ones16, mask=mask)
        return carry

    lax.fori_loop(0, steps // _K, step, 0)
    for j in range(_K):
        pltpu.make_async_copy(msg, rows[j], ssem[j]).wait()
    plsc.subcore_barrier()

    pltpu.sync_copy(acc.at[pl.ds(row0, _RPT)],
                    out.at[c, pl.ds(row0, _RPT)])

    @pl.when(s == _NT - 1)
    def _drain_tail():
        pltpu.sync_copy(acc.at[pl.ds(_TAIL_OFF, _TAIL)],
                        out.at[c, pl.ds(_TAIL_OFF, _TAIL)])

    if with_deg:
        w = c * _NT + s
        pltpu.sync_copy(degv, deg_out.at[pl.ds(pl.multiple_of(w * _N, 8), _N)])


def _make_seg_sum(with_deg, chunk):
    mesh = plsc.VectorSubcoreMesh(core_axis_name="c", subcore_axis_name="s")
    out_type = [jax.ShapeDtypeStruct((_NC, _N, _F), jnp.float32)]
    scratch = []
    if with_deg:
        out_type.append(jax.ShapeDtypeStruct((_NW * _N,), jnp.float32))
        scratch.append(pltpu.VMEM((_N,), jnp.float32))
    scratch.append(pltpu.VMEM_SHARED((_N, _F), jnp.float32))
    scratch.append(pltpu.VMEM((_K * chunk,), jnp.int32))
    scratch += [pltpu.VMEM((chunk,), jnp.int32) for _ in range(_K)]
    scratch += [pltpu.VMEM((chunk, _F), jnp.float32) for _ in range(_K)]
    scratch += [pltpu.SemaphoreType.DMA for _ in range(3 * _K + 1)]
    return pl.kernel(
        functools.partial(_seg_body, with_deg, chunk),
        out_type=out_type,
        mesh=mesh,
        scratch_types=scratch,
        compiler_params=pltpu.CompilerParams(needs_layout_passes=False),
    )


_seg_sum_deg = _make_seg_sum(True, _CHUNK1)
_seg_sum = _make_seg_sum(False, _CHUNK2)


_BLK = 2000


def _dotT(a, w_ref):
    return lax.dot_general(a, w_ref[...], (((1,), (1,)), ((), ())),
                           preferred_element_type=jnp.float32)


def _pre_body(x_ref, wl_ref, wr_ref, b_ref, m_ref, r_ref):
    x = x_ref[...]
    m_ref[...] = _dotT(x, wl_ref)
    r_ref[...] = _dotT(x, wr_ref) + b_ref[...]


def _degsum_body(deg_ref, r_ref):
    dg = jnp.sum(deg_ref[...], axis=0)
    r_ref[...] = (1.0 / jnp.maximum(dg, 1.0))[:, None]


def _mid_body(p_ref, rdeg_ref, r1_ref, wl_ref, wr_ref, b_ref, m_ref, r_ref):
    rdeg = rdeg_ref[...]
    h1 = jnp.maximum((p_ref[0] + p_ref[1]) * rdeg + r1_ref[...], 0.0)
    m_ref[...] = _dotT(h1, wl_ref)
    r_ref[...] = _dotT(h1, wr_ref) + b_ref[...]


def _post_body(q_ref, rdeg_ref, r2_ref, wd_ref, bd_ref, h_ref, dx_ref):
    h2 = (q_ref[0] + q_ref[1]) * rdeg_ref[...] + r2_ref[...]
    h_ref[...] = h2
    dx_ref[...] = _dotT(h2, wd_ref) + bd_ref[...]


def _row_spec(width=_F):
    return pl.BlockSpec((_BLK, width), lambda i: (i, 0))


def _part_spec(width):
    return pl.BlockSpec((_NC, _BLK, width), lambda i: (0, i, 0))


def _rdeg_spec():
    return pl.BlockSpec((_BLK, 1), lambda i: (i, 0))


def _w_spec(width):
    return pl.BlockSpec((_F, width), lambda i: (0, 0))


def _b_spec():
    return pl.BlockSpec((1, _F), lambda i: (0, 0))


_GRID = _N // _BLK

_pre = pl.pallas_call(
    _pre_body,
    grid=(_GRID,),
    in_specs=[_row_spec(), _w_spec(_F), _w_spec(_F), _b_spec()],
    out_specs=[_row_spec(), _row_spec()],
    out_shape=[jax.ShapeDtypeStruct((_N, _F), jnp.float32)] * 2,
)

_degsum = pl.pallas_call(
    _degsum_body,
    out_shape=jax.ShapeDtypeStruct((_N, 1), jnp.float32),
)

_mid = pl.pallas_call(
    _mid_body,
    grid=(_GRID,),
    in_specs=[_part_spec(_F), _rdeg_spec(), _row_spec(),
              _w_spec(_F), _w_spec(_F), _b_spec()],
    out_specs=[_row_spec(), _row_spec()],
    out_shape=[jax.ShapeDtypeStruct((_N, _F), jnp.float32)] * 2,
)

_post = pl.pallas_call(
    _post_body,
    grid=(_GRID,),
    in_specs=[_part_spec(_F), _rdeg_spec(), _row_spec(),
              _w_spec(_F), _b_spec()],
    out_specs=[_row_spec(), _row_spec()],
    out_shape=[jax.ShapeDtypeStruct((_N, _F), jnp.float32)] * 2,
)


def kernel(x, xedge, W1l, b1l, W1r, W2l, b2l, W2r, Wd, bd):
    src = xedge[0]
    dst = xedge[1]
    zeros1 = jnp.zeros((_N,), jnp.float32)

    m1, r1 = _pre(x, W1l, W1r, b1l.reshape(1, _F))
    p1, deg = _seg_sum_deg(m1, src, dst, zeros1)
    rdeg = _degsum(deg.reshape(_NW, _N))
    m2, r2 = _mid(p1, rdeg, r1, W2l, W2r, b2l.reshape(1, _F))
    (p2,) = _seg_sum(m2, src, dst)
    h2, dx = _post(p2, rdeg, r2, Wd, bd.reshape(1, _F))
    return (h2, dx)

# --- scband reference (transcript-rebuilt; emitter-appended) ---
"""Pipeline reference for scband-adder-55937654063700 (READ-ONLY COPY).

The authoritative reference and input builder live on the scoring server;
editing this copy changes nothing except your own understanding.
"""

import jax, jax.numpy as jnp
import numpy as np

N = 10000
E = 320000
D = 128
H = 128


def _glorot(key, shape):
    fan_in, fan_out = shape[1], shape[0]
    limit = np.sqrt(6.0 / (fan_in + fan_out))
    return jax.random.uniform(key, shape, jnp.float32, -limit, limit)


def sage_conv(x, edge_index, Wl, bl, Wr):
    # PyG SAGEConv with mean aggregation: out = lin_l(mean_{j in N(i)} x_j) + lin_r(x_i)
    src = edge_index[0]
    dst = edge_index[1]
    msg = jnp.take(x, src, axis=0)
    agg = jax.ops.segment_sum(msg, dst, num_segments=x.shape[0])
    deg = jax.ops.segment_sum(jnp.ones((edge_index.shape[1],), x.dtype), dst, num_segments=x.shape[0])
    agg = agg / jnp.clip(deg, 1.0)[:, None]
    return agg @ Wl.T + bl + x @ Wr.T


def setup_inputs(seed: int = 0) -> dict:
    key = jax.random.key(seed)
    ks = jax.random.split(key, 12)
    x = jax.random.normal(ks[0], (N, D), jnp.float32)
    xedge = jax.random.randint(ks[1], (2, E), 0, N, dtype=jnp.int32)
    # SAGEConv layer 1 (D -> H)
    W1l = _glorot(ks[2], (H, D))
    b1l = jnp.zeros((H,), jnp.float32)
    W1r = _glorot(ks[3], (H, D))
    # SAGEConv layer 2 (H -> H)
    W2l = _glorot(ks[4], (H, H))
    b2l = jnp.zeros((H,), jnp.float32)
    W2r = _glorot(ks[5], (H, H))
    # Decoder linear (H -> H)
    Wd = _glorot(ks[6], (H, H))
    bd = jnp.zeros((H,), jnp.float32)
    return {"x": x, "xedge": xedge, "W1l": W1l, "b1l": b1l, "W1r": W1r,
            "W2l": W2l, "b2l": b2l, "W2r": W2r, "Wd": Wd, "bd": bd}


def reference(x, xedge, W1l, b1l, W1r, W2l, b2l, W2r, Wd, bd):
    h = sage_conv(x, xedge, W1l, b1l, W1r)
    h = jax.nn.relu(h)
    # dropout omitted for deterministic reference (identity)
    h = sage_conv(h, xedge, W2l, b2l, W2r)
    dx = h @ Wd.T + bd
    return (h, dx)

if __name__ == "__main__":
    import jax
    _d = setup_inputs()
    print(jax.jit(kernel)(*tuple(_d.values())))

</pallas_src>

<mosaic_0001>
#map = affine_map<(d0, d1) -> (0, 0)>
#map1 = affine_map<(d0, d1) -> (0)>
#map2 = affine_map<(d0, d1) -> (0, 0, 0)>
module attributes {stable_mosaic.version = 14 : i64} {
  func.func @_seg_body(%arg0: i32, %arg1: i32, %arg2: memref<10000x128xf32, #tpu.memory_space<hbm>>, %arg3: memref<320000xi32, #tpu.memory_space<hbm>>, %arg4: memref<320000xi32, #tpu.memory_space<hbm>>, %arg5: memref<10000xf32, #tpu.memory_space<hbm>>, %arg6: memref<2x10000x128xf32, #tpu.memory_space<hbm>>, %arg7: memref<320000xf32, #tpu.memory_space<hbm>>, %arg8: memref<10000xf32, #tpu.memory_space<vmem>>, %arg9: memref<10000x128xf32, #tpu.memory_space<vmem_shared>>, %arg10: memref<200xi32, #tpu.memory_space<vmem>>, %arg11: memref<40xi32, #tpu.memory_space<vmem>>, %arg12: memref<40xi32, #tpu.memory_space<vmem>>, %arg13: memref<40xi32, #tpu.memory_space<vmem>>, %arg14: memref<40xi32, #tpu.memory_space<vmem>>, %arg15: memref<40xi32, #tpu.memory_space<vmem>>, %arg16: memref<40x128xf32, #tpu.memory_space<vmem>>, %arg17: memref<40x128xf32, #tpu.memory_space<vmem>>, %arg18: memref<40x128xf32, #tpu.memory_space<vmem>>, %arg19: memref<40x128xf32, #tpu.memory_space<vmem>>, %arg20: memref<40x128xf32, #tpu.memory_space<vmem>>, %arg21: memref<!tpu.dma_semaphore, #tpu.memory_space<semaphore_mem>>, %arg22: memref<!tpu.dma_semaphore, #tpu.memory_space<semaphore_mem>>, %arg23: memref<!tpu.dma_semaphore, #tpu.memory_space<semaphore_mem>>, %arg24: memref<!tpu.dma_semaphore, #tpu.memory_space<semaphore_mem>>, %arg25: memref<!tpu.dma_semaphore, #tpu.memory_space<semaphore_mem>>, %arg26: memref<!tpu.dma_semaphore, #tpu.memory_space<semaphore_mem>>, %arg27: memref<!tpu.dma_semaphore, #tpu.memory_space<semaphore_mem>>, %arg28: memref<!tpu.dma_semaphore, #tpu.memory_space<semaphore_mem>>, %arg29: memref<!tpu.dma_semaphore, #tpu.memory_space<semaphore_mem>>, %arg30: memref<!tpu.dma_semaphore, #tpu.memory_space<semaphore_mem>>, %arg31: memref<!tpu.dma_semaphore, #tpu.memory_space<semaphore_mem>>, %arg32: memref<!tpu.dma_semaphore, #tpu.memory_space<semaphore_mem>>, %arg33: memref<!tpu.dma_semaphore, #tpu.memory_space<semaphore_mem>>, %arg34: memref<!tpu.dma_semaphore, #tpu.memory_space<semaphore_mem>>, %arg35: memref<!tpu.dma_semaphore, #tpu.memory_space<semaphore_mem>>, %arg36: memref<!tpu.dma_semaphore, #tpu.memory_space<semaphore_mem>>) attributes {dimension_semantics = [#tpu.dimension_semantics<core_parallel>, #tpu.dimension_semantics<subcore_parallel>], iteration_bounds = array<i64: 2, 16>, scalar_prefetch = 0 : i64, scratch_operands = 29 : i64, tpu.core_type = #tpu.core_type<sc_vector_subcore>, window_params = [{transform_indices = #map}, {transform_indices = #map1}, {transform_indices = #map1}, {transform_indices = #map1}, {transform_indices = #map2}, {transform_indices = #map1}]} {
    %broadcast_in_dim3A = arith.constant 0.000000e+00 : f32
    %broadcast_in_dim3A_0 = vector.broadcast %broadcast_in_dim3A : f32 to vector<16xf32>
    %scan3A = arith.constant 0 : i32
    %scan3A_1 = arith.constant 0 : i32
    %scan3A_2 = arith.constant 40 : i32
    %scan3A_3 = arith.addi %scan3A_1, %scan3A_2 : i32
    %scan3A_4 = arith.constant 1 : i32
    scf.for %scan3A_206 = %scan3A_1 to %scan3A_3 step %scan3A_4  : i32 {
      %swap3A = arith.index_cast %scan3A_206 : i32 to index
      %swap3A_207 = arith.constant 0 : index
      %swap3A_208 = tpu.vector_load %arg16[%swap3A, %swap3A_207] {strides = array<i32>} : memref<40x128xf32, #tpu.memory_space<vmem>>, vector<16xf32>,
      tpu.vector_store %arg16[%swap3A, %swap3A_207], %broadcast_in_dim3A_0 {strides = array<i32>} : memref<40x128xf32, #tpu.memory_space<vmem>>, vector<16xf32>,
      %swap3A_209 = arith.index_cast %scan3A_206 : i32 to index
      %swap3A_210 = arith.constant 16 : index
      %swap3A_211 = tpu.vector_load %arg16[%swap3A_209, %swap3A_210] {strides = array<i32>} : memref<40x128xf32, #tpu.memory_space<vmem>>, vector<16xf32>,
      tpu.vector_store %arg16[%swap3A_209, %swap3A_210], %broadcast_in_dim3A_0 {strides = array<i32>} : memref<40x128xf32, #tpu.memory_space<vmem>>, vector<16xf32>,
      %swap3A_212 = arith.index_cast %scan3A_206 : i32 to index
      %swap3A_213 = arith.constant 32 : index
      %swap3A_214 = tpu.vector_load %arg16[%swap3A_212, %swap3A_213] {strides = array<i32>} : memref<40x128xf32, #tpu.memory_space<vmem>>, vector<16xf32>,
      tpu.vector_store %arg16[%swap3A_212, %swap3A_213], %broadcast_in_dim3A_0 {strides = array<i32>} : memref<40x128xf32, #tpu.memory_space<vmem>>, vector<16xf32>,
      %swap3A_215 = arith.index_cast %scan3A_206 : i32 to index
      %swap3A_216 = arith.constant 48 : index
      %swap3A_217 = tpu.vector_load %arg16[%swap3A_215, %swap3A_216] {strides = array<i32>} : memref<40x128xf32, #tpu.memory_space<vmem>>, vector<16xf32>,
      tpu.vector_store %arg16[%swap3A_215, %swap3A_216], %broadcast_in_dim3A_0 {strides = array<i32>} : memref<40x128xf32, #tpu.memory_space<vmem>>, vector<16xf32>,
      %swap3A_218 = arith.index_cast %scan3A_206 : i32 to index
      %swap3A_219 = arith.constant 64 : index
      %swap3A_220 = tpu.vector_load %arg16[%swap3A_218, %swap3A_219] {strides = array<i32>} : memref<40x128xf32, #tpu.memory_space<vmem>>, vector<16xf32>,
      tpu.vector_store %arg16[%swap3A_218, %swap3A_219], %broadcast_in_dim3A_0 {strides = array<i32>} : memref<40x128xf32, #tpu.memory_space<vmem>>, vector<16xf32>,
      %swap3A_221 = arith.index_cast %scan3A_206 : i32 to index
      %swap3A_222 = arith.constant 80 : index
      %swap3A_223 = tpu.vector_load %arg16[%swap3A_221, %swap3A_222] {strides = array<i32>} : memref<40x128xf32, #tpu.memory_space<vmem>>, vector<16xf32>,
      tpu.vector_store %arg16[%swap3A_221, %swap3A_222], %broadcast_in_dim3A_0 {strides = array<i32>} : memref<40x128xf32, #tpu.memory_space<vmem>>, vector<16xf32>,
      %swap3A_224 = arith.index_cast %scan3A_206 : i32 to index
      %swap3A_225 = arith.constant 96 : index
      %swap3A_226 = tpu.vector_load %arg16[%swap3A_224, %swap3A_225] {strides = array<i32>} : memref<40x128xf32, #tpu.memory_space<vmem>>, vector<16xf32>,
      tpu.vector_store %arg16[%swap3A_224, %swap3A_225], %broadcast_in_dim3A_0 {strides = array<i32>} : memref<40x128xf32, #tpu.memory_space<vmem>>, vector<16xf32>,
      %swap3A_227 = arith.index_cast %scan3A_206 : i32 to index
      %swap3A_228 = arith.constant 112 : index
      %swap3A_229 = tpu.vector_load %arg16[%swap3A_227, %swap3A_228] {strides = array<i32>} : memref<40x128xf32, #tpu.memory_space<vmem>>, vector<16xf32>,
      tpu.vector_store %arg16[%swap3A_227, %swap3A_228], %broadcast_in_dim3A_0 {strides = array<i32>} : memref<40x128xf32, #tpu.memory_space<vmem>>, vector<16xf32>,
    }
    %scan3A_5 = arith.constant 40 : i32
    %mul3A = arith.constant 624 : i32
    %mul3A_6 = arith.muli %arg1, %mul3A : i32
    %multiple_of3A = tpu.assume_multiple %mul3A_6, 8 : i32
    %add3A = arith.constant 0 : i32
    %add3A_7 = arith.addi %multiple_of3A, %add3A : i32
    %dma_start3A = arith.constant 0 : i32
    %dma_start3A_8 = tpu.memref_slice %arg9[%add3A_7, %dma_start3A] : memref<10000x128xf32, #tpu.memory_space<vmem_shared>> -> memref<40x128xf32, #tpu.memory_space<vmem_shared>>
    %dma_start3A_9 = arith.constant 0 : i32
    %dma_start3A_10 = tpu.memref_slice %arg9[%add3A_7, %dma_start3A_9] : memref<10000x128xf32, #tpu.memory_space<vmem_shared>> -> memref<40x128xf32, #tpu.memory_space<vmem_shared>>
    tpu.enqueue_dma source(%arg16 : memref<40x128xf32, #tpu.memory_space<vmem>>) target(%dma_start3A_10 : memref<40x128xf32, #tpu.memory_space<vmem_shared>>) target_semaphore(%arg21 : memref<!tpu.dma_semaphore, #tpu.memory_space<semaphore_mem>>)
    %add3A_11 = arith.constant 40 : i32
    %add3A_12 = arith.addi %multiple_of3A, %add3A_11 : i32
    %dma_start3A_13 = arith.constant 0 : i32
    %dma_start3A_14 = tpu.memref_slice %arg9[%add3A_12, %dma_start3A_13] : memref<10000x128xf32, #tpu.memory_space<vmem_shared>> -> memref<40x128xf32, #tpu.memory_space<vmem_shared>>
    %dma_start3A_15 = arith.constant 0 : i32
    %dma_start3A_16 = tpu.memref_slice %arg9[%add3A_12, %dma_start3A_15] : memref<10000x128xf32, #tpu.memory_space<vmem_shared>> -> memref<40x128xf32, #tpu.memory_space<vmem_shared>>
    tpu.enqueue_dma source(%arg16 : memref<40x128xf32, #tpu.memory_space<vmem>>) target(%dma_start3A_16 : memref<40x128xf32, #tpu.memory_space<vmem_shared>>) target_semaphore(%arg21 : memref<!tpu.dma_semaphore, #tpu.memory_space<semaphore_mem>>)
    %add3A_17 = arith.constant 80 : i32
    %add3A_18 = arith.addi %multiple_of3A, %add3A_17 : i32
    %dma_start3A_19 = arith.constant 0 : i32
    %dma_start3A_20 = tpu.memref_slice %arg9[%add3A_18, %dma_start3A_19] : memref<10000x128xf32, #tpu.memory_space<vmem_shared>> -> memref<40x128xf32, #tpu.memory_space<vmem_shared>>
    %dma_start3A_21 = arith.constant 0 : i32
    %dma_start3A_22 = tpu.memref_slice %arg9[%add3A_18, %dma_start3A_21] : memref<10000x128xf32, #tpu.memory_space<vmem_shared>> -> memref<40x128xf32, #tpu.memory_space<vmem_shared>>
    tpu.enqueue_dma source(%arg16 : memref<40x128xf32, #tpu.memory_space<vmem>>) target(%dma_start3A_22 : memref<40x128xf32, #tpu.memory_space<vmem_shared>>) target_semaphore(%arg21 : memref<!tpu.dma_semaphore, #tpu.memory_space<semaphore_mem>>)
    %add3A_23 = arith.constant 120 : i32
    %add3A_24 = arith.addi %multiple_of3A, %add3A_23 : i32
    %dma_start3A_25 = arith.constant 0 : i32
    %dma_start3A_26 = tpu.memref_slice %arg9[%add3A_24, %dma_start3A_25] : memref<10000x128xf32, #tpu.memory_space<vmem_shared>> -> memref<40x128xf32, #tpu.memory_space<vmem_shared>>
    %dma_start3A_27 = arith.constant 0 : i32
    %dma_start3A_28 = tpu.memref_slice %arg9[%add3A_24, %dma_start3A_27] : memref<10000x128xf32, #tpu.memory_space<vmem_shared>> -> memref<40x128xf32, #tpu.memory_space<vmem_shared>>
    tpu.enqueue_dma source(%arg16 : memref<40x128xf32, #tpu.memory_space<vmem>>) target(%dma_start3A_28 : memref<40x128xf32, #tpu.memory_space<vmem_shared>>) target_semaphore(%arg21 : memref<!tpu.dma_semaphore, #tpu.memory_space<semaphore_mem>>)
    %add3A_29 = arith.constant 160 : i32
    %add3A_30 = arith.addi %multiple_of3A, %add3A_29 : i32
    %dma_start3A_31 = arith.constant 0 : i32
    %dma_start3A_32 = tpu.memref_slice %arg9[%add3A_30, %dma_start3A_31] : memref<10000x128xf32, #tpu.memory_space<vmem_shared>> -> memref<40x128xf32, #tpu.memory_space<vmem_shared>>
    %dma_start3A_33 = arith.constant 0 : i32
    %dma_start3A_34 = tpu.memref_slice %arg9[%add3A_30, %dma_start3A_33] : memref<10000x128xf32, #tpu.memory_space<vmem_shared>> -> memref<40x128xf32, #tpu.memory_space<vmem_shared>>
    tpu.enqueue_dma source(%arg16 : memref<40x128xf32, #tpu.memory_space<vmem>>) target(%dma_start3A_34 : memref<40x128xf32, #tpu.memory_space<vmem_shared>>) target_semaphore(%arg21 : memref<!tpu.dma_semaphore, #tpu.memory_space<semaphore_mem>>)
    %add3A_35 = arith.constant 200 : i32
    %add3A_36 = arith.addi %multiple_of3A, %add3A_35 : i32
    %dma_start3A_37 = arith.constant 0 : i32
    %dma_start3A_38 = tpu.memref_slice %arg9[%add3A_36, %dma_start3A_37] : memref<10000x128xf32, #tpu.memory_space<vmem_shared>> -> memref<40x128xf32, #tpu.memory_space<vmem_shared>>
    %dma_start3A_39 = arith.constant 0 : i32
    %dma_start3A_40 = tpu.memref_slice %arg9[%add3A_36, %dma_start3A_39] : memref<10000x128xf32, #tpu.memory_space<vmem_shared>> -> memref<40x128xf32, #tpu.memory_space<vmem_shared>>
    tpu.enqueue_dma source(%arg16 : memref<40x128xf32, #tpu.memory_space<vmem>>) target(%dma_start3A_40 : memref<40x128xf32, #tpu.memory_space<vmem_shared>>) target_semaphore(%arg21 : memref<!tpu.dma_semaphore, #tpu.memory_space<semaphore_mem>>)
    %add3A_41 = arith.constant 240 : i32
    %add3A_42 = arith.addi %multiple_of3A, %add3A_41 : i32
    %dma_start3A_43 = arith.constant 0 : i32
    %dma_start3A_44 = tpu.memref_slice %arg9[%add3A_42, %dma_start3A_43] : memref<10000x128xf32, #tpu.memory_space<vmem_shared>> -> memref<40x128xf32, #tpu.memory_space<vmem_shared>>
    %dma_start3A_45 = arith.constant 0 : i32
    %dma_start3A_46 = tpu.memref_slice %arg9[%add3A_42, %dma_start3A_45] : memref<10000x128xf32, #tpu.memory_space<vmem_shared>> -> memref<40x128xf32, #tpu.memory_space<vmem_shared>>
    tpu.enqueue_dma source(%arg16 : memref<40x128xf32, #tpu.memory_space<vmem>>) target(%dma_start3A_46 : memref<40x128xf32, #tpu.memory_space<vmem_shared>>) target_semaphore(%arg21 : memref<!tpu.dma_semaphore, #tpu.memory_space<semaphore_mem>>)
    %add3A_47 = arith.constant 280 : i32
    %add3A_48 = arith.addi %multiple_of3A, %add3A_47 : i32
    %dma_start3A_49 = arith.constant 0 : i32
    %dma_start3A_50 = tpu.memref_slice %arg9[%add3A_48, %dma_start3A_49] : memref<10000x128xf32, #tpu.memory_space<vmem_shared>> -> memref<40x128xf32, #tpu.memory_space<vmem_shared>>
    %dma_start3A_51 = arith.constant 0 : i32
    %dma_start3A_52 = tpu.memref_slice %arg9[%add3A_48, %dma_start3A_51] : memref<10000x128xf32, #tpu.memory_space<vmem_shared>> -> memref<40x128xf32, #tpu.memory_space<vmem_shared>>
    tpu.enqueue_dma source(%arg16 : memref<40x128xf32, #tpu.memory_space<vmem>>) target(%dma_start3A_52 : memref<40x128xf32, #tpu.memory_space<vmem_shared>>) target_semaphore(%arg21 : memref<!tpu.dma_semaphore, #tpu.memory_space<semaphore_mem>>)
    %add3A_53 = arith.constant 320 : i32
    %add3A_54 = arith.addi %multiple_of3A, %add3A_53 : i32
    %dma_start3A_55 = arith.constant 0 : i32
    %dma_start3A_56 = tpu.memref_slice %arg9[%add3A_54, %dma_start3A_55] : memref<10000x128xf32, #tpu.memory_space<vmem_shared>> -> memref<40x128xf32, #tpu.memory_space<vmem_shared>>
    %dma_start3A_57 = arith.constant 0 : i32
    %dma_start3A_58 = tpu.memref_slice %arg9[%add3A_54, %dma_start3A_57] : memref<10000x128xf32, #tpu.memory_space<vmem_shared>> -> memref<40x128xf32, #tpu.memory_space<vmem_shared>>
    tpu.enqueue_dma source(%arg16 : memref<40x128xf32, #tpu.memory_space<vmem>>) target(%dma_start3A_58 : memref<40x128xf32, #tpu.memory_space<vmem_shared>>) target_semaphore(%arg21 : memref<!tpu.dma_semaphore, #tpu.memory_space<semaphore_mem>>)
    %add3A_59 = arith.constant 360 : i32
    %add3A_60 = arith.addi %multiple_of3A, %add3A_59 : i32
    %dma_start3A_61 = arith.constant 0 : i32
    %dma_start3A_62 = tpu.memref_slice %arg9[%add3A_60, %dma_start3A_61] : memref<10000x128xf32, #tpu.memory_space<vmem_shared>> -> memref<40x128xf32, #tpu.memory_space<vmem_shared>>
    %dma_start3A_63 = arith.constant 0 : i32
    %dma_start3A_64 = tpu.memref_slice %arg9[%add3A_60, %dma_start3A_63] : memref<10000x128xf32, #tpu.memory_space<vmem_shared>> -> memref<40x128xf32, #tpu.memory_space<vmem_shared>>
    tpu.enqueue_dma source(%arg16 : memref<40x128xf32, #tpu.memory_space<vmem>>) target(%dma_start3A_64 : memref<40x128xf32, #tpu.memory_space<vmem_shared>>) target_semaphore(%arg21 : memref<!tpu.dma_semaphore, #tpu.memory_space<semaphore_mem>>)
    %add3A_65 = arith.constant 400 : i32
    %add3A_66 = arith.addi %multiple_of3A, %add3A_65 : i32
    %dma_start3A_67 = arith.constant 0 : i32
    %dma_start3A_68 = tpu.memref_slice %arg9[%add3A_66, %dma_start3A_67] : memref<10000x128xf32, #tpu.memory_space<vmem_shared>> -> memref<40x128xf32, #tpu.memory_space<vmem_shared>>
    %dma_start3A_69 = arith.constant 0 : i32
    %dma_start3A_70 = tpu.memref_slice %arg9[%add3A_66, %dma_start3A_69] : memref<10000x128xf32, #tpu.memory_space<vmem_shared>> -> memref<40x128xf32, #tpu.memory_space<vmem_shared>>
    tpu.enqueue_dma source(%arg16 : memref<40x128xf32, #tpu.memory_space<vmem>>) target(%dma_start3A_70 : memref<40x128xf32, #tpu.memory_space<vmem_shared>>) target_semaphore(%arg21 : memref<!tpu.dma_semaphore, #tpu.memory_space<semaphore_mem>>)
    %add3A_71 = arith.constant 440 : i32
    %add3A_72 = arith.addi %multiple_of3A, %add3A_71 : i32
    %dma_start3A_73 = arith.constant 0 : i32
    %dma_start3A_74 = tpu.memref_slice %arg9[%add3A_72, %dma_start3A_73] : memref<10000x128xf32, #tpu.memory_space<vmem_shared>> -> memref<40x128xf32, #tpu.memory_space<vmem_shared>>
    %dma_start3A_75 = arith.constant 0 : i32
    %dma_start3A_76 = tpu.memref_slice %arg9[%add3A_72, %dma_start3A_75] : memref<10000x128xf32, #tpu.memory_space<vmem_shared>> -> memref<40x128xf32, #tpu.memory_space<vmem_shared>>
    tpu.enqueue_dma source(%arg16 : memref<40x128xf32, #tpu.memory_space<vmem>>) target(%dma_start3A_76 : memref<40x128xf32, #tpu.memory_space<vmem_shared>>) target_semaphore(%arg21 : memref<!tpu.dma_semaphore, #tpu.memory_space<semaphore_mem>>)
    %add3A_77 = arith.constant 480 : i32
    %add3A_78 = arith.addi %multiple_of3A, %add3A_77 : i32
    %dma_start3A_79 = arith.constant 0 : i32
    %dma_start3A_80 = tpu.memref_slice %arg9[%add3A_78, %dma_start3A_79] : memref<10000x128xf32, #tpu.memory_space<vmem_shared>> -> memref<40x128xf32, #tpu.memory_space<vmem_shared>>
    %dma_start3A_81 = arith.constant 0 : i32
    %dma_start3A_82 = tpu.memref_slice %arg9[%add3A_78, %dma_start3A_81] : memref<10000x128xf32, #tpu.memory_space<vmem_shared>> -> memref<40x128xf32, #tpu.memory_space<vmem_shared>>
    tpu.enqueue_dma source(%arg16 : memref<40x128xf32, #tpu.memory_space<vmem>>) target(%dma_start3A_82 : memref<40x128xf32, #tpu.memory_space<vmem_shared>>) target_semaphore(%arg21 : memref<!tpu.dma_semaphore, #tpu.memory_space<semaphore_mem>>)
    %add3A_83 = arith.constant 520 : i32
    %add3A_84 = arith.addi %multiple_of3A, %add3A_83 : i32
    %dma_start3A_85 = arith.constant 0 : i32
    %dma_start3A_86 = tpu.memref_slice %arg9[%add3A_84, %dma_start3A_85] : memref<10000x128xf32, #tpu.memory_space<vmem_shared>> -> memref<40x128xf32, #tpu.memory_space<vmem_shared>>
    %dma_start3A_87 = arith.constant 0 : i32
    %dma_start3A_88 = tpu.memref_slice %arg9[%add3A_84, %dma_start3A_87] : memref<10000x128xf32, #tpu.memory_space<vmem_shared>> -> memref<40x128xf32, #tpu.memory_space<vmem_shared>>
    tpu.enqueue_dma source(%arg16 : memref<40x128xf32, #tpu.memory_space<vmem>>) target(%dma_start3A_88 : memref<40x128xf32, #tpu.memory_space<vmem_shared>>) target_semaphore(%arg21 : memref<!tpu.dma_semaphore, #tpu.memory_space<semaphore_mem>>)
    %add3A_89 = arith.constant 560 : i32
    %add3A_90 = arith.addi %multiple_of3A, %add3A_89 : i32
    %dma_start3A_91 = arith.constant 0 : i32
    %dma_start3A_92 = tpu.memref_slice %arg9[%add3A_90, %dma_start3A_91] : memref<10000x128xf32, #tpu.memory_space<vmem_shared>> -> memref<40x128xf32, #tpu.memory_space<vmem_shared>>
    %dma_start3A_93 = arith.constant 0 : i32
    %dma_start3A_94 = tpu.memref_slice %arg9[%add3A_90, %dma_start3A_93] : memref<10000x128xf32, #tpu.memory_space<vmem_shared>> -> memref<40x128xf32, #tpu.memory_space<vmem_shared>>
    tpu.enqueue_dma source(%arg16 : memref<40x128xf32, #tpu.memory_space<vmem>>) target(%dma_start3A_94 : memref<40x128xf32, #tpu.memory_space<vmem_shared>>) target_semaphore(%arg21 : memref<!tpu.dma_semaphore, #tpu.memory_space<semaphore_mem>>)
    %add3A_95 = arith.constant 624 : i32
    %add3A_96 = arith.addi %multiple_of3A, %add3A_95 : i32
    %sub3A = arith.constant 24 : i32
    %sub3A_97 = arith.subi %add3A_96, %sub3A : i32
    %dma_start3A_98 = arith.constant 0 : i32
    %dma_start3A_99 = arith.constant 0 : i32
    %dma_start3A_100 = tpu.memref_slice %arg16[%dma_start3A_98, %dma_start3A_99] : memref<40x128xf32, #tpu.memory_space<vmem>> -> memref<24x128xf32, #tpu.memory_space<vmem>>
    %dma_start3A_101 = arith.constant 0 : i32
    %dma_start3A_102 = tpu.memref_slice %arg9[%sub3A_97, %dma_start3A_101] : memref<10000x128xf32, #tpu.memory_space<vmem_shared>> -> memref<24x128xf32, #tpu.memory_space<vmem_shared>>
    %dma_start3A_103 = arith.constant 0 : i32
    %dma_start3A_104 = tpu.memref_slice %arg9[%sub3A_97, %dma_start3A_103] : memref<10000x128xf32, #tpu.memory_space<vmem_shared>> -> memref<24x128xf32, #tpu.memory_space<vmem_shared>>
    %dma_start3A_105 = arith.constant 0 : i32
    %dma_start3A_106 = arith.constant 0 : i32
    %dma_start3A_107 = tpu.memref_slice %arg16[%dma_start3A_105, %dma_start3A_106] : memref<40x128xf32, #tpu.memory_space<vmem>> -> memref<24x128xf32, #tpu.memory_space<vmem>>
    tpu.enqueue_dma source(%dma_start3A_107 : memref<24x128xf32, #tpu.memory_space<vmem>>) target(%dma_start3A_104 : memref<24x128xf32, #tpu.memory_space<vmem_shared>>) target_semaphore(%arg21 : memref<!tpu.dma_semaphore, #tpu.memory_space<semaphore_mem>>)
    %eq3A = arith.constant 15 : i32
    %eq3A_108 = arith.cmpi eq, %arg1, %eq3A : i32
    %convert_element_type3A = arith.extui %eq3A_108 : i1 to i32
    %cond3A = arith.constant 0 : i32
    %cond3A_109 = arith.cmpi ne, %convert_element_type3A, %cond3A : i32
    scf.if %cond3A_109 {
      "tpu.region"() ({
        %run_scoped3A = tpu.sem_alloc : memref<!tpu.dma_semaphore, #tpu.memory_space<semaphore_mem>>
        %dma_start3A_206 = arith.constant 0 : i32
        %dma_start3A_207 = arith.constant 0 : i32
        %dma_start3A_208 = tpu.memref_slice %arg16[%dma_start3A_206, %dma_start3A_207] : memref<40x128xf32, #tpu.memory_space<vmem>> -> memref<16x128xf32, #tpu.memory_space<vmem>>
        %dma_start3A_209 = arith.constant 9984 : i32
        %dma_start3A_210 = arith.constant 0 : i32
        %dma_start3A_211 = tpu.memref_slice %arg9[%dma_start3A_209, %dma_start3A_210] : memref<10000x128xf32, #tpu.memory_space<vmem_shared>> -> memref<16x128xf32, #tpu.memory_space<vmem_shared>>
        %dma_start3A_212 = arith.constant 9984 : i32
        %dma_start3A_213 = arith.constant 0 : i32
        %dma_start3A_214 = tpu.memref_slice %arg9[%dma_start3A_212, %dma_start3A_213] : memref<10000x128xf32, #tpu.memory_space<vmem_shared>> -> memref<16x128xf32, #tpu.memory_space<vmem_shared>>
        %dma_start3A_215 = arith.constant 0 : i32
        %dma_start3A_216 = arith.constant 0 : i32
        %dma_start3A_217 = tpu.memref_slice %arg16[%dma_start3A_215, %dma_start3A_216] : memref<40x128xf32, #tpu.memory_space<vmem>> -> memref<16x128xf32, #tpu.memory_space<vmem>>
        tpu.enqueue_dma source(%dma_start3A_217 : memref<16x128xf32, #tpu.memory_space<vmem>>) target(%dma_start3A_214 : memref<16x128xf32, #tpu.memory_space<vmem_shared>>) target_semaphore(%run_scoped3A : memref<!tpu.dma_semaphore, #tpu.memory_space<semaphore_mem>>)
        %dma_wait3A_218 = arith.constant 0 : i32
        %dma_wait3A_219 = arith.constant 0 : i32
        %dma_wait3A_220 = tpu.memref_slice %arg16[%dma_wait3A_218, %dma_wait3A_219] : memref<40x128xf32, #tpu.memory_space<vmem>> -> memref<16x128xf32, #tpu.memory_space<vmem>>
        %dma_wait3A_221 = arith.constant 9984 : i32
        %dma_wait3A_222 = arith.constant 0 : i32
        %dma_wait3A_223 = tpu.memref_slice %arg9[%dma_wait3A_221, %dma_wait3A_222] : memref<10000x128xf32, #tpu.memory_space<vmem_shared>> -> memref<16x128xf32, #tpu.memory_space<vmem_shared>>
        %dma_wait3A_224 = arith.constant 9984 : i32
        %dma_wait3A_225 = arith.constant 0 : i32
        %dma_wait3A_226 = tpu.memref_slice %arg9[%dma_wait3A_224, %dma_wait3A_225] : memref<10000x128xf32, #tpu.memory_space<vmem_shared>> -> memref<16x128xf32, #tpu.memory_space<vmem_shared>>
        %dma_wait3A_227 = arith.constant 0 : i32
        %dma_wait3A_228 = arith.constant 0 : i32
        %dma_wait3A_229 = tpu.memref_slice %arg16[%dma_wait3A_227, %dma_wait3A_228] : memref<40x128xf32, #tpu.memory_space<vmem>> -> memref<16x128xf32, #tpu.memory_space<vmem>>
        tpu.wait_dma2 semaphore(%run_scoped3A : memref<!tpu.dma_semaphore, #tpu.memory_space<semaphore_mem>>) src(%dma_wait3A_229 : memref<16x128xf32, #tpu.memory_space<vmem>>) dst(%dma_wait3A_226 : memref<16x128xf32, #tpu.memory_space<vmem_shared>>)
        tpu.yield
      }) : () -> ()
    } else {
    }
    %dma_wait3A = arith.constant 0 : i32
    %dma_wait3A_110 = tpu.memref_slice %arg9[%add3A_7, %dma_wait3A] : memref<10000x128xf32, #tpu.memory_space<vmem_shared>> -> memref<40x128xf32, #tpu.memory_space<vmem_shared>>
    %dma_wait3A_111 = arith.constant 0 : i32
    %dma_wait3A_112 = tpu.memref_slice %arg9[%add3A_7, %dma_wait3A_111] : memref<10000x128xf32, #tpu.memory_space<vmem_shared>> -> memref<40x128xf32, #tpu.memory_space<vmem_shared>>
    tpu.wait_dma2 semaphore(%arg21 : memref<!tpu.dma_semaphore, #tpu.memory_space<semaphore_mem>>) src(%arg16 : memref<40x128xf32, #tpu.memory_space<vmem>>) dst(%dma_wait3A_112 : memref<40x128xf32, #tpu.memory_space<vmem_shared>>)
    %dma_wait3A_113 = arith.constant 0 : i32
    %dma_wait3A_114 = tpu.memref_slice %arg9[%add3A_12, %dma_wait3A_113] : memref<10000x128xf32, #tpu.memory_space<vmem_shared>> -> memref<40x128xf32, #tpu.memory_space<vmem_shared>>
    %dma_wait3A_115 = arith.constant 0 : i32
    %dma_wait3A_116 = tpu.memref_slice %arg9[%add3A_12, %dma_wait3A_115] : memref<10000x128xf32, #tpu.memory_space<vmem_shared>> -> memref<40x128xf32, #tpu.memory_space<vmem_shared>>
    tpu.wait_dma2 semaphore(%arg21 : memref<!tpu.dma_semaphore, #tpu.memory_space<semaphore_mem>>) src(%arg16 : memref<40x128xf32, #tpu.memory_space<vmem>>) dst(%dma_wait3A_116 : memref<40x128xf32, #tpu.memory_space<vmem_shared>>)
    %dma_wait3A_117 = arith.constant 0 : i32
    %dma_wait3A_118 = tpu.memref_slice %arg9[%add3A_18, %dma_wait3A_117] : memref<10000x128xf32, #tpu.memory_space<vmem_shared>> -> memref<40x128xf32, #tpu.memory_space<vmem_shared>>
    %dma_wait3A_119 = arith.constant 0 : i32
    %dma_wait3A_120 = tpu.memref_slice %arg9[%add3A_18, %dma_wait3A_119] : memref<10000x128xf32, #tpu.memory_space<vmem_shared>> -> memref<40x128xf32, #tpu.memory_space<vmem_shared>>
    tpu.wait_dma2 semaphore(%arg21 : memref<!tpu.dma_semaphore, #tpu.memory_space<semaphore_mem>>) src(%arg16 : memref<40x128xf32, #tpu.memory_space<vmem>>) dst(%dma_wait3A_120 : memref<40x128xf32, #tpu.memory_space<vmem_shared>>)
    %dma_wait3A_121 = arith.constant 0 : i32
    %dma_wait3A_122 = tpu.memref_slice %arg9[%add3A_24, %dma_wait3A_121] : memref<10000x128xf32, #tpu.memory_space<vmem_shared>> -> memref<40x128xf32, #tpu.memory_space<vmem_shared>>
    %dma_wait3A_123 = arith.constant 0 : i32
    %dma_wait3A_124 = tpu.memref_slice %arg9[%add3A_24, %dma_wait3A_123] : memref<10000x128xf32, #tpu.memory_space<vmem_shared>> -> memref<40x128xf32, #tpu.memory_space<vmem_shared>>
    tpu.wait_dma2 semaphore(%arg21 : memref<!tpu.dma_semaphore, #tpu.memory_space<semaphore_mem>>) src(%arg16 : memref<40x128xf32, #tpu.memory_space<vmem>>) dst(%dma_wait3A_124 : memref<40x128xf32, #tpu.memory_space<vmem_shared>>)
    %dma_wait3A_125 = arith.constant 0 : i32
    %dma_wait3A_126 = tpu.memref_slice %arg9[%add3A_30, %dma_wait3A_125] : memref<10000x128xf32, #tpu.memory_space<vmem_shared>> -> memref<40x128xf32, #tpu.memory_space<vmem_shared>>
    %dma_wait3A_127 = arith.constant 0 : i32
    %dma_wait3A_128 = tpu.memref_slice %arg9[%add3A_30, %dma_wait3A_127] : memref<10000x128xf32, #tpu.memory_space<vmem_shared>> -> memref<40x128xf32, #tpu.memory_space<vmem_shared>>
    tpu.wait_dma2 semaphore(%arg21 : memref<!tpu.dma_semaphore, #tpu.memory_space<semaphore_mem>>) src(%arg16 : memref<40x128xf32, #tpu.memory_space<vmem>>) dst(%dma_wait3A_128 : memref<40x128xf32, #tpu.memory_space<vmem_shared>>)
    %dma_wait3A_129 = arith.constant 0 : i32
    %dma_wait3A_130 = tpu.memref_slice %arg9[%add3A_36, %dma_wait3A_129] : memref<10000x128xf32, #tpu.memory_space<vmem_shared>> -> memref<40x128xf32, #tpu.memory_space<vmem_shared>>
    %dma_wait3A_131 = arith.constant 0 : i32
    %dma_wait3A_132 = tpu.memref_slice %arg9[%add3A_36, %dma_wait3A_131] : memref<10000x128xf32, #tpu.memory_space<vmem_shared>> -> memref<40x128xf32, #tpu.memory_space<vmem_shared>>
    tpu.wait_dma2 semaphore(%arg21 : memref<!tpu.dma_semaphore, #tpu.memory_space<semaphore_mem>>) src(%arg16 : memref<40x128xf32, #tpu.memory_space<vmem>>) dst(%dma_wait3A_132 : memref<40x128xf32, #tpu.memory_space<vmem_shared>>)
    %dma_wait3A_133 = arith.constant 0 : i32
    %dma_wait3A_134 = tpu.memref_slice %arg9[%add3A_42, %dma_wait3A_133] : memref<10000x128xf32, #tpu.memory_space<vmem_shared>> -> memref<40x128xf32, #tpu.memory_space<vmem_shared>>
    %dma_wait3A_135 = arith.constant 0 : i32
    %dma_wait3A_136 = tpu.memref_slice %arg9[%add3A_42, %dma_wait3A_135] : memref<10000x128xf32, #tpu.memory_space<vmem_shared>> -> memref<40x128xf32, #tpu.memory_space<vmem_shared>>
    tpu.wait_dma2 semaphore(%arg21 : memref<!tpu.dma_semaphore, #tpu.memory_space<semaphore_mem>>) src(%arg16 : memref<40x128xf32, #tpu.memory_space<vmem>>) dst(%dma_wait3A_136 : memref<40x128xf32, #tpu.memory_space<vmem_shared>>)
    %dma_wait3A_137 = arith.constant 0 : i32
    %dma_wait3A_138 = tpu.memref_slice %arg9[%add3A_48, %dma_wait3A_137] : memref<10000x128xf32, #tpu.memory_space<vmem_shared>> -> memref<40x128xf32, #tpu.memory_space<vmem_shared>>
    %dma_wait3A_139 = arith.constant 0 : i32
    %dma_wait3A_140 = tpu.memref_slice %arg9[%add3A_48, %dma_wait3A_139] : memref<10000x128xf32, #tpu.memory_space<vmem_shared>> -> memref<40x128xf32, #tpu.memory_space<vmem_shared>>
    tpu.wait_dma2 semaphore(%arg21 : memref<!tpu.dma_semaphore, #tpu.memory_space<semaphore_mem>>) src(%arg16 : memref<40x128xf32, #tpu.memory_space<vmem>>) dst(%dma_wait3A_140 : memref<40x128xf32, #tpu.memory_space<vmem_shared>>)
    %dma_wait3A_141 = arith.constant 0 : i32
    %dma_wait3A_142 = tpu.memref_slice %arg9[%add3A_54, %dma_wait3A_141] : memref<10000x128xf32, #tpu.memory_space<vmem_shared>> -> memref<40x128xf32, #tpu.memory_space<vmem_shared>>
    %dma_wait3A_143 = arith.constant 0 : i32
    %dma_wait3A_144 = tpu.memref_slice %arg9[%add3A_54, %dma_wait3A_143] : memref<10000x128xf32, #tpu.memory_space<vmem_shared>> -> memref<40x128xf32, #tpu.memory_space<vmem_shared>>
    tpu.wait_dma2 semaphore(%arg21 : memref<!tpu.dma_semaphore, #tpu.memory_space<semaphore_mem>>) src(%arg16 : memref<40x128xf32, #tpu.memory_space<vmem>>) dst(%dma_wait3A_144 : memref<40x128xf32, #tpu.memory_space<vmem_shared>>)
    %dma_wait3A_145 = arith.constant 0 : i32
    %dma_wait3A_146 = tpu.memref_slice %arg9[%add3A_60, %dma_wait3A_145] : memref<10000x128xf32, #tpu.memory_space<vmem_shared>> -> memref<40x128xf32, #tpu.memory_space<vmem_shared>>
    %dma_wait3A_147 = arith.constant 0 : i32
    %dma_wait3A_148 = tpu.memref_slice %arg9[%add3A_60, %dma_wait3A_147] : memref<10000x128xf32, #tpu.memory_space<vmem_shared>> -> memref<40x128xf32, #tpu.memory_space<vmem_shared>>
    tpu.wait_dma2 semaphore(%arg21 : memref<!tpu.dma_semaphore, #tpu.memory_space<semaphore_mem>>) src(%arg16 : memref<40x128xf32, #tpu.memory_space<vmem>>) dst(%dma_wait3A_148 : memref<40x128xf32, #tpu.memory_space<vmem_shared>>)
    %dma_wait3A_149 = arith.constant 0 : i32
    %dma_wait3A_150 = tpu.memref_slice %arg9[%add3A_66, %dma_wait3A_149] : memref<10000x128xf32, #tpu.memory_space<vmem_shared>> -> memref<40x128xf32, #tpu.memory_space<vmem_shared>>
    %dma_wait3A_151 = arith.constant 0 : i32
    %dma_wait3A_152 = tpu.memref_slice %arg9[%add3A_66, %dma_wait3A_151] : memref<10000x128xf32, #tpu.memory_space<vmem_shared>> -> memref<40x128xf32, #tpu.memory_space<vmem_shared>>
    tpu.wait_dma2 semaphore(%arg21 : memref<!tpu.dma_semaphore, #tpu.memory_space<semaphore_mem>>) src(%arg16 : memref<40x128xf32, #tpu.memory_space<vmem>>) dst(%dma_wait3A_152 : memref<40x128xf32, #tpu.memory_space<vmem_shared>>)
    %dma_wait3A_153 = arith.constant 0 : i32
    %dma_wait3A_154 = tpu.memref_slice %arg9[%add3A_72, %dma_wait3A_153] : memref<10000x128xf32, #tpu.memory_space<vmem_shared>> -> memref<40x128xf32, #tpu.memory_space<vmem_shared>>
    %dma_wait3A_155 = arith.constant 0 : i32
    %dma_wait3A_156 = tpu.memref_slice %arg9[%add3A_72, %dma_wait3A_155] : memref<10000x128xf32, #tpu.memory_space<vmem_shared>> -> memref<40x128xf32, #tpu.memory_space<vmem_shared>>
    tpu.wait_dma2 semaphore(%arg21 : memref<!tpu.dma_semaphore, #tpu.memory_space<semaphore_mem>>) src(%arg16 : memref<40x128xf32, #tpu.memory_space<vmem>>) dst(%dma_wait3A_156 : memref<40x128xf32, #tpu.memory_space<vmem_shared>>)
    %dma_wait3A_157 = arith.constant 0 : i32
    %dma_wait3A_158 = tpu.memref_slice %arg9[%add3A_78, %dma_wait3A_157] : memref<10000x128xf32, #tpu.memory_space<vmem_shared>> -> memref<40x128xf32, #tpu.memory_space<vmem_shared>>
    %dma_wait3A_159 = arith.constant 0 : i32
    %dma_wait3A_160 = tpu.memref_slice %arg9[%add3A_78, %dma_wait3A_159] : memref<10000x128xf32, #tpu.memory_space<vmem_shared>> -> memref<40x128xf32, #tpu.memory_space<vmem_shared>>
    tpu.wait_dma2 semaphore(%arg21 : memref<!tpu.dma_semaphore, #tpu.memory_space<semaphore_mem>>) src(%arg16 : memref<40x128xf32, #tpu.memory_space<vmem>>) dst(%dma_wait3A_160 : memref<40x128xf32, #tpu.memory_space<vmem_shared>>)
    %dma_wait3A_161 = arith.constant 0 : i32
    %dma_wait3A_162 = tpu.memref_slice %arg9[%add3A_84, %dma_wait3A_161] : memref<10000x128xf32, #tpu.memory_space<vmem_shared>> -> memref<40x128xf32, #tpu.memory_space<vmem_shared>>
    %dma_wait3A_163 = arith.constant 0 : i32
    %dma_wait3A_164 = tpu.memref_slice %arg9[%add3A_84, %dma_wait3A_163] : memref<10000x128xf32, #tpu.memory_space<vmem_shared>> -> memref<40x128xf32, #tpu.memory_space<vmem_shared>>
    tpu.wait_dma2 semaphore(%arg21 : memref<!tpu.dma_semaphore, #tpu.memory_space<semaphore_mem>>) src(%arg16 : memref<40x128xf32, #tpu.memory_space<vmem>>) dst(%dma_wait3A_164 : memref<40x128xf32, #tpu.memory_space<vmem_shared>>)
    %dma_wait3A_165 = arith.constant 0 : i32
    %dma_wait3A_166 = tpu.memref_slice %arg9[%add3A_90, %dma_wait3A_165] : memref<10000x128xf32, #tpu.memory_space<vmem_shared>> -> memref<40x128xf32, #tpu.memory_space<vmem_shared>>
    %dma_wait3A_167 = arith.constant 0 : i32
    %dma_wait3A_168 = tpu.memref_slice %arg9[%add3A_90, %dma_wait3A_167] : memref<10000x128xf32, #tpu.memory_space<vmem_shared>> -> memref<40x128xf32, #tpu.memory_space<vmem_shared>>
    tpu.wait_dma2 semaphore(%arg21 : memref<!tpu.dma_semaphore, #tpu.memory_space<semaphore_mem>>) src(%arg16 : memref<40x128xf32, #tpu.memory_space<vmem>>) dst(%dma_wait3A_168 : memref<40x128xf32, #tpu.memory_space<vmem_shared>>)
    %dma_wait3A_169 = arith.constant 0 : i32
    %dma_wait3A_170 = arith.constant 0 : i32
    %dma_wait3A_171 = tpu.memref_slice %arg16[%dma_wait3A_169, %dma_wait3A_170] : memref<40x128xf32, #tpu.memory_space<vmem>> -> memref<24x128xf32, #tpu.memory_space<vmem>>
    %dma_wait3A_172 = arith.constant 0 : i32
    %dma_wait3A_173 = tpu.memref_slice %arg9[%sub3A_97, %dma_wait3A_172] : memref<10000x128xf32, #tpu.memory_space<vmem_shared>> -> memref<24x128xf32, #tpu.memory_space<vmem_shared>>
    %dma_wait3A_174 = arith.constant 0 : i32
    %dma_wait3A_175 = tpu.memref_slice %arg9[%sub3A_97, %dma_wait3A_174] : memref<10000x128xf32, #tpu.memory_space<vmem_shared>> -> memref<24x128xf32, #tpu.memory_space<vmem_shared>>
    %dma_wait3A_176 = arith.constant 0 : i32
    %dma_wait3A_177 = arith.constant 0 : i32
    %dma_wait3A_178 = tpu.memref_slice %arg16[%dma_wait3A_176, %dma_wait3A_177] : memref<40x128xf32, #tpu.memory_space<vmem>> -> memref<24x128xf32, #tpu.memory_space<vmem>>
    tpu.wait_dma2 semaphore(%arg21 : memref<!tpu.dma_semaphore, #tpu.memory_space<semaphore_mem>>) src(%dma_wait3A_178 : memref<24x128xf32, #tpu.memory_space<vmem>>) dst(%dma_wait3A_175 : memref<24x128xf32, #tpu.memory_space<vmem_shared>>)
    "tpu.region"() ({
      %run_scoped3A = tpu.sem_alloc : memref<!tpu.dma_semaphore, #tpu.memory_space<semaphore_mem>>
      tpu.enqueue_dma source(%arg5 : memref<10000xf32, #tpu.memory_space<hbm>>) target(%arg8 : memref<10000xf32, #tpu.memory_space<vmem>>) target_semaphore(%run_scoped3A : memref<!tpu.dma_semaphore, #tpu.memory_space<semaphore_mem>>)
      tpu.wait_dma2 semaphore(%run_scoped3A : memref<!tpu.dma_semaphore, #tpu.memory_space<semaphore_mem>>) src(%arg5 : memref<10000xf32, #tpu.memory_space<hbm>>) dst(%arg8 : memref<10000xf32, #tpu.memory_space<vmem>>)
      tpu.yield
    }) : () -> ()
    %barrier3A = arith.constant 0 : index
    tpu.barrier barrier_id(%barrier3A)
    %mul3A_179 = arith.constant 160000 : i32
    %mul3A_180 = arith.muli %arg0, %mul3A_179 : i32
    %mul3A_181 = arith.constant 10000 : i32
    %mul3A_182 = arith.muli %arg1, %mul3A_181 : i32
    %add3A_183 = arith.addi %mul3A_180, %mul3A_182 : i32
    %broadcast_in_dim3A_184 = arith.constant 1.000000e+00 : f32
    %broadcast_in_dim3A_185 = vector.broadcast %broadcast_in_dim3A_184 : f32 to vector<16xf32>
    %iota3A = tpu.iota {dimensions = array<i32: 0>} : vector<16xi32>
    %ge3A = arith.constant 8 : i32
    %ge3A_186 = vector.broadcast %ge3A : i32 to vector<16xi32>
    %ge3A_187 = arith.cmpi sge, %iota3A, %ge3A_186 : vector<16xi32>
    %scan3A_188 = arith.constant 0 : i32
    %scan3A_189 = arith.constant 0 : i32
    %scan3A_190 = arith.constant 50 : i32
    %scan3A_191 = arith.addi %scan3A_189, %scan3A_190 : i32
    %scan3A_192 = arith.constant 1 : i32
    scf.for %scan3A_206 = %scan3A_189 to %scan3A_191 step %scan3A_192  : i32 {
      %mul3A_207 = arith.constant 200 : i32
      %mul3A_208 = arith.muli %scan3A_206, %mul3A_207 : i32
      %add3A_209 = arith.addi %add3A_183, %mul3A_208 : i32
      %multiple_of3A_210 = tpu.assume_multiple %add3A_209, 8 : i32
      %dma_start3A_211 = tpu.memref_slice %arg3[%multiple_of3A_210] : memref<320000xi32, #tpu.memory_space<hbm>> -> memref<200xi32, #tpu.memory_space<hbm>>
      %dma_start3A_212 = tpu.memref_slice %arg3[%multiple_of3A_210] : memref<320000xi32, #tpu.memory_space<hbm>> -> memref<200xi32, #tpu.memory_space<hbm>>
      tpu.enqueue_dma source(%dma_start3A_212 : memref<200xi32, #tpu.memory_space<hbm>>) target(%arg10 : memref<200xi32, #tpu.memory_space<vmem>>) target_semaphore(%arg21 : memref<!tpu.dma_semaphore, #tpu.memory_space<semaphore_mem>>)
      %gt3A = arith.constant 0 : i32
      %gt3A_213 = arith.cmpi sgt, %scan3A_206, %gt3A : i32
      %convert_element_type3A_214 = arith.extui %gt3A_213 : i1 to i32
      %cond3A_215 = arith.constant 0 : i32
      %cond3A_216 = arith.cmpi ne, %convert_element_type3A_214, %cond3A_215 : i32
      scf.if %cond3A_216 {
        tpu.wait_dma2 semaphore(%arg32 : memref<!tpu.dma_semaphore, #tpu.memory_space<semaphore_mem>>) src(%arg2 : memref<10000x128xf32, #tpu.memory_space<hbm>>) dst(%arg16 : memref<40x128xf32, #tpu.memory_space<vmem>>)
      } else {
      }
      %add3A_217 = arith.constant 0 : i32
      %add3A_218 = arith.addi %multiple_of3A_210, %add3A_217 : i32
      %multiple_of3A_219 = tpu.assume_multiple %add3A_218, 8 : i32
      %dma_start3A_220 = tpu.memref_slice %arg4[%multiple_of3A_219] : memref<320000xi32, #tpu.memory_space<hbm>> -> memref<40xi32, #tpu.memory_space<hbm>>
      %dma_start3A_221 = tpu.memref_slice %arg4[%multiple_of3A_219] : memref<320000xi32, #tpu.memory_space<hbm>> -> memref<40xi32, #tpu.memory_space<hbm>>
      tpu.enqueue_dma source(%dma_start3A_221 : memref<40xi32, #tpu.memory_space<hbm>>) target(%arg11 : memref<40xi32, #tpu.memory_space<vmem>>) target_semaphore(%arg22 : memref<!tpu.dma_semaphore, #tpu.memory_space<semaphore_mem>>)
      %gt3A_222 = arith.constant 0 : i32
      %gt3A_223 = arith.cmpi sgt, %scan3A_206, %gt3A_222 : i32
      %convert_element_type3A_224 = arith.extui %gt3A_223 : i1 to i32
      %cond3A_225 = arith.constant 0 : i32
      %cond3A_226 = arith.cmpi ne, %convert_element_type3A_224, %cond3A_225 : i32
      scf.if %cond3A_226 {
        tpu.wait_dma2 semaphore(%arg33 : memref<!tpu.dma_semaphore, #tpu.memory_space<semaphore_mem>>) src(%arg2 : memref<10000x128xf32, #tpu.memory_space<hbm>>) dst(%arg17 : memref<40x128xf32, #tpu.memory_space<vmem>>)
      } else {
      }
      %add3A_227 = arith.constant 40 : i32
      %add3A_228 = arith.addi %multiple_of3A_210, %add3A_227 : i32
      %multiple_of3A_229 = tpu.assume_multiple %add3A_228, 8 : i32
      %dma_start3A_230 = tpu.memref_slice %arg4[%multiple_of3A_229] : memref<320000xi32, #tpu.memory_space<hbm>> -> memref<40xi32, #tpu.memory_space<hbm>>
      %dma_start3A_231 = tpu.memref_slice %arg4[%multiple_of3A_229] : memref<320000xi32, #tpu.memory_space<hbm>> -> memref<40xi32, #tpu.memory_space<hbm>>
      tpu.enqueue_dma source(%dma_start3A_231 : memref<40xi32, #tpu.memory_space<hbm>>) target(%arg12 : memref<40xi32, #tpu.memory_space<vmem>>) target_semaphore(%arg23 : memref<!tpu.dma_semaphore, #tpu.memory_space<semaphore_mem>>)
      %gt3A_232 = arith.constant 0 : i32
      %gt3A_233 = arith.cmpi sgt, %scan3A_206, %gt3A_232 : i32
      %convert_element_type3A_234 = arith.extui %gt3A_233 : i1 to i32
      %cond3A_235 = arith.constant 0 : i32
      %cond3A_236 = arith.cmpi ne, %convert_element_type3A_234, %cond3A_235 : i32
      scf.if %cond3A_236 {
        tpu.wait_dma2 semaphore(%arg34 : memref<!tpu.dma_semaphore, #tpu.memory_space<semaphore_mem>>) src(%arg2 : memref<10000x128xf32, #tpu.memory_space<hbm>>) dst(%arg18 : memref<40x128xf32, #tpu.memory_space<vmem>>)
      } else {
      }
      %add3A_237 = arith.constant 80 : i32
      %add3A_238 = arith.addi %multiple_of3A_210, %add3A_237 : i32
      %multiple_of3A_239 = tpu.assume_multiple %add3A_238, 8 : i32
      %dma_start3A_240 = tpu.memref_slice %arg4[%multiple_of3A_239] : memref<320000xi32, #tpu.memory_space<hbm>> -> memref<40xi32, #tpu.memory_space<hbm>>
      %dma_start3A_241 = tpu.memref_slice %arg4[%multiple_of3A_239] : memref<320000xi32, #tpu.memory_space<hbm>> -> memref<40xi32, #tpu.memory_space<hbm>>
      tpu.enqueue_dma source(%dma_start3A_241 : memref<40xi32, #tpu.memory_space<hbm>>) target(%arg13 : memref<40xi32, #tpu.memory_space<vmem>>) target_semaphore(%arg24 : memref<!tpu.dma_semaphore, #tpu.memory_space<semaphore_mem>>)
      %gt3A_242 = arith.constant 0 : i32
      %gt3A_243 = arith.cmpi sgt, %scan3A_206, %gt3A_242 : i32
      %convert_element_type3A_244 = arith.extui %gt3A_243 : i1 to i32
      %cond3A_245 = arith.constant 0 : i32
      %cond3A_246 = arith.cmpi ne, %convert_element_type3A_244, %cond3A_245 : i32
      scf.if %cond3A_246 {
        tpu.wait_dma2 semaphore(%arg35 : memref<!tpu.dma_semaphore, #tpu.memory_space<semaphore_mem>>) src(%arg2 : memref<10000x128xf32, #tpu.memory_space<hbm>>) dst(%arg19 : memref<40x128xf32, #tpu.memory_space<vmem>>)
      } else {
      }
      %add3A_247 = arith.constant 120 : i32
      %add3A_248 = arith.addi %multiple_of3A_210, %add3A_247 : i32
      %multiple_of3A_249 = tpu.assume_multiple %add3A_248, 8 : i32
      %dma_start3A_250 = tpu.memref_slice %arg4[%multiple_of3A_249] : memref<320000xi32, #tpu.memory_space<hbm>> -> memref<40xi32, #tpu.memory_space<hbm>>
      %dma_start3A_251 = tpu.memref_slice %arg4[%multiple_of3A_249] : memref<320000xi32, #tpu.memory_space<hbm>> -> memref<40xi32, #tpu.memory_space<hbm>>
      tpu.enqueue_dma source(%dma_start3A_251 : memref<40xi32, #tpu.memory_space<hbm>>) target(%arg14 : memref<40xi32, #tpu.memory_space<vmem>>) target_semaphore(%arg25 : memref<!tpu.dma_semaphore, #tpu.memory_space<semaphore_mem>>)
      %gt3A_252 = arith.constant 0 : i32
      %gt3A_253 = arith.cmpi sgt, %scan3A_206, %gt3A_252 : i32
      %convert_element_type3A_254 = arith.extui %gt3A_253 : i1 to i32
      %cond3A_255 = arith.constant 0 : i32
      %cond3A_256 = arith.cmpi ne, %convert_element_type3A_254, %cond3A_255 : i32
      scf.if %cond3A_256 {
        tpu.wait_dma2 semaphore(%arg36 : memref<!tpu.dma_semaphore, #tpu.memory_space<semaphore_mem>>) src(%arg2 : memref<10000x128xf32, #tpu.memory_space<hbm>>) dst(%arg20 : memref<40x128xf32, #tpu.memory_space<vmem>>)
      } else {
      }
      %add3A_257 = arith.constant 160 : i32
      %add3A_258 = arith.addi %multiple_of3A_210, %add3A_257 : i32
      %multiple_of3A_259 = tpu.assume_multiple %add3A_258, 8 : i32
      %dma_start3A_260 = tpu.memref_slice %arg4[%multiple_of3A_259] : memref<320000xi32, #tpu.memory_space<hbm>> -> memref<40xi32, #tpu.memory_space<hbm>>
      %dma_start3A_261 = tpu.memref_slice %arg4[%multiple_of3A_259] : memref<320000xi32, #tpu.memory_space<hbm>> -> memref<40xi32, #tpu.memory_space<hbm>>
      tpu.enqueue_dma source(%dma_start3A_261 : memref<40xi32, #tpu.memory_space<hbm>>) target(%arg15 : memref<40xi32, #tpu.memory_space<vmem>>) target_semaphore(%arg26 : memref<!tpu.dma_semaphore, #tpu.memory_space<semaphore_mem>>)
      %dma_wait3A_262 = tpu.memref_slice %arg3[%multiple_of3A_210] : memref<320000xi32, #tpu.memory_space<hbm>> -> memref<200xi32, #tpu.memory_space<hbm>>
      %dma_wait3A_263 = tpu.memref_slice %arg3[%multiple_of3A_210] : memref<320000xi32, #tpu.memory_space<hbm>> -> memref<200xi32, #tpu.memory_space<hbm>>
      tpu.wait_dma2 semaphore(%arg21 : memref<!tpu.dma_semaphore, #tpu.memory_space<semaphore_mem>>) src(%dma_wait3A_263 : memref<200xi32, #tpu.memory_space<hbm>>) dst(%arg10 : memref<200xi32, #tpu.memory_space<vmem>>)
      %dma_start3A_264 = arith.constant 0 : i32
      %dma_start3A_265 = tpu.memref_slice %arg10[%dma_start3A_264] : memref<200xi32, #tpu.memory_space<vmem>> -> memref<40xi32, #tpu.memory_space<vmem>>
      %dma_start3A_266 = arith.constant 0 : i32
      %dma_start3A_267 = arith.constant 0 : i32
      %dma_start3A_268 = tpu.memref_slice %arg2[%dma_start3A_266, %dma_start3A_267] : memref<10000x128xf32, #tpu.memory_space<hbm>> -> memref<10000x128xf32, #tpu.memory_space<hbm>>
      tpu.enqueue_indirect_dma source(%dma_start3A_268 : memref<10000x128xf32, #tpu.memory_space<hbm>>) target(%arg16 : memref<40x128xf32, #tpu.memory_space<vmem>>) offsets(%dma_start3A_265 : memref<40xi32, #tpu.memory_space<vmem>>) semaphore(%arg27 : memref<!tpu.dma_semaphore, #tpu.memory_space<semaphore_mem>>)
      %dma_start3A_269 = arith.constant 40 : i32
      %dma_start3A_270 = tpu.memref_slice %arg10[%dma_start3A_269] : memref<200xi32, #tpu.memory_space<vmem>> -> memref<40xi32, #tpu.memory_space<vmem>>
      %dma_start3A_271 = arith.constant 0 : i32
      %dma_start3A_272 = arith.constant 0 : i32
      %dma_start3A_273 = tpu.memref_slice %arg2[%dma_start3A_271, %dma_start3A_272] : memref<10000x128xf32, #tpu.memory_space<hbm>> -> memref<10000x128xf32, #tpu.memory_space<hbm>>
      tpu.enqueue_indirect_dma source(%dma_start3A_273 : memref<10000x128xf32, #tpu.memory_space<hbm>>) target(%arg17 : memref<40x128xf32, #tpu.memory_space<vmem>>) offsets(%dma_start3A_270 : memref<40xi32, #tpu.memory_space<vmem>>) semaphore(%arg28 : memref<!tpu.dma_semaphore, #tpu.memory_space<semaphore_mem>>)
      %dma_start3A_274 = arith.constant 80 : i32
      %dma_start3A_275 = tpu.memref_slice %arg10[%dma_start3A_274] : memref<200xi32, #tpu.memory_space<vmem>> -> memref<40xi32, #tpu.memory_space<vmem>>
      %dma_start3A_276 = arith.constant 0 : i32
      %dma_start3A_277 = arith.constant 0 : i32
      %dma_start3A_278 = tpu.memref_slice %arg2[%dma_start3A_276, %dma_start3A_277] : memref<10000x128xf32, #tpu.memory_space<hbm>> -> memref<10000x128xf32, #tpu.memory_space<hbm>>
      tpu.enqueue_indirect_dma source(%dma_start3A_278 : memref<10000x128xf32, #tpu.memory_space<hbm>>) target(%arg18 : memref<40x128xf32, #tpu.memory_space<vmem>>) offsets(%dma_start3A_275 : memref<40xi32, #tpu.memory_space<vmem>>) semaphore(%arg29 : memref<!tpu.dma_semaphore, #tpu.memory_space<semaphore_mem>>)
      %dma_start3A_279 = arith.constant 120 : i32
      %dma_start3A_280 = tpu.memref_slice %arg10[%dma_start3A_279] : memref<200xi32, #tpu.memory_space<vmem>> -> memref<40xi32, #tpu.memory_space<vmem>>
      %dma_start3A_281 = arith.constant 0 : i32
      %dma_start3A_282 = arith.constant 0 : i32
      %dma_start3A_283 = tpu.memref_slice %arg2[%dma_start3A_281, %dma_start3A_282] : memref<10000x128xf32, #tpu.memory_space<hbm>> -> memref<10000x128xf32, #tpu.memory_space<hbm>>
      tpu.enqueue_indirect_dma source(%dma_start3A_283 : memref<10000x128xf32, #tpu.memory_space<hbm>>) target(%arg19 : memref<40x128xf32, #tpu.memory_space<vmem>>) offsets(%dma_start3A_280 : memref<40xi32, #tpu.memory_space<vmem>>) semaphore(%arg30 : memref<!tpu.dma_semaphore, #tpu.memory_space<semaphore_mem>>)
      %dma_start3A_284 = arith.constant 160 : i32
      %dma_start3A_285 = tpu.memref_slice %arg10[%dma_start3A_284] : memref<200xi32, #tpu.memory_space<vmem>> -> memref<40xi32, #tpu.memory_space<vmem>>
      %dma_start3A_286 = arith.constant 0 : i32
      %dma_start3A_287 = arith.constant 0 : i32
      %dma_start3A_288 = tpu.memref_slice %arg2[%dma_start3A_286, %dma_start3A_287] : memref<10000x128xf32, #tpu.memory_space<hbm>> -> memref<10000x128xf32, #tpu.memory_space<hbm>>
      tpu.enqueue_indirect_dma source(%dma_start3A_288 : memref<10000x128xf32, #tpu.memory_space<hbm>>) target(%arg20 : memref<40x128xf32, #tpu.memory_space<vmem>>) offsets(%dma_start3A_285 : memref<40xi32, #tpu.memory_space<vmem>>) semaphore(%arg31 : memref<!tpu.dma_semaphore, #tpu.memory_space<semaphore_mem>>)
      %dma_wait3A_289 = arith.constant 0 : i32
      %dma_wait3A_290 = tpu.memref_slice %arg10[%dma_wait3A_289] : memref<200xi32, #tpu.memory_space<vmem>> -> memref<40xi32, #tpu.memory_space<vmem>>
      %dma_wait3A_291 = arith.constant 0 : i32
      %dma_wait3A_292 = arith.constant 0 : i32
      %dma_wait3A_293 = tpu.memref_slice %arg2[%dma_wait3A_291, %dma_wait3A_292] : memref<10000x128xf32, #tpu.memory_space<hbm>> -> memref<10000x128xf32, #tpu.memory_space<hbm>>
      tpu.wait_indirect_dma semaphore(%arg27 : memref<!tpu.dma_semaphore, #tpu.memory_space<semaphore_mem>>) src(%dma_wait3A_293 : memref<10000x128xf32, #tpu.memory_space<hbm>>) dst(%arg16 : memref<40x128xf32, #tpu.memory_space<vmem>>)
      %dma_wait3A_294 = tpu.memref_slice %arg4[%multiple_of3A_219] : memref<320000xi32, #tpu.memory_space<hbm>> -> memref<40xi32, #tpu.memory_space<hbm>>
      %dma_wait3A_295 = tpu.memref_slice %arg4[%multiple_of3A_219] : memref<320000xi32, #tpu.memory_space<hbm>> -> memref<40xi32, #tpu.memory_space<hbm>>
      tpu.wait_dma2 semaphore(%arg22 : memref<!tpu.dma_semaphore, #tpu.memory_space<semaphore_mem>>) src(%dma_wait3A_295 : memref<40xi32, #tpu.memory_space<hbm>>) dst(%arg11 : memref<40xi32, #tpu.memory_space<vmem>>)
      %dma_start3A_296 = arith.constant 0 : i32
      %dma_start3A_297 = arith.constant 0 : i32
      %dma_start3A_298 = tpu.memref_slice %arg9[%dma_start3A_296, %dma_start3A_297] : memref<10000x128xf32, #tpu.memory_space<vmem_shared>> -> memref<10000x128xf32, #tpu.memory_space<vmem_shared>>
      tpu.enqueue_indirect_dma source(%arg16 : memref<40x128xf32, #tpu.memory_space<vmem>>) target(%dma_start3A_298 : memref<10000x128xf32, #tpu.memory_space<vmem_shared>>) offsets(%arg11 : memref<40xi32, #tpu.memory_space<vmem>>) semaphore(%arg32 : memref<!tpu.dma_semaphore, #tpu.memory_space<semaphore_mem>>) {add = true}
      %get3A = arith.constant 0 : index
      %get3A_299 = tpu.vector_load %arg11[%get3A] {strides = array<i32>} : memref<40xi32, #tpu.memory_space<vmem>>, vector<16xi32>,
      tpu.vector_store_idx %arg8[%get3A_299], %broadcast_in_dim3A_185 {add = true} : memref<10000xf32, #tpu.memory_space<vmem>>[vector<16xi32>], vector<16xf32>,
      %get3A_300 = arith.constant 16 : index
      %get3A_301 = tpu.vector_load %arg11[%get3A_300] {strides = array<i32>} : memref<40xi32, #tpu.memory_space<vmem>>, vector<16xi32>,
      tpu.vector_store_idx %arg8[%get3A_301], %broadcast_in_dim3A_185 {add = true} : memref<10000xf32, #tpu.memory_space<vmem>>[vector<16xi32>], vector<16xf32>,
      %get3A_302 = arith.constant 24 : index
      %get3A_303 = tpu.vector_load %arg11[%get3A_302] {strides = array<i32>} : memref<40xi32, #tpu.memory_space<vmem>>, vector<16xi32>,
      tpu.vector_store_idx %arg8[%get3A_303], %broadcast_in_dim3A_185 masked %ge3A_187 {add = true} : memref<10000xf32, #tpu.memory_space<vmem>>[vector<16xi32>], vector<16xf32>, vector<16xi1>
      %dma_wait3A_304 = arith.constant 40 : i32
      %dma_wait3A_305 = tpu.memref_slice %arg10[%dma_wait3A_304] : memref<200xi32, #tpu.memory_space<vmem>> -> memref<40xi32, #tpu.memory_space<vmem>>
      %dma_wait3A_306 = arith.constant 0 : i32
      %dma_wait3A_307 = arith.constant 0 : i32
      %dma_wait3A_308 = tpu.memref_slice %arg2[%dma_wait3A_306, %dma_wait3A_307] : memref<10000x128xf32, #tpu.memory_space<hbm>> -> memref<10000x128xf32, #tpu.memory_space<hbm>>
      tpu.wait_indirect_dma semaphore(%arg28 : memref<!tpu.dma_semaphore, #tpu.memory_space<semaphore_mem>>) src(%dma_wait3A_308 : memref<10000x128xf32, #tpu.memory_space<hbm>>) dst(%arg17 : memref<40x128xf32, #tpu.memory_space<vmem>>)
      %dma_wait3A_309 = tpu.memref_slice %arg4[%multiple_of3A_229] : memref<320000xi32, #tpu.memory_space<hbm>> -> memref<40xi32, #tpu.memory_space<hbm>>
      %dma_wait3A_310 = tpu.memref_slice %arg4[%multiple_of3A_229] : memref<320000xi32, #tpu.memory_space<hbm>> -> memref<40xi32, #tpu.memory_space<hbm>>
      tpu.wait_dma2 semaphore(%arg23 : memref<!tpu.dma_semaphore, #tpu.memory_space<semaphore_mem>>) src(%dma_wait3A_310 : memref<40xi32, #tpu.memory_space<hbm>>) dst(%arg12 : memref<40xi32, #tpu.memory_space<vmem>>)
      %dma_start3A_311 = arith.constant 0 : i32
      %dma_start3A_312 = arith.constant 0 : i32
      %dma_start3A_313 = tpu.memref_slice %arg9[%dma_start3A_311, %dma_start3A_312] : memref<10000x128xf32, #tpu.memory_space<vmem_shared>> -> memref<10000x128xf32, #tpu.memory_space<vmem_shared>>
      tpu.enqueue_indirect_dma source(%arg17 : memref<40x128xf32, #tpu.memory_space<vmem>>) target(%dma_start3A_313 : memref<10000x128xf32, #tpu.memory_space<vmem_shared>>) offsets(%arg12 : memref<40xi32, #tpu.memory_space<vmem>>) semaphore(%arg33 : memref<!tpu.dma_semaphore, #tpu.memory_space<semaphore_mem>>) {add = true}
      %get3A_314 = arith.constant 0 : index
      %get3A_315 = tpu.vector_load %arg12[%get3A_314] {strides = array<i32>} : memref<40xi32, #tpu.memory_space<vmem>>, vector<16xi32>,
      tpu.vector_store_idx %arg8[%get3A_315], %broadcast_in_dim3A_185 {add = true} : memref<10000xf32, #tpu.memory_space<vmem>>[vector<16xi32>], vector<16xf32>,
      %get3A_316 = arith.constant 16 : index
      %get3A_317 = tpu.vector_load %arg12[%get3A_316] {strides = array<i32>} : memref<40xi32, #tpu.memory_space<vmem>>, vector<16xi32>,
      tpu.vector_store_idx %arg8[%get3A_317], %broadcast_in_dim3A_185 {add = true} : memref<10000xf32, #tpu.memory_space<vmem>>[vector<16xi32>], vector<16xf32>,
      %get3A_318 = arith.constant 24 : index
      %get3A_319 = tpu.vector_load %arg12[%get3A_318] {strides = array<i32>} : memref<40xi32, #tpu.memory_space<vmem>>, vector<16xi32>,
      tpu.vector_store_idx %arg8[%get3A_319], %broadcast_in_dim3A_185 masked %ge3A_187 {add = true} : memref<10000xf32, #tpu.memory_space<vmem>>[vector<16xi32>], vector<16xf32>, vector<16xi1>
      %dma_wait3A_320 = arith.constant 80 : i32
      %dma_wait3A_321 = tpu.memref_slice %arg10[%dma_wait3A_320] : memref<200xi32, #tpu.memory_space<vmem>> -> memref<40xi32, #tpu.memory_space<vmem>>
      %dma_wait3A_322 = arith.constant 0 : i32
      %dma_wait3A_323 = arith.constant 0 : i32
      %dma_wait3A_324 = tpu.memref_slice %arg2[%dma_wait3A_322, %dma_wait3A_323] : memref<10000x128xf32, #tpu.memory_space<hbm>> -> memref<10000x128xf32, #tpu.memory_space<hbm>>
      tpu.wait_indirect_dma semaphore(%arg29 : memref<!tpu.dma_semaphore, #tpu.memory_space<semaphore_mem>>) src(%dma_wait3A_324 : memref<10000x128xf32, #tpu.memory_space<hbm>>) dst(%arg18 : memref<40x128xf32, #tpu.memory_space<vmem>>)
      %dma_wait3A_325 = tpu.memref_slice %arg4[%multiple_of3A_239] : memref<320000xi32, #tpu.memory_space<hbm>> -> memref<40xi32, #tpu.memory_space<hbm>>
      %dma_wait3A_326 = tpu.memref_slice %arg4[%multiple_of3A_239] : memref<320000xi32, #tpu.memory_space<hbm>> -> memref<40xi32, #tpu.memory_space<hbm>>
      tpu.wait_dma2 semaphore(%arg24 : memref<!tpu.dma_semaphore, #tpu.memory_space<semaphore_mem>>) src(%dma_wait3A_326 : memref<40xi32, #tpu.memory_space<hbm>>) dst(%arg13 : memref<40xi32, #tpu.memory_space<vmem>>)
      %dma_start3A_327 = arith.constant 0 : i32
      %dma_start3A_328 = arith.constant 0 : i32
      %dma_start3A_329 = tpu.memref_slice %arg9[%dma_start3A_327, %dma_start3A_328] : memref<10000x128xf32, #tpu.memory_space<vmem_shared>> -> memref<10000x128xf32, #tpu.memory_space<vmem_shared>>
      tpu.enqueue_indirect_dma source(%arg18 : memref<40x128xf32, #tpu.memory_space<vmem>>) target(%dma_start3A_329 : memref<10000x128xf32, #tpu.memory_space<vmem_shared>>) offsets(%arg13 : memref<40xi32, #tpu.memory_space<vmem>>) semaphore(%arg34 : memref<!tpu.dma_semaphore, #tpu.memory_space<semaphore_mem>>) {add = true}
      %get3A_330 = arith.constant 0 : index
      %get3A_331 = tpu.vector_load %arg13[%get3A_330] {strides = array<i32>} : memref<40xi32, #tpu.memory_space<vmem>>, vector<16xi32>,
      tpu.vector_store_idx %arg8[%get3A_331], %broadcast_in_dim3A_185 {add = true} : memref<10000xf32, #tpu.memory_space<vmem>>[vector<16xi32>], vector<16xf32>,
      %get3A_332 = arith.constant 16 : index
      %get3A_333 = tpu.vector_load %arg13[%get3A_332] {strides = array<i32>} : memref<40xi32, #tpu.memory_space<vmem>>, vector<16xi32>,
      tpu.vector_store_idx %arg8[%get3A_333], %broadcast_in_dim3A_185 {add = true} : memref<10000xf32, #tpu.memory_space<vmem>>[vector<16xi32>], vector<16xf32>,
      %get3A_334 = arith.constant 24 : index
      %get3A_335 = tpu.vector_load %arg13[%get3A_334] {strides = array<i32>} : memref<40xi32, #tpu.memory_space<vmem>>, vector<16xi32>,
      tpu.vector_store_idx %arg8[%get3A_335], %broadcast_in_dim3A_185 masked %ge3A_187 {add = true} : memref<10000xf32, #tpu.memory_space<vmem>>[vector<16xi32>], vector<16xf32>, vector<16xi1>
      %dma_wait3A_336 = arith.constant 120 : i32
      %dma_wait3A_337 = tpu.memref_slice %arg10[%dma_wait3A_336] : memref<200xi32, #tpu.memory_space<vmem>> -> memref<40xi32, #tpu.memory_space<vmem>>
      %dma_wait3A_338 = arith.constant 0 : i32
      %dma_wait3A_339 = arith.constant 0 : i32
      %dma_wait3A_340 = tpu.memref_slice %arg2[%dma_wait3A_338, %dma_wait3A_339] : memref<10000x128xf32, #tpu.memory_space<hbm>> -> memref<10000x128xf32, #tpu.memory_space<hbm>>
      tpu.wait_indirect_dma semaphore(%arg30 : memref<!tpu.dma_semaphore, #tpu.memory_space<semaphore_mem>>) src(%dma_wait3A_340 : memref<10000x128xf32, #tpu.memory_space<hbm>>) dst(%arg19 : memref<40x128xf32, #tpu.memory_space<vmem>>)
      %dma_wait3A_341 = tpu.memref_slice %arg4[%multiple_of3A_249] : memref<320000xi32, #tpu.memory_space<hbm>> -> memref<40xi32, #tpu.memory_space<hbm>>
      %dma_wait3A_342 = tpu.memref_slice %arg4[%multiple_of3A_249] : memref<320000xi32, #tpu.memory_space<hbm>> -> memref<40xi32, #tpu.memory_space<hbm>>
      tpu.wait_dma2 semaphore(%arg25 : memref<!tpu.dma_semaphore, #tpu.memory_space<semaphore_mem>>) src(%dma_wait3A_342 : memref<40xi32, #tpu.memory_space<hbm>>) dst(%arg14 : memref<40xi32, #tpu.memory_space<vmem>>)
      %dma_start3A_343 = arith.constant 0 : i32
      %dma_start3A_344 = arith.constant 0 : i32
      %dma_start3A_345 = tpu.memref_slice %arg9[%dma_start3A_343, %dma_start3A_344] : memref<10000x128xf32, #tpu.memory_space<vmem_shared>> -> memref<10000x128xf32, #tpu.memory_space<vmem_shared>>
      tpu.enqueue_indirect_dma source(%arg19 : memref<40x128xf32, #tpu.memory_space<vmem>>) target(%dma_start3A_345 : memref<10000x128xf32, #tpu.memory_space<vmem_shared>>) offsets(%arg14 : memref<40xi32, #tpu.memory_space<vmem>>) semaphore(%arg35 : memref<!tpu.dma_semaphore, #tpu.memory_space<semaphore_mem>>) {add = true}
      %get3A_346 = arith.constant 0 : index
      %get3A_347 = tpu.vector_load %arg14[%get3A_346] {strides = array<i32>} : memref<40xi32, #tpu.memory_space<vmem>>, vector<16xi32>,
      tpu.vector_store_idx %arg8[%get3A_347], %broadcast_in_dim3A_185 {add = true} : memref<10000xf32, #tpu.memory_space<vmem>>[vector<16xi32>], vector<16xf32>,
      %get3A_348 = arith.constant 16 : index
      %get3A_349 = tpu.vector_load %arg14[%get3A_348] {strides = array<i32>} : memref<40xi32, #tpu.memory_space<vmem>>, vector<16xi32>,
      tpu.vector_store_idx %arg8[%get3A_349], %broadcast_in_dim3A_185 {add = true} : memref<10000xf32, #tpu.memory_space<vmem>>[vector<16xi32>], vector<16xf32>,
      %get3A_350 = arith.constant 24 : index
      %get3A_351 = tpu.vector_load %arg14[%get3A_350] {strides = array<i32>} : memref<40xi32, #tpu.memory_space<vmem>>, vector<16xi32>,
      tpu.vector_store_idx %arg8[%get3A_351], %broadcast_in_dim3A_185 masked %ge3A_187 {add = true} : memref<10000xf32, #tpu.memory_space<vmem>>[vector<16xi32>], vector<16xf32>, vector<16xi1>
      %dma_wait3A_352 = arith.constant 160 : i32
      %dma_wait3A_353 = tpu.memref_slice %arg10[%dma_wait3A_352] : memref<200xi32, #tpu.memory_space<vmem>> -> memref<40xi32, #tpu.memory_space<vmem>>
      %dma_wait3A_354 = arith.constant 0 : i32
      %dma_wait3A_355 = arith.constant 0 : i32
      %dma_wait3A_356 = tpu.memref_slice %arg2[%dma_wait3A_354, %dma_wait3A_355] : memref<10000x128xf32, #tpu.memory_space<hbm>> -> memref<10000x128xf32, #tpu.memory_space<hbm>>
      tpu.wait_indirect_dma semaphore(%arg31 : memref<!tpu.dma_semaphore, #tpu.memory_space<semaphore_mem>>) src(%dma_wait3A_356 : memref<10000x128xf32, #tpu.memory_space<hbm>>) dst(%arg20 : memref<40x128xf32, #tpu.memory_space<vmem>>)
      %dma_wait3A_357 = tpu.memref_slice %arg4[%multiple_of3A_259] : memref<320000xi32, #tpu.memory_space<hbm>> -> memref<40xi32, #tpu.memory_space<hbm>>
      %dma_wait3A_358 = tpu.memref_slice %arg4[%multiple_of3A_259] : memref<320000xi32, #tpu.memory_space<hbm>> -> memref<40xi32, #tpu.memory_space<hbm>>
      tpu.wait_dma2 semaphore(%arg26 : memref<!tpu.dma_semaphore, #tpu.memory_space<semaphore_mem>>) src(%dma_wait3A_358 : memref<40xi32, #tpu.memory_space<hbm>>) dst(%arg15 : memref<40xi32, #tpu.memory_space<vmem>>)
      %dma_start3A_359 = arith.constant 0 : i32
      %dma_start3A_360 = arith.constant 0 : i32
      %dma_start3A_361 = tpu.memref_slice %arg9[%dma_start3A_359, %dma_start3A_360] : memref<10000x128xf32, #tpu.memory_space<vmem_shared>> -> memref<10000x128xf32, #tpu.memory_space<vmem_shared>>
      tpu.enqueue_indirect_dma source(%arg20 : memref<40x128xf32, #tpu.memory_space<vmem>>) target(%dma_start3A_361 : memref<10000x128xf32, #tpu.memory_space<vmem_shared>>) offsets(%arg15 : memref<40xi32, #tpu.memory_space<vmem>>) semaphore(%arg36 : memref<!tpu.dma_semaphore, #tpu.memory_space<semaphore_mem>>) {add = true}
      %get3A_362 = arith.constant 0 : index
      %get3A_363 = tpu.vector_load %arg15[%get3A_362] {strides = array<i32>} : memref<40xi32, #tpu.memory_space<vmem>>, vector<16xi32>,
      tpu.vector_store_idx %arg8[%get3A_363], %broadcast_in_dim3A_185 {add = true} : memref<10000xf32, #tpu.memory_space<vmem>>[vector<16xi32>], vector<16xf32>,
      %get3A_364 = arith.constant 16 : index
      %get3A_365 = tpu.vector_load %arg15[%get3A_364] {strides = array<i32>} : memref<40xi32, #tpu.memory_space<vmem>>, vector<16xi32>,
      tpu.vector_store_idx %arg8[%get3A_365], %broadcast_in_dim3A_185 {add = true} : memref<10000xf32, #tpu.memory_space<vmem>>[vector<16xi32>], vector<16xf32>,
      %get3A_366 = arith.constant 24 : index
      %get3A_367 = tpu.vector_load %arg15[%get3A_366] {strides = array<i32>} : memref<40xi32, #tpu.memory_space<vmem>>, vector<16xi32>,
      tpu.vector_store_idx %arg8[%get3A_367], %broadcast_in_dim3A_185 masked %ge3A_187 {add = true} : memref<10000xf32, #tpu.memory_space<vmem>>[vector<16xi32>], vector<16xf32>, vector<16xi1>
    }
    %scan3A_193 = arith.constant 50 : i32
    tpu.wait_dma2 semaphore(%arg32 : memref<!tpu.dma_semaphore, #tpu.memory_space<semaphore_mem>>) src(%arg2 : memref<10000x128xf32, #tpu.memory_space<hbm>>) dst(%arg16 : memref<40x128xf32, #tpu.memory_space<vmem>>)
    tpu.wait_dma2 semaphore(%arg33 : memref<!tpu.dma_semaphore, #tpu.memory_space<semaphore_mem>>) src(%arg2 : memref<10000x128xf32, #tpu.memory_space<hbm>>) dst(%arg17 : memref<40x128xf32, #tpu.memory_space<vmem>>)
    tpu.wait_dma2 semaphore(%arg34 : memref<!tpu.dma_semaphore, #tpu.memory_space<semaphore_mem>>) src(%arg2 : memref<10000x128xf32, #tpu.memory_space<hbm>>) dst(%arg18 : memref<40x128xf32, #tpu.memory_space<vmem>>)
    tpu.wait_dma2 semaphore(%arg35 : memref<!tpu.dma_semaphore, #tpu.memory_space<semaphore_mem>>) src(%arg2 : memref<10000x128xf32, #tpu.memory_space<hbm>>) dst(%arg19 : memref<40x128xf32, #tpu.memory_space<vmem>>)
    tpu.wait_dma2 semaphore(%arg36 : memref<!tpu.dma_semaphore, #tpu.memory_space<semaphore_mem>>) src(%arg2 : memref<10000x128xf32, #tpu.memory_space<hbm>>) dst(%arg20 : memref<40x128xf32, #tpu.memory_space<vmem>>)
    %barrier3A_194 = arith.constant 0 : index
    tpu.barrier barrier_id(%barrier3A_194)
    "tpu.region"() ({
      %run_scoped3A = tpu.sem_alloc : memref<!tpu.dma_semaphore, #tpu.memory_space<semaphore_mem>>
      %dma_start3A_206 = arith.constant 0 : i32
      %dma_start3A_207 = tpu.memref_slice %arg6[%arg0, %multiple_of3A, %dma_start3A_206] : memref<2x10000x128xf32, #tpu.memory_space<hbm>> -> memref<1x624x128xf32, #tpu.memory_space<hbm>>
      %dma_start3A_208 = tpu.memref_squeeze %dma_start3A_207 : memref<1x624x128xf32, #tpu.memory_space<hbm>> -> memref<624x128xf32, #tpu.memory_space<hbm>>
      %dma_start3A_209 = arith.constant 0 : i32
      %dma_start3A_210 = tpu.memref_slice %arg9[%multiple_of3A, %dma_start3A_209] : memref<10000x128xf32, #tpu.memory_space<vmem_shared>> -> memref<624x128xf32, #tpu.memory_space<vmem_shared>>
      tpu.enqueue_dma source(%dma_start3A_210 : memref<624x128xf32, #tpu.memory_space<vmem_shared>>) target(%dma_start3A_208 : memref<624x128xf32, #tpu.memory_space<hbm>>) target_semaphore(%run_scoped3A : memref<!tpu.dma_semaphore, #tpu.memory_space<semaphore_mem>>)
      %dma_wait3A_211 = arith.constant 0 : i32
      %dma_wait3A_212 = tpu.memref_slice %arg6[%arg0, %multiple_of3A, %dma_wait3A_211] : memref<2x10000x128xf32, #tpu.memory_space<hbm>> -> memref<1x624x128xf32, #tpu.memory_space<hbm>>
      %dma_wait3A_213 = tpu.memref_squeeze %dma_wait3A_212 : memref<1x624x128xf32, #tpu.memory_space<hbm>> -> memref<624x128xf32, #tpu.memory_space<hbm>>
      %dma_wait3A_214 = arith.constant 0 : i32
      %dma_wait3A_215 = tpu.memref_slice %arg9[%multiple_of3A, %dma_wait3A_214] : memref<10000x128xf32, #tpu.memory_space<vmem_shared>> -> memref<624x128xf32, #tpu.memory_space<vmem_shared>>
      tpu.wait_dma2 semaphore(%run_scoped3A : memref<!tpu.dma_semaphore, #tpu.memory_space<semaphore_mem>>) src(%dma_wait3A_215 : memref<624x128xf32, #tpu.memory_space<vmem_shared>>) dst(%dma_wait3A_213 : memref<624x128xf32, #tpu.memory_space<hbm>>)
      tpu.yield
    }) : () -> ()
    %eq3A_195 = arith.constant 15 : i32
    %eq3A_196 = arith.cmpi eq, %arg1, %eq3A_195 : i32
    %convert_element_type3A_197 = arith.extui %eq3A_196 : i1 to i32
    %cond3A_198 = arith.constant 0 : i32
    %cond3A_199 = arith.cmpi ne, %convert_element_type3A_197, %cond3A_198 : i32
    scf.if %cond3A_199 {
      "tpu.region"() ({
        %run_scoped3A = tpu.sem_alloc : memref<!tpu.dma_semaphore, #tpu.memory_space<semaphore_mem>>
        %dma_start3A_206 = arith.constant 9984 : i32
        %dma_start3A_207 = arith.constant 0 : i32
        %dma_start3A_208 = tpu.memref_slice %arg6[%arg0, %dma_start3A_206, %dma_start3A_207] : memref<2x10000x128xf32, #tpu.memory_space<hbm>> -> memref<1x16x128xf32, #tpu.memory_space<hbm>>
        %dma_start3A_209 = tpu.memref_squeeze %dma_start3A_208 : memref<1x16x128xf32, #tpu.memory_space<hbm>> -> memref<16x128xf32, #tpu.memory_space<hbm>>
        %dma_start3A_210 = arith.constant 9984 : i32
        %dma_start3A_211 = arith.constant 0 : i32
        %dma_start3A_212 = tpu.memref_slice %arg9[%dma_start3A_210, %dma_start3A_211] : memref<10000x128xf32, #tpu.memory_space<vmem_shared>> -> memref<16x128xf32, #tpu.memory_space<vmem_shared>>
        tpu.enqueue_dma source(%dma_start3A_212 : memref<16x128xf32, #tpu.memory_space<vmem_shared>>) target(%dma_start3A_209 : memref<16x128xf32, #tpu.memory_space<hbm>>) target_semaphore(%run_scoped3A : memref<!tpu.dma_semaphore, #tpu.memory_space<semaphore_mem>>)
        %dma_wait3A_213 = arith.constant 9984 : i32
        %dma_wait3A_214 = arith.constant 0 : i32
        %dma_wait3A_215 = tpu.memref_slice %arg6[%arg0, %dma_wait3A_213, %dma_wait3A_214] : memref<2x10000x128xf32, #tpu.memory_space<hbm>> -> memref<1x16x128xf32, #tpu.memory_space<hbm>>
        %dma_wait3A_216 = tpu.memref_squeeze %dma_wait3A_215 : memref<1x16x128xf32, #tpu.memory_space<hbm>> -> memref<16x128xf32, #tpu.memory_space<hbm>>
        %dma_wait3A_217 = arith.constant 9984 : i32
        %dma_wait3A_218 = arith.constant 0 : i32
        %dma_wait3A_219 = tpu.memref_slice %arg9[%dma_wait3A_217, %dma_wait3A_218] : memref<10000x128xf32, #tpu.memory_space<vmem_shared>> -> memref<16x128xf32, #tpu.memory_space<vmem_shared>>
        tpu.wait_dma2 semaphore(%run_scoped3A : memref<!tpu.dma_semaphore, #tpu.memory_space<semaphore_mem>>) src(%dma_wait3A_219 : memref<16x128xf32, #tpu.memory_space<vmem_shared>>) dst(%dma_wait3A_216 : memref<16x128xf32, #tpu.memory_space<hbm>>)
        tpu.yield
      }) : () -> ()
    } else {
    }
    %mul3A_200 = arith.constant 16 : i32
    %mul3A_201 = arith.muli %arg0, %mul3A_200 : i32
    %add3A_202 = arith.addi %mul3A_201, %arg1 : i32
    %mul3A_203 = arith.constant 10000 : i32
    %mul3A_204 = arith.muli %add3A_202, %mul3A_203 : i32
    %multiple_of3A_205 = tpu.assume_multiple %mul3A_204, 8 : i32
    "tpu.region"() ({
      %run_scoped3A = tpu.sem_alloc : memref<!tpu.dma_semaphore, #tpu.memory_space<semaphore_mem>>
      %dma_start3A_206 = tpu.memref_slice %arg7[%multiple_of3A_205] : memref<320000xf32, #tpu.memory_space<hbm>> -> memref<10000xf32, #tpu.memory_space<hbm>>
      %dma_start3A_207 = tpu.memref_slice %arg7[%multiple_of3A_205] : memref<320000xf32, #tpu.memory_space<hbm>> -> memref<10000xf32, #tpu.memory_space<hbm>>
      tpu.enqueue_dma source(%arg8 : memref<10000xf32, #tpu.memory_space<vmem>>) target(%dma_start3A_207 : memref<10000xf32, #tpu.memory_space<hbm>>) target_semaphore(%run_scoped3A : memref<!tpu.dma_semaphore, #tpu.memory_space<semaphore_mem>>)
      %dma_wait3A_208 = tpu.memref_slice %arg7[%multiple_of3A_205] : memref<320000xf32, #tpu.memory_space<hbm>> -> memref<10000xf32, #tpu.memory_space<hbm>>
      %dma_wait3A_209 = tpu.memref_slice %arg7[%multiple_of3A_205] : memref<320000xf32, #tpu.memory_space<hbm>> -> memref<10000xf32, #tpu.memory_space<hbm>>
      tpu.wait_dma2 semaphore(%run_scoped3A : memref<!tpu.dma_semaphore, #tpu.memory_space<semaphore_mem>>) src(%arg8 : memref<10000xf32, #tpu.memory_space<vmem>>) dst(%dma_wait3A_209 : memref<10000xf32, #tpu.memory_space<hbm>>)
      tpu.yield
    }) : () -> ()
    return
  }
}

#map = affine_map<(d0, d1) -> (0, 0)>
#map1 = affine_map<(d0, d1) -> (0)>
#map2 = affine_map<(d0, d1) -> (0, 0, 0)>
module attributes {stable_mosaic.version = 14 : i64} {
  func.func @_seg_body(%arg0: i32, %arg1: i32, %arg2: memref<10000x128xf32, #tpu.memory_space<hbm>>, %arg3: memref<320000xi32, #tpu.memory_space<hbm>>, %arg4: memref<320000xi32, #tpu.memory_space<hbm>>, %arg5: memref<2x10000x128xf32, #tpu.memory_space<hbm>>, %arg6: memref<10000x128xf32, #tpu.memory_space<vmem_shared>>, %arg7: memref<200xi32, #tpu.memory_space<vmem>>, %arg8: memref<40xi32, #tpu.memory_space<vmem>>, %arg9: memref<40xi32, #tpu.memory_space<vmem>>, %arg10: memref<40xi32, #tpu.memory_space<vmem>>, %arg11: memref<40xi32, #tpu.memory_space<vmem>>, %arg12: memref<40xi32, #tpu.memory_space<vmem>>, %arg13: memref<40x128xf32, #tpu.memory_space<vmem>>, %arg14: memref<40x128xf32, #tpu.memory_space<vmem>>, %arg15: memref<40x128xf32, #tpu.memory_space<vmem>>, %arg16: memref<40x128xf32, #tpu.memory_space<vmem>>, %arg17: memref<40x128xf32, #tpu.memory_space<vmem>>, %arg18: memref<!tpu.dma_semaphore, #tpu.memory_space<semaphore_mem>>, %arg19: memref<!tpu.dma_semaphore, #tpu.memory_space<semaphore_mem>>, %arg20: memref<!tpu.dma_semaphore, #tpu.memory_space<semaphore_mem>>, %arg21: memref<!tpu.dma_semaphore, #tpu.memory_space<semaphore_mem>>, %arg22: memref<!tpu.dma_semaphore, #tpu.memory_space<semaphore_mem>>, %arg23: memref<!tpu.dma_semaphore, #tpu.memory_space<semaphore_mem>>, %arg24: memref<!tpu.dma_semaphore, #tpu.memory_space<semaphore_mem>>, %arg25: memref<!tpu.dma_semaphore, #tpu.memory_space<semaphore_mem>>, %arg26: memref<!tpu.dma_semaphore, #tpu.memory_space<semaphore_mem>>, %arg27: memref<!tpu.dma_semaphore, #tpu.memory_space<semaphore_mem>>, %arg28: memref<!tpu.dma_semaphore, #tpu.memory_space<semaphore_mem>>, %arg29: memref<!tpu.dma_semaphore, #tpu.memory_space<semaphore_mem>>, %arg30: memref<!tpu.dma_semaphore, #tpu.memory_space<semaphore_mem>>, %arg31: memref<!tpu.dma_semaphore, #tpu.memory_space<semaphore_mem>>, %arg32: memref<!tpu.dma_semaphore, #tpu.memory_space<semaphore_mem>>, %arg33: memref<!tpu.dma_semaphore, #tpu.memory_space<semaphore_mem>>) attributes {dimension_semantics = [#tpu.dimension_semantics<core_parallel>, #tpu.dimension_semantics<subcore_parallel>], iteration_bounds = array<i64: 2, 16>, scalar_prefetch = 0 : i64, scratch_operands = 28 : i64, tpu.core_type = #tpu.core_type<sc_vector_subcore>, window_params = [{transform_indices = #map}, {transform_indices = #map1}, {transform_indices = #map1}, {transform_indices = #map2}]} {
    %broadcast_in_dim3A = arith.constant 0.000000e+00 : f32
    %broadcast_in_dim3A_0 = vector.broadcast %broadcast_in_dim3A : f32 to vector<16xf32>
    %scan3A = arith.constant 0 : i32
    %scan3A_1 = arith.constant 0 : i32
    %scan3A_2 = arith.constant 40 : i32
    %scan3A_3 = arith.addi %scan3A_1, %scan3A_2 : i32
    %scan3A_4 = arith.constant 1 : i32
    scf.for %scan3A_196 = %scan3A_1 to %scan3A_3 step %scan3A_4  : i32 {
      %swap3A = arith.index_cast %scan3A_196 : i32 to index
      %swap3A_197 = arith.constant 0 : index
      %swap3A_198 = tpu.vector_load %arg13[%swap3A, %swap3A_197] {strides = array<i32>} : memref<40x128xf32, #tpu.memory_space<vmem>>, vector<16xf32>,
      tpu.vector_store %arg13[%swap3A, %swap3A_197], %broadcast_in_dim3A_0 {strides = array<i32>} : memref<40x128xf32, #tpu.memory_space<vmem>>, vector<16xf32>,
      %swap3A_199 = arith.index_cast %scan3A_196 : i32 to index
      %swap3A_200 = arith.constant 16 : index
      %swap3A_201 = tpu.vector_load %arg13[%swap3A_199, %swap3A_200] {strides = array<i32>} : memref<40x128xf32, #tpu.memory_space<vmem>>, vector<16xf32>,
      tpu.vector_store %arg13[%swap3A_199, %swap3A_200], %broadcast_in_dim3A_0 {strides = array<i32>} : memref<40x128xf32, #tpu.memory_space<vmem>>, vector<16xf32>,
      %swap3A_202 = arith.index_cast %scan3A_196 : i32 to index
      %swap3A_203 = arith.constant 32 : index
      %swap3A_204 = tpu.vector_load %arg13[%swap3A_202, %swap3A_203] {strides = array<i32>} : memref<40x128xf32, #tpu.memory_space<vmem>>, vector<16xf32>,
      tpu.vector_store %arg13[%swap3A_202, %swap3A_203], %broadcast_in_dim3A_0 {strides = array<i32>} : memref<40x128xf32, #tpu.memory_space<vmem>>, vector<16xf32>,
      %swap3A_205 = arith.index_cast %scan3A_196 : i32 to index
      %swap3A_206 = arith.constant 48 : index
      %swap3A_207 = tpu.vector_load %arg13[%swap3A_205, %swap3A_206] {strides = array<i32>} : memref<40x128xf32, #tpu.memory_space<vmem>>, vector<16xf32>,
      tpu.vector_store %arg13[%swap3A_205, %swap3A_206], %broadcast_in_dim3A_0 {strides = array<i32>} : memref<40x128xf32, #tpu.memory_space<vmem>>, vector<16xf32>,
      %swap3A_208 = arith.index_cast %scan3A_196 : i32 to index
      %swap3A_209 = arith.constant 64 : index
      %swap3A_210 = tpu.vector_load %arg13[%swap3A_208, %swap3A_209] {strides = array<i32>} : memref<40x128xf32, #tpu.memory_space<vmem>>, vector<16xf32>,
      tpu.vector_store %arg13[%swap3A_208, %swap3A_209], %broadcast_in_dim3A_0 {strides = array<i32>} : memref<40x128xf32, #tpu.memory_space<vmem>>, vector<16xf32>,
      %swap3A_211 = arith.index_cast %scan3A_196 : i32 to index
      %swap3A_212 = arith.constant 80 : index
      %swap3A_213 = tpu.vector_load %arg13[%swap3A_211, %swap3A_212] {strides = array<i32>} : memref<40x128xf32, #tpu.memory_space<vmem>>, vector<16xf32>,
      tpu.vector_store %arg13[%swap3A_211, %swap3A_212], %broadcast_in_dim3A_0 {strides = array<i32>} : memref<40x128xf32, #tpu.memory_space<vmem>>, vector<16xf32>,
      %swap3A_214 = arith.index_cast %scan3A_196 : i32 to index
      %swap3A_215 = arith.constant 96 : index
      %swap3A_216 = tpu.vector_load %arg13[%swap3A_214, %swap3A_215] {strides = array<i32>} : memref<40x128xf32, #tpu.memory_space<vmem>>, vector<16xf32>,
      tpu.vector_store %arg13[%swap3A_214, %swap3A_215], %broadcast_in_dim3A_0 {strides = array<i32>} : memref<40x128xf32, #tpu.memory_space<vmem>>, vector<16xf32>,
      %swap3A_217 = arith.index_cast %scan3A_196 : i32 to index
      %swap3A_218 = arith.constant 112 : index
      %swap3A_219 = tpu.vector_load %arg13[%swap3A_217, %swap3A_218] {strides = array<i32>} : memref<40x128xf32, #tpu.memory_space<vmem>>, vector<16xf32>,
      tpu.vector_store %arg13[%swap3A_217, %swap3A_218], %broadcast_in_dim3A_0 {strides = array<i32>} : memref<40x128xf32, #tpu.memory_space<vmem>>, vector<16xf32>,
    }
    %scan3A_5 = arith.constant 40 : i32
    %mul3A = arith.constant 624 : i32
    %mul3A_6 = arith.muli %arg1, %mul3A : i32
    %multiple_of3A = tpu.assume_multiple %mul3A_6, 8 : i32
    %add3A = arith.constant 0 : i32
    %add3A_7 = arith.addi %multiple_of3A, %add3A : i32
    %dma_start3A = arith.constant 0 : i32
    %dma_start3A_8 = tpu.memref_slice %arg6[%add3A_7, %dma_start3A] : memref<10000x128xf32, #tpu.memory_space<vmem_shared>> -> memref<40x128xf32, #tpu.memory_space<vmem_shared>>
    %dma_start3A_9 = arith.constant 0 : i32
    %dma_start3A_10 = tpu.memref_slice %arg6[%add3A_7, %dma_start3A_9] : memref<10000x128xf32, #tpu.memory_space<vmem_shared>> -> memref<40x128xf32, #tpu.memory_space<vmem_shared>>
    tpu.enqueue_dma source(%arg13 : memref<40x128xf32, #tpu.memory_space<vmem>>) target(%dma_start3A_10 : memref<40x128xf32, #tpu.memory_space<vmem_shared>>) target_semaphore(%arg18 : memref<!tpu.dma_semaphore, #tpu.memory_space<semaphore_mem>>)
    %add3A_11 = arith.constant 40 : i32
    %add3A_12 = arith.addi %multiple_of3A, %add3A_11 : i32
    %dma_start3A_13 = arith.constant 0 : i32
    %dma_start3A_14 = tpu.memref_slice %arg6[%add3A_12, %dma_start3A_13] : memref<10000x128xf32, #tpu.memory_space<vmem_shared>> -> memref<40x128xf32, #tpu.memory_space<vmem_shared>>
    %dma_start3A_15 = arith.constant 0 : i32
    %dma_start3A_16 = tpu.memref_slice %arg6[%add3A_12, %dma_start3A_15] : memref<10000x128xf32, #tpu.memory_space<vmem_shared>> -> memref<40x128xf32, #tpu.memory_space<vmem_shared>>
    tpu.enqueue_dma source(%arg13 : memref<40x128xf32, #tpu.memory_space<vmem>>) target(%dma_start3A_16 : memref<40x128xf32, #tpu.memory_space<vmem_shared>>) target_semaphore(%arg18 : memref<!tpu.dma_semaphore, #tpu.memory_space<semaphore_mem>>)
    %add3A_17 = arith.constant 80 : i32
    %add3A_18 = arith.addi %multiple_of3A, %add3A_17 : i32
    %dma_start3A_19 = arith.constant 0 : i32
    %dma_start3A_20 = tpu.memref_slice %arg6[%add3A_18, %dma_start3A_19] : memref<10000x128xf32, #tpu.memory_space<vmem_shared>> -> memref<40x128xf32, #tpu.memory_space<vmem_shared>>
    %dma_start3A_21 = arith.constant 0 : i32
    %dma_start3A_22 = tpu.memref_slice %arg6[%add3A_18, %dma_start3A_21] : memref<10000x128xf32, #tpu.memory_space<vmem_shared>> -> memref<40x128xf32, #tpu.memory_space<vmem_shared>>
    tpu.enqueue_dma source(%arg13 : memref<40x128xf32, #tpu.memory_space<vmem>>) target(%dma_start3A_22 : memref<40x128xf32, #tpu.memory_space<vmem_shared>>) target_semaphore(%arg18 : memref<!tpu.dma_semaphore, #tpu.memory_space<semaphore_mem>>)
    %add3A_23 = arith.constant 120 : i32
    %add3A_24 = arith.addi %multiple_of3A, %add3A_23 : i32
    %dma_start3A_25 = arith.constant 0 : i32
    %dma_start3A_26 = tpu.memref_slice %arg6[%add3A_24, %dma_start3A_25] : memref<10000x128xf32, #tpu.memory_space<vmem_shared>> -> memref<40x128xf32, #tpu.memory_space<vmem_shared>>
    %dma_start3A_27 = arith.constant 0 : i32
    %dma_start3A_28 = tpu.memref_slice %arg6[%add3A_24, %dma_start3A_27] : memref<10000x128xf32, #tpu.memory_space<vmem_shared>> -> memref<40x128xf32, #tpu.memory_space<vmem_shared>>
    tpu.enqueue_dma source(%arg13 : memref<40x128xf32, #tpu.memory_space<vmem>>) target(%dma_start3A_28 : memref<40x128xf32, #tpu.memory_space<vmem_shared>>) target_semaphore(%arg18 : memref<!tpu.dma_semaphore, #tpu.memory_space<semaphore_mem>>)
    %add3A_29 = arith.constant 160 : i32
    %add3A_30 = arith.addi %multiple_of3A, %add3A_29 : i32
    %dma_start3A_31 = arith.constant 0 : i32
    %dma_start3A_32 = tpu.memref_slice %arg6[%add3A_30, %dma_start3A_31] : memref<10000x128xf32, #tpu.memory_space<vmem_shared>> -> memref<40x128xf32, #tpu.memory_space<vmem_shared>>
    %dma_start3A_33 = arith.constant 0 : i32
    %dma_start3A_34 = tpu.memref_slice %arg6[%add3A_30, %dma_start3A_33] : memref<10000x128xf32, #tpu.memory_space<vmem_shared>> -> memref<40x128xf32, #tpu.memory_space<vmem_shared>>
    tpu.enqueue_dma source(%arg13 : memref<40x128xf32, #tpu.memory_space<vmem>>) target(%dma_start3A_34 : memref<40x128xf32, #tpu.memory_space<vmem_shared>>) target_semaphore(%arg18 : memref<!tpu.dma_semaphore, #tpu.memory_space<semaphore_mem>>)
    %add3A_35 = arith.constant 200 : i32
    %add3A_36 = arith.addi %multiple_of3A, %add3A_35 : i32
    %dma_start3A_37 = arith.constant 0 : i32
    %dma_start3A_38 = tpu.memref_slice %arg6[%add3A_36, %dma_start3A_37] : memref<10000x128xf32, #tpu.memory_space<vmem_shared>> -> memref<40x128xf32, #tpu.memory_space<vmem_shared>>
    %dma_start3A_39 = arith.constant 0 : i32
    %dma_start3A_40 = tpu.memref_slice %arg6[%add3A_36, %dma_start3A_39] : memref<10000x128xf32, #tpu.memory_space<vmem_shared>> -> memref<40x128xf32, #tpu.memory_space<vmem_shared>>
    tpu.enqueue_dma source(%arg13 : memref<40x128xf32, #tpu.memory_space<vmem>>) target(%dma_start3A_40 : memref<40x128xf32, #tpu.memory_space<vmem_shared>>) target_semaphore(%arg18 : memref<!tpu.dma_semaphore, #tpu.memory_space<semaphore_mem>>)
    %add3A_41 = arith.constant 240 : i32
    %add3A_42 = arith.addi %multiple_of3A, %add3A_41 : i32
    %dma_start3A_43 = arith.constant 0 : i32
    %dma_start3A_44 = tpu.memref_slice %arg6[%add3A_42, %dma_start3A_43] : memref<10000x128xf32, #tpu.memory_space<vmem_shared>> -> memref<40x128xf32, #tpu.memory_space<vmem_shared>>
    %dma_start3A_45 = arith.constant 0 : i32
    %dma_start3A_46 = tpu.memref_slice %arg6[%add3A_42, %dma_start3A_45] : memref<10000x128xf32, #tpu.memory_space<vmem_shared>> -> memref<40x128xf32, #tpu.memory_space<vmem_shared>>
    tpu.enqueue_dma source(%arg13 : memref<40x128xf32, #tpu.memory_space<vmem>>) target(%dma_start3A_46 : memref<40x128xf32, #tpu.memory_space<vmem_shared>>) target_semaphore(%arg18 : memref<!tpu.dma_semaphore, #tpu.memory_space<semaphore_mem>>)
    %add3A_47 = arith.constant 280 : i32
    %add3A_48 = arith.addi %multiple_of3A, %add3A_47 : i32
    %dma_start3A_49 = arith.constant 0 : i32
    %dma_start3A_50 = tpu.memref_slice %arg6[%add3A_48, %dma_start3A_49] : memref<10000x128xf32, #tpu.memory_space<vmem_shared>> -> memref<40x128xf32, #tpu.memory_space<vmem_shared>>
    %dma_start3A_51 = arith.constant 0 : i32
    %dma_start3A_52 = tpu.memref_slice %arg6[%add3A_48, %dma_start3A_51] : memref<10000x128xf32, #tpu.memory_space<vmem_shared>> -> memref<40x128xf32, #tpu.memory_space<vmem_shared>>
    tpu.enqueue_dma source(%arg13 : memref<40x128xf32, #tpu.memory_space<vmem>>) target(%dma_start3A_52 : memref<40x128xf32, #tpu.memory_space<vmem_shared>>) target_semaphore(%arg18 : memref<!tpu.dma_semaphore, #tpu.memory_space<semaphore_mem>>)
    %add3A_53 = arith.constant 320 : i32
    %add3A_54 = arith.addi %multiple_of3A, %add3A_53 : i32
    %dma_start3A_55 = arith.constant 0 : i32
    %dma_start3A_56 = tpu.memref_slice %arg6[%add3A_54, %dma_start3A_55] : memref<10000x128xf32, #tpu.memory_space<vmem_shared>> -> memref<40x128xf32, #tpu.memory_space<vmem_shared>>
    %dma_start3A_57 = arith.constant 0 : i32
    %dma_start3A_58 = tpu.memref_slice %arg6[%add3A_54, %dma_start3A_57] : memref<10000x128xf32, #tpu.memory_space<vmem_shared>> -> memref<40x128xf32, #tpu.memory_space<vmem_shared>>
    tpu.enqueue_dma source(%arg13 : memref<40x128xf32, #tpu.memory_space<vmem>>) target(%dma_start3A_58 : memref<40x128xf32, #tpu.memory_space<vmem_shared>>) target_semaphore(%arg18 : memref<!tpu.dma_semaphore, #tpu.memory_space<semaphore_mem>>)
    %add3A_59 = arith.constant 360 : i32
    %add3A_60 = arith.addi %multiple_of3A, %add3A_59 : i32
    %dma_start3A_61 = arith.constant 0 : i32
    %dma_start3A_62 = tpu.memref_slice %arg6[%add3A_60, %dma_start3A_61] : memref<10000x128xf32, #tpu.memory_space<vmem_shared>> -> memref<40x128xf32, #tpu.memory_space<vmem_shared>>
    %dma_start3A_63 = arith.constant 0 : i32
    %dma_start3A_64 = tpu.memref_slice %arg6[%add3A_60, %dma_start3A_63] : memref<10000x128xf32, #tpu.memory_space<vmem_shared>> -> memref<40x128xf32, #tpu.memory_space<vmem_shared>>
    tpu.enqueue_dma source(%arg13 : memref<40x128xf32, #tpu.memory_space<vmem>>) target(%dma_start3A_64 : memref<40x128xf32, #tpu.memory_space<vmem_shared>>) target_semaphore(%arg18 : memref<!tpu.dma_semaphore, #tpu.memory_space<semaphore_mem>>)
    %add3A_65 = arith.constant 400 : i32
    %add3A_66 = arith.addi %multiple_of3A, %add3A_65 : i32
    %dma_start3A_67 = arith.constant 0 : i32
    %dma_start3A_68 = tpu.memref_slice %arg6[%add3A_66, %dma_start3A_67] : memref<10000x128xf32, #tpu.memory_space<vmem_shared>> -> memref<40x128xf32, #tpu.memory_space<vmem_shared>>
    %dma_start3A_69 = arith.constant 0 : i32
    %dma_start3A_70 = tpu.memref_slice %arg6[%add3A_66, %dma_start3A_69] : memref<10000x128xf32, #tpu.memory_space<vmem_shared>> -> memref<40x128xf32, #tpu.memory_space<vmem_shared>>
    tpu.enqueue_dma source(%arg13 : memref<40x128xf32, #tpu.memory_space<vmem>>) target(%dma_start3A_70 : memref<40x128xf32, #tpu.memory_space<vmem_shared>>) target_semaphore(%arg18 : memref<!tpu.dma_semaphore, #tpu.memory_space<semaphore_mem>>)
    %add3A_71 = arith.constant 440 : i32
    %add3A_72 = arith.addi %multiple_of3A, %add3A_71 : i32
    %dma_start3A_73 = arith.constant 0 : i32
    %dma_start3A_74 = tpu.memref_slice %arg6[%add3A_72, %dma_start3A_73] : memref<10000x128xf32, #tpu.memory_space<vmem_shared>> -> memref<40x128xf32, #tpu.memory_space<vmem_shared>>
    %dma_start3A_75 = arith.constant 0 : i32
    %dma_start3A_76 = tpu.memref_slice %arg6[%add3A_72, %dma_start3A_75] : memref<10000x128xf32, #tpu.memory_space<vmem_shared>> -> memref<40x128xf32, #tpu.memory_space<vmem_shared>>
    tpu.enqueue_dma source(%arg13 : memref<40x128xf32, #tpu.memory_space<vmem>>) target(%dma_start3A_76 : memref<40x128xf32, #tpu.memory_space<vmem_shared>>) target_semaphore(%arg18 : memref<!tpu.dma_semaphore, #tpu.memory_space<semaphore_mem>>)
    %add3A_77 = arith.constant 480 : i32
    %add3A_78 = arith.addi %multiple_of3A, %add3A_77 : i32
    %dma_start3A_79 = arith.constant 0 : i32
    %dma_start3A_80 = tpu.memref_slice %arg6[%add3A_78, %dma_start3A_79] : memref<10000x128xf32, #tpu.memory_space<vmem_shared>> -> memref<40x128xf32, #tpu.memory_space<vmem_shared>>
    %dma_start3A_81 = arith.constant 0 : i32
    %dma_start3A_82 = tpu.memref_slice %arg6[%add3A_78, %dma_start3A_81] : memref<10000x128xf32, #tpu.memory_space<vmem_shared>> -> memref<40x128xf32, #tpu.memory_space<vmem_shared>>
    tpu.enqueue_dma source(%arg13 : memref<40x128xf32, #tpu.memory_space<vmem>>) target(%dma_start3A_82 : memref<40x128xf32, #tpu.memory_space<vmem_shared>>) target_semaphore(%arg18 : memref<!tpu.dma_semaphore, #tpu.memory_space<semaphore_mem>>)
    %add3A_83 = arith.constant 520 : i32
    %add3A_84 = arith.addi %multiple_of3A, %add3A_83 : i32
    %dma_start3A_85 = arith.constant 0 : i32
    %dma_start3A_86 = tpu.memref_slice %arg6[%add3A_84, %dma_start3A_85] : memref<10000x128xf32, #tpu.memory_space<vmem_shared>> -> memref<40x128xf32, #tpu.memory_space<vmem_shared>>
    %dma_start3A_87 = arith.constant 0 : i32
    %dma_start3A_88 = tpu.memref_slice %arg6[%add3A_84, %dma_start3A_87] : memref<10000x128xf32, #tpu.memory_space<vmem_shared>> -> memref<40x128xf32, #tpu.memory_space<vmem_shared>>
    tpu.enqueue_dma source(%arg13 : memref<40x128xf32, #tpu.memory_space<vmem>>) target(%dma_start3A_88 : memref<40x128xf32, #tpu.memory_space<vmem_shared>>) target_semaphore(%arg18 : memref<!tpu.dma_semaphore, #tpu.memory_space<semaphore_mem>>)
    %add3A_89 = arith.constant 560 : i32
    %add3A_90 = arith.addi %multiple_of3A, %add3A_89 : i32
    %dma_start3A_91 = arith.constant 0 : i32
    %dma_start3A_92 = tpu.memref_slice %arg6[%add3A_90, %dma_start3A_91] : memref<10000x128xf32, #tpu.memory_space<vmem_shared>> -> memref<40x128xf32, #tpu.memory_space<vmem_shared>>
    %dma_start3A_93 = arith.constant 0 : i32
    %dma_start3A_94 = tpu.memref_slice %arg6[%add3A_90, %dma_start3A_93] : memref<10000x128xf32, #tpu.memory_space<vmem_shared>> -> memref<40x128xf32, #tpu.memory_space<vmem_shared>>
    tpu.enqueue_dma source(%arg13 : memref<40x128xf32, #tpu.memory_space<vmem>>) target(%dma_start3A_94 : memref<40x128xf32, #tpu.memory_space<vmem_shared>>) target_semaphore(%arg18 : memref<!tpu.dma_semaphore, #tpu.memory_space<semaphore_mem>>)
    %add3A_95 = arith.constant 624 : i32
    %add3A_96 = arith.addi %multiple_of3A, %add3A_95 : i32
    %sub3A = arith.constant 24 : i32
    %sub3A_97 = arith.subi %add3A_96, %sub3A : i32
    %dma_start3A_98 = arith.constant 0 : i32
    %dma_start3A_99 = arith.constant 0 : i32
    %dma_start3A_100 = tpu.memref_slice %arg13[%dma_start3A_98, %dma_start3A_99] : memref<40x128xf32, #tpu.memory_space<vmem>> -> memref<24x128xf32, #tpu.memory_space<vmem>>
    %dma_start3A_101 = arith.constant 0 : i32
    %dma_start3A_102 = tpu.memref_slice %arg6[%sub3A_97, %dma_start3A_101] : memref<10000x128xf32, #tpu.memory_space<vmem_shared>> -> memref<24x128xf32, #tpu.memory_space<vmem_shared>>
    %dma_start3A_103 = arith.constant 0 : i32
    %dma_start3A_104 = tpu.memref_slice %arg6[%sub3A_97, %dma_start3A_103] : memref<10000x128xf32, #tpu.memory_space<vmem_shared>> -> memref<24x128xf32, #tpu.memory_space<vmem_shared>>
    %dma_start3A_105 = arith.constant 0 : i32
    %dma_start3A_106 = arith.constant 0 : i32
    %dma_start3A_107 = tpu.memref_slice %arg13[%dma_start3A_105, %dma_start3A_106] : memref<40x128xf32, #tpu.memory_space<vmem>> -> memref<24x128xf32, #tpu.memory_space<vmem>>
    tpu.enqueue_dma source(%dma_start3A_107 : memref<24x128xf32, #tpu.memory_space<vmem>>) target(%dma_start3A_104 : memref<24x128xf32, #tpu.memory_space<vmem_shared>>) target_semaphore(%arg18 : memref<!tpu.dma_semaphore, #tpu.memory_space<semaphore_mem>>)
    %eq3A = arith.constant 15 : i32
    %eq3A_108 = arith.cmpi eq, %arg1, %eq3A : i32
    %convert_element_type3A = arith.extui %eq3A_108 : i1 to i32
    %cond3A = arith.constant 0 : i32
    %cond3A_109 = arith.cmpi ne, %convert_element_type3A, %cond3A : i32
    scf.if %cond3A_109 {
      "tpu.region"() ({
        %run_scoped3A = tpu.sem_alloc : memref<!tpu.dma_semaphore, #tpu.memory_space<semaphore_mem>>
        %dma_start3A_196 = arith.constant 0 : i32
        %dma_start3A_197 = arith.constant 0 : i32
        %dma_start3A_198 = tpu.memref_slice %arg13[%dma_start3A_196, %dma_start3A_197] : memref<40x128xf32, #tpu.memory_space<vmem>> -> memref<16x128xf32, #tpu.memory_space<vmem>>
        %dma_start3A_199 = arith.constant 9984 : i32
        %dma_start3A_200 = arith.constant 0 : i32
        %dma_start3A_201 = tpu.memref_slice %arg6[%dma_start3A_199, %dma_start3A_200] : memref<10000x128xf32, #tpu.memory_space<vmem_shared>> -> memref<16x128xf32, #tpu.memory_space<vmem_shared>>
        %dma_start3A_202 = arith.constant 9984 : i32
        %dma_start3A_203 = arith.constant 0 : i32
        %dma_start3A_204 = tpu.memref_slice %arg6[%dma_start3A_202, %dma_start3A_203] : memref<10000x128xf32, #tpu.memory_space<vmem_shared>> -> memref<16x128xf32, #tpu.memory_space<vmem_shared>>
        %dma_start3A_205 = arith.constant 0 : i32
        %dma_start3A_206 = arith.constant 0 : i32
        %dma_start3A_207 = tpu.memref_slice %arg13[%dma_start3A_205, %dma_start3A_206] : memref<40x128xf32, #tpu.memory_space<vmem>> -> memref<16x128xf32, #tpu.memory_space<vmem>>
        tpu.enqueue_dma source(%dma_start3A_207 : memref<16x128xf32, #tpu.memory_space<vmem>>) target(%dma_start3A_204 : memref<16x128xf32, #tpu.memory_space<vmem_shared>>) target_semaphore(%run_scoped3A : memref<!tpu.dma_semaphore, #tpu.memory_space<semaphore_mem>>)
        %dma_wait3A_208 = arith.constant 0 : i32
        %dma_wait3A_209 = arith.constant 0 : i32
        %dma_wait3A_210 = tpu.memref_slice %arg13[%dma_wait3A_208, %dma_wait3A_209] : memref<40x128xf32, #tpu.memory_space<vmem>> -> memref<16x128xf32, #tpu.memory_space<vmem>>
        %dma_wait3A_211 = arith.constant 9984 : i32
        %dma_wait3A_212 = arith.constant 0 : i32
        %dma_wait3A_213 = tpu.memref_slice %arg6[%dma_wait3A_211, %dma_wait3A_212] : memref<10000x128xf32, #tpu.memory_space<vmem_shared>> -> memref<16x128xf32, #tpu.memory_space<vmem_shared>>
        %dma_wait3A_214 = arith.constant 9984 : i32
        %dma_wait3A_215 = arith.constant 0 : i32
        %dma_wait3A_216 = tpu.memref_slice %arg6[%dma_wait3A_214, %dma_wait3A_215] : memref<10000x128xf32, #tpu.memory_space<vmem_shared>> -> memref<16x128xf32, #tpu.memory_space<vmem_shared>>
        %dma_wait3A_217 = arith.constant 0 : i32
        %dma_wait3A_218 = arith.constant 0 : i32
        %dma_wait3A_219 = tpu.memref_slice %arg13[%dma_wait3A_217, %dma_wait3A_218] : memref<40x128xf32, #tpu.memory_space<vmem>> -> memref<16x128xf32, #tpu.memory_space<vmem>>
        tpu.wait_dma2 semaphore(%run_scoped3A : memref<!tpu.dma_semaphore, #tpu.memory_space<semaphore_mem>>) src(%dma_wait3A_219 : memref<16x128xf32, #tpu.memory_space<vmem>>) dst(%dma_wait3A_216 : memref<16x128xf32, #tpu.memory_space<vmem_shared>>)
        tpu.yield
      }) : () -> ()
    } else {
    }
    %dma_wait3A = arith.constant 0 : i32
    %dma_wait3A_110 = tpu.memref_slice %arg6[%add3A_7, %dma_wait3A] : memref<10000x128xf32, #tpu.memory_space<vmem_shared>> -> memref<40x128xf32, #tpu.memory_space<vmem_shared>>
    %dma_wait3A_111 = arith.constant 0 : i32
    %dma_wait3A_112 = tpu.memref_slice %arg6[%add3A_7, %dma_wait3A_111] : memref<10000x128xf32, #tpu.memory_space<vmem_shared>> -> memref<40x128xf32, #tpu.memory_space<vmem_shared>>
    tpu.wait_dma2 semaphore(%arg18 : memref<!tpu.dma_semaphore, #tpu.memory_space<semaphore_mem>>) src(%arg13 : memref<40x128xf32, #tpu.memory_space<vmem>>) dst(%dma_wait3A_112 : memref<40x128xf32, #tpu.memory_space<vmem_shared>>)
    %dma_wait3A_113 = arith.constant 0 : i32
    %dma_wait3A_114 = tpu.memref_slice %arg6[%add3A_12, %dma_wait3A_113] : memref<10000x128xf32, #tpu.memory_space<vmem_shared>> -> memref<40x128xf32, #tpu.memory_space<vmem_shared>>
    %dma_wait3A_115 = arith.constant 0 : i32
    %dma_wait3A_116 = tpu.memref_slice %arg6[%add3A_12, %dma_wait3A_115] : memref<10000x128xf32, #tpu.memory_space<vmem_shared>> -> memref<40x128xf32, #tpu.memory_space<vmem_shared>>
    tpu.wait_dma2 semaphore(%arg18 : memref<!tpu.dma_semaphore, #tpu.memory_space<semaphore_mem>>) src(%arg13 : memref<40x128xf32, #tpu.memory_space<vmem>>) dst(%dma_wait3A_116 : memref<40x128xf32, #tpu.memory_space<vmem_shared>>)
    %dma_wait3A_117 = arith.constant 0 : i32
    %dma_wait3A_118 = tpu.memref_slice %arg6[%add3A_18, %dma_wait3A_117] : memref<10000x128xf32, #tpu.memory_space<vmem_shared>> -> memref<40x128xf32, #tpu.memory_space<vmem_shared>>
    %dma_wait3A_119 = arith.constant 0 : i32
    %dma_wait3A_120 = tpu.memref_slice %arg6[%add3A_18, %dma_wait3A_119] : memref<10000x128xf32, #tpu.memory_space<vmem_shared>> -> memref<40x128xf32, #tpu.memory_space<vmem_shared>>
    tpu.wait_dma2 semaphore(%arg18 : memref<!tpu.dma_semaphore, #tpu.memory_space<semaphore_mem>>) src(%arg13 : memref<40x128xf32, #tpu.memory_space<vmem>>) dst(%dma_wait3A_120 : memref<40x128xf32, #tpu.memory_space<vmem_shared>>)
    %dma_wait3A_121 = arith.constant 0 : i32
    %dma_wait3A_122 = tpu.memref_slice %arg6[%add3A_24, %dma_wait3A_121] : memref<10000x128xf32, #tpu.memory_space<vmem_shared>> -> memref<40x128xf32, #tpu.memory_space<vmem_shared>>
    %dma_wait3A_123 = arith.constant 0 : i32
    %dma_wait3A_124 = tpu.memref_slice %arg6[%add3A_24, %dma_wait3A_123] : memref<10000x128xf32, #tpu.memory_space<vmem_shared>> -> memref<40x128xf32, #tpu.memory_space<vmem_shared>>
    tpu.wait_dma2 semaphore(%arg18 : memref<!tpu.dma_semaphore, #tpu.memory_space<semaphore_mem>>) src(%arg13 : memref<40x128xf32, #tpu.memory_space<vmem>>) dst(%dma_wait3A_124 : memref<40x128xf32, #tpu.memory_space<vmem_shared>>)
    %dma_wait3A_125 = arith.constant 0 : i32
    %dma_wait3A_126 = tpu.memref_slice %arg6[%add3A_30, %dma_wait3A_125] : memref<10000x128xf32, #tpu.memory_space<vmem_shared>> -> memref<40x128xf32, #tpu.memory_space<vmem_shared>>
    %dma_wait3A_127 = arith.constant 0 : i32
    %dma_wait3A_128 = tpu.memref_slice %arg6[%add3A_30, %dma_wait3A_127] : memref<10000x128xf32, #tpu.memory_space<vmem_shared>> -> memref<40x128xf32, #tpu.memory_space<vmem_shared>>
    tpu.wait_dma2 semaphore(%arg18 : memref<!tpu.dma_semaphore, #tpu.memory_space<semaphore_mem>>) src(%arg13 : memref<40x128xf32, #tpu.memory_space<vmem>>) dst(%dma_wait3A_128 : memref<40x128xf32, #tpu.memory_space<vmem_shared>>)
    %dma_wait3A_129 = arith.constant 0 : i32
    %dma_wait3A_130 = tpu.memref_slice %arg6[%add3A_36, %dma_wait3A_129] : memref<10000x128xf32, #tpu.memory_space<vmem_shared>> -> memref<40x128xf32, #tpu.memory_space<vmem_shared>>
    %dma_wait3A_131 = arith.constant 0 : i32
    %dma_wait3A_132 = tpu.memref_slice %arg6[%add3A_36, %dma_wait3A_131] : memref<10000x128xf32, #tpu.memory_space<vmem_shared>> -> memref<40x128xf32, #tpu.memory_space<vmem_shared>>
    tpu.wait_dma2 semaphore(%arg18 : memref<!tpu.dma_semaphore, #tpu.memory_space<semaphore_mem>>) src(%arg13 : memref<40x128xf32, #tpu.memory_space<vmem>>) dst(%dma_wait3A_132 : memref<40x128xf32, #tpu.memory_space<vmem_shared>>)
    %dma_wait3A_133 = arith.constant 0 : i32
    %dma_wait3A_134 = tpu.memref_slice %arg6[%add3A_42, %dma_wait3A_133] : memref<10000x128xf32, #tpu.memory_space<vmem_shared>> -> memref<40x128xf32, #tpu.memory_space<vmem_shared>>
    %dma_wait3A_135 = arith.constant 0 : i32
    %dma_wait3A_136 = tpu.memref_slice %arg6[%add3A_42, %dma_wait3A_135] : memref<10000x128xf32, #tpu.memory_space<vmem_shared>> -> memref<40x128xf32, #tpu.memory_space<vmem_shared>>
    tpu.wait_dma2 semaphore(%arg18 : memref<!tpu.dma_semaphore, #tpu.memory_space<semaphore_mem>>) src(%arg13 : memref<40x128xf32, #tpu.memory_space<vmem>>) dst(%dma_wait3A_136 : memref<40x128xf32, #tpu.memory_space<vmem_shared>>)
    %dma_wait3A_137 = arith.constant 0 : i32
    %dma_wait3A_138 = tpu.memref_slice %arg6[%add3A_48, %dma_wait3A_137] : memref<10000x128xf32, #tpu.memory_space<vmem_shared>> -> memref<40x128xf32, #tpu.memory_space<vmem_shared>>
    %dma_wait3A_139 = arith.constant 0 : i32
    %dma_wait3A_140 = tpu.memref_slice %arg6[%add3A_48, %dma_wait3A_139] : memref<10000x128xf32, #tpu.memory_space<vmem_shared>> -> memref<40x128xf32, #tpu.memory_space<vmem_shared>>
    tpu.wait_dma2 semaphore(%arg18 : memref<!tpu.dma_semaphore, #tpu.memory_space<semaphore_mem>>) src(%arg13 : memref<40x128xf32, #tpu.memory_space<vmem>>) dst(%dma_wait3A_140 : memref<40x128xf32, #tpu.memory_space<vmem_shared>>)
    %dma_wait3A_141 = arith.constant 0 : i32
    %dma_wait3A_142 = tpu.memref_slice %arg6[%add3A_54, %dma_wait3A_141] : memref<10000x128xf32, #tpu.memory_space<vmem_shared>> -> memref<40x128xf32, #tpu.memory_space<vmem_shared>>
    %dma_wait3A_143 = arith.constant 0 : i32
    %dma_wait3A_144 = tpu.memref_slice %arg6[%add3A_54, %dma_wait3A_143] : memref<10000x128xf32, #tpu.memory_space<vmem_shared>> -> memref<40x128xf32, #tpu.memory_space<vmem_shared>>
    tpu.wait_dma2 semaphore(%arg18 : memref<!tpu.dma_semaphore, #tpu.memory_space<semaphore_mem>>) src(%arg13 : memref<40x128xf32, #tpu.memory_space<vmem>>) dst(%dma_wait3A_144 : memref<40x128xf32, #tpu.memory_space<vmem_shared>>)
    %dma_wait3A_145 = arith.constant 0 : i32
    %dma_wait3A_146 = tpu.memref_slice %arg6[%add3A_60, %dma_wait3A_145] : memref<10000x128xf32, #tpu.memory_space<vmem_shared>> -> memref<40x128xf32, #tpu.memory_space<vmem_shared>>
    %dma_wait3A_147 = arith.constant 0 : i32
    %dma_wait3A_148 = tpu.memref_slice %arg6[%add3A_60, %dma_wait3A_147] : memref<10000x128xf32, #tpu.memory_space<vmem_shared>> -> memref<40x128xf32, #tpu.memory_space<vmem_shared>>
    tpu.wait_dma2 semaphore(%arg18 : memref<!tpu.dma_semaphore, #tpu.memory_space<semaphore_mem>>) src(%arg13 : memref<40x128xf32, #tpu.memory_space<vmem>>) dst(%dma_wait3A_148 : memref<40x128xf32, #tpu.memory_space<vmem_shared>>)
    %dma_wait3A_149 = arith.constant 0 : i32
    %dma_wait3A_150 = tpu.memref_slice %arg6[%add3A_66, %dma_wait3A_149] : memref<10000x128xf32, #tpu.memory_space<vmem_shared>> -> memref<40x128xf32, #tpu.memory_space<vmem_shared>>
    %dma_wait3A_151 = arith.constant 0 : i32
    %dma_wait3A_152 = tpu.memref_slice %arg6[%add3A_66, %dma_wait3A_151] : memref<10000x128xf32, #tpu.memory_space<vmem_shared>> -> memref<40x128xf32, #tpu.memory_space<vmem_shared>>
    tpu.wait_dma2 semaphore(%arg18 : memref<!tpu.dma_semaphore, #tpu.memory_space<semaphore_mem>>) src(%arg13 : memref<40x128xf32, #tpu.memory_space<vmem>>) dst(%dma_wait3A_152 : memref<40x128xf32, #tpu.memory_space<vmem_shared>>)
    %dma_wait3A_153 = arith.constant 0 : i32
    %dma_wait3A_154 = tpu.memref_slice %arg6[%add3A_72, %dma_wait3A_153] : memref<10000x128xf32, #tpu.memory_space<vmem_shared>> -> memref<40x128xf32, #tpu.memory_space<vmem_shared>>
    %dma_wait3A_155 = arith.constant 0 : i32
    %dma_wait3A_156 = tpu.memref_slice %arg6[%add3A_72, %dma_wait3A_155] : memref<10000x128xf32, #tpu.memory_space<vmem_shared>> -> memref<40x128xf32, #tpu.memory_space<vmem_shared>>
    tpu.wait_dma2 semaphore(%arg18 : memref<!tpu.dma_semaphore, #tpu.memory_space<semaphore_mem>>) src(%arg13 : memref<40x128xf32, #tpu.memory_space<vmem>>) dst(%dma_wait3A_156 : memref<40x128xf32, #tpu.memory_space<vmem_shared>>)
    %dma_wait3A_157 = arith.constant 0 : i32
    %dma_wait3A_158 = tpu.memref_slice %arg6[%add3A_78, %dma_wait3A_157] : memref<10000x128xf32, #tpu.memory_space<vmem_shared>> -> memref<40x128xf32, #tpu.memory_space<vmem_shared>>
    %dma_wait3A_159 = arith.constant 0 : i32
    %dma_wait3A_160 = tpu.memref_slice %arg6[%add3A_78, %dma_wait3A_159] : memref<10000x128xf32, #tpu.memory_space<vmem_shared>> -> memref<40x128xf32, #tpu.memory_space<vmem_shared>>
    tpu.wait_dma2 semaphore(%arg18 : memref<!tpu.dma_semaphore, #tpu.memory_space<semaphore_mem>>) src(%arg13 : memref<40x128xf32, #tpu.memory_space<vmem>>) dst(%dma_wait3A_160 : memref<40x128xf32, #tpu.memory_space<vmem_shared>>)
    %dma_wait3A_161 = arith.constant 0 : i32
    %dma_wait3A_162 = tpu.memref_slice %arg6[%add3A_84, %dma_wait3A_161] : memref<10000x128xf32, #tpu.memory_space<vmem_shared>> -> memref<40x128xf32, #tpu.memory_space<vmem_shared>>
    %dma_wait3A_163 = arith.constant 0 : i32
    %dma_wait3A_164 = tpu.memref_slice %arg6[%add3A_84, %dma_wait3A_163] : memref<10000x128xf32, #tpu.memory_space<vmem_shared>> -> memref<40x128xf32, #tpu.memory_space<vmem_shared>>
    tpu.wait_dma2 semaphore(%arg18 : memref<!tpu.dma_semaphore, #tpu.memory_space<semaphore_mem>>) src(%arg13 : memref<40x128xf32, #tpu.memory_space<vmem>>) dst(%dma_wait3A_164 : memref<40x128xf32, #tpu.memory_space<vmem_shared>>)
    %dma_wait3A_165 = arith.constant 0 : i32
    %dma_wait3A_166 = tpu.memref_slice %arg6[%add3A_90, %dma_wait3A_165] : memref<10000x128xf32, #tpu.memory_space<vmem_shared>> -> memref<40x128xf32, #tpu.memory_space<vmem_shared>>
    %dma_wait3A_167 = arith.constant 0 : i32
    %dma_wait3A_168 = tpu.memref_slice %arg6[%add3A_90, %dma_wait3A_167] : memref<10000x128xf32, #tpu.memory_space<vmem_shared>> -> memref<40x128xf32, #tpu.memory_space<vmem_shared>>
    tpu.wait_dma2 semaphore(%arg18 : memref<!tpu.dma_semaphore, #tpu.memory_space<semaphore_mem>>) src(%arg13 : memref<40x128xf32, #tpu.memory_space<vmem>>) dst(%dma_wait3A_168 : memref<40x128xf32, #tpu.memory_space<vmem_shared>>)
    %dma_wait3A_169 = arith.constant 0 : i32
    %dma_wait3A_170 = arith.constant 0 : i32
    %dma_wait3A_171 = tpu.memref_slice %arg13[%dma_wait3A_169, %dma_wait3A_170] : memref<40x128xf32, #tpu.memory_space<vmem>> -> memref<24x128xf32, #tpu.memory_space<vmem>>
    %dma_wait3A_172 = arith.constant 0 : i32
    %dma_wait3A_173 = tpu.memref_slice %arg6[%sub3A_97, %dma_wait3A_172] : memref<10000x128xf32, #tpu.memory_space<vmem_shared>> -> memref<24x128xf32, #tpu.memory_space<vmem_shared>>
    %dma_wait3A_174 = arith.constant 0 : i32
    %dma_wait3A_175 = tpu.memref_slice %arg6[%sub3A_97, %dma_wait3A_174] : memref<10000x128xf32, #tpu.memory_space<vmem_shared>> -> memref<24x128xf32, #tpu.memory_space<vmem_shared>>
    %dma_wait3A_176 = arith.constant 0 : i32
    %dma_wait3A_177 = arith.constant 0 : i32
    %dma_wait3A_178 = tpu.memref_slice %arg13[%dma_wait3A_176, %dma_wait3A_177] : memref<40x128xf32, #tpu.memory_space<vmem>> -> memref<24x128xf32, #tpu.memory_space<vmem>>
    tpu.wait_dma2 semaphore(%arg18 : memref<!tpu.dma_semaphore, #tpu.memory_space<semaphore_mem>>) src(%dma_wait3A_178 : memref<24x128xf32, #tpu.memory_space<vmem>>) dst(%dma_wait3A_175 : memref<24x128xf32, #tpu.memory_space<vmem_shared>>)
    %barrier3A = arith.constant 0 : index
    tpu.barrier barrier_id(%barrier3A)
    %mul3A_179 = arith.constant 160000 : i32
    %mul3A_180 = arith.muli %arg0, %mul3A_179 : i32
    %mul3A_181 = arith.constant 10000 : i32
    %mul3A_182 = arith.muli %arg1, %mul3A_181 : i32
    %add3A_183 = arith.addi %mul3A_180, %mul3A_182 : i32
    %scan3A_184 = arith.constant 0 : i32
    %scan3A_185 = arith.constant 0 : i32
    %scan3A_186 = arith.constant 50 : i32
    %scan3A_187 = arith.addi %scan3A_185, %scan3A_186 : i32
    %scan3A_188 = arith.constant 1 : i32
    scf.for %scan3A_196 = %scan3A_185 to %scan3A_187 step %scan3A_188  : i32 {
      %mul3A_197 = arith.constant 200 : i32
      %mul3A_198 = arith.muli %scan3A_196, %mul3A_197 : i32
      %add3A_199 = arith.addi %add3A_183, %mul3A_198 : i32
      %multiple_of3A_200 = tpu.assume_multiple %add3A_199, 8 : i32
      %dma_start3A_201 = tpu.memref_slice %arg3[%multiple_of3A_200] : memref<320000xi32, #tpu.memory_space<hbm>> -> memref<200xi32, #tpu.memory_space<hbm>>
      %dma_start3A_202 = tpu.memref_slice %arg3[%multiple_of3A_200] : memref<320000xi32, #tpu.memory_space<hbm>> -> memref<200xi32, #tpu.memory_space<hbm>>
      tpu.enqueue_dma source(%dma_start3A_202 : memref<200xi32, #tpu.memory_space<hbm>>) target(%arg7 : memref<200xi32, #tpu.memory_space<vmem>>) target_semaphore(%arg18 : memref<!tpu.dma_semaphore, #tpu.memory_space<semaphore_mem>>)
      %gt3A = arith.constant 0 : i32
      %gt3A_203 = arith.cmpi sgt, %scan3A_196, %gt3A : i32
      %convert_element_type3A_204 = arith.extui %gt3A_203 : i1 to i32
      %cond3A_205 = arith.constant 0 : i32
      %cond3A_206 = arith.cmpi ne, %convert_element_type3A_204, %cond3A_205 : i32
      scf.if %cond3A_206 {
        tpu.wait_dma2 semaphore(%arg29 : memref<!tpu.dma_semaphore, #tpu.memory_space<semaphore_mem>>) src(%arg2 : memref<10000x128xf32, #tpu.memory_space<hbm>>) dst(%arg13 : memref<40x128xf32, #tpu.memory_space<vmem>>)
      } else {
      }
      %add3A_207 = arith.constant 0 : i32
      %add3A_208 = arith.addi %multiple_of3A_200, %add3A_207 : i32
      %multiple_of3A_209 = tpu.assume_multiple %add3A_208, 8 : i32
      %dma_start3A_210 = tpu.memref_slice %arg4[%multiple_of3A_209] : memref<320000xi32, #tpu.memory_space<hbm>> -> memref<40xi32, #tpu.memory_space<hbm>>
      %dma_start3A_211 = tpu.memref_slice %arg4[%multiple_of3A_209] : memref<320000xi32, #tpu.memory_space<hbm>> -> memref<40xi32, #tpu.memory_space<hbm>>
      tpu.enqueue_dma source(%dma_start3A_211 : memref<40xi32, #tpu.memory_space<hbm>>) target(%arg8 : memref<40xi32, #tpu.memory_space<vmem>>) target_semaphore(%arg19 : memref<!tpu.dma_semaphore, #tpu.memory_space<semaphore_mem>>)
      %gt3A_212 = arith.constant 0 : i32
      %gt3A_213 = arith.cmpi sgt, %scan3A_196, %gt3A_212 : i32
      %convert_element_type3A_214 = arith.extui %gt3A_213 : i1 to i32
      %cond3A_215 = arith.constant 0 : i32
      %cond3A_216 = arith.cmpi ne, %convert_element_type3A_214, %cond3A_215 : i32
      scf.if %cond3A_216 {
        tpu.wait_dma2 semaphore(%arg30 : memref<!tpu.dma_semaphore, #tpu.memory_space<semaphore_mem>>) src(%arg2 : memref<10000x128xf32, #tpu.memory_space<hbm>>) dst(%arg14 : memref<40x128xf32, #tpu.memory_space<vmem>>)
      } else {
      }
      %add3A_217 = arith.constant 40 : i32
      %add3A_218 = arith.addi %multiple_of3A_200, %add3A_217 : i32
      %multiple_of3A_219 = tpu.assume_multiple %add3A_218, 8 : i32
      %dma_start3A_220 = tpu.memref_slice %arg4[%multiple_of3A_219] : memref<320000xi32, #tpu.memory_space<hbm>> -> memref<40xi32, #tpu.memory_space<hbm>>
      %dma_start3A_221 = tpu.memref_slice %arg4[%multiple_of3A_219] : memref<320000xi32, #tpu.memory_space<hbm>> -> memref<40xi32, #tpu.memory_space<hbm>>
      tpu.enqueue_dma source(%dma_start3A_221 : memref<40xi32, #tpu.memory_space<hbm>>) target(%arg9 : memref<40xi32, #tpu.memory_space<vmem>>) target_semaphore(%arg20 : memref<!tpu.dma_semaphore, #tpu.memory_space<semaphore_mem>>)
      %gt3A_222 = arith.constant 0 : i32
      %gt3A_223 = arith.cmpi sgt, %scan3A_196, %gt3A_222 : i32
      %convert_element_type3A_224 = arith.extui %gt3A_223 : i1 to i32
      %cond3A_225 = arith.constant 0 : i32
      %cond3A_226 = arith.cmpi ne, %convert_element_type3A_224, %cond3A_225 : i32
      scf.if %cond3A_226 {
        tpu.wait_dma2 semaphore(%arg31 : memref<!tpu.dma_semaphore, #tpu.memory_space<semaphore_mem>>) src(%arg2 : memref<10000x128xf32, #tpu.memory_space<hbm>>) dst(%arg15 : memref<40x128xf32, #tpu.memory_space<vmem>>)
      } else {
      }
      %add3A_227 = arith.constant 80 : i32
      %add3A_228 = arith.addi %multiple_of3A_200, %add3A_227 : i32
      %multiple_of3A_229 = tpu.assume_multiple %add3A_228, 8 : i32
      %dma_start3A_230 = tpu.memref_slice %arg4[%multiple_of3A_229] : memref<320000xi32, #tpu.memory_space<hbm>> -> memref<40xi32, #tpu.memory_space<hbm>>
      %dma_start3A_231 = tpu.memref_slice %arg4[%multiple_of3A_229] : memref<320000xi32, #tpu.memory_space<hbm>> -> memref<40xi32, #tpu.memory_space<hbm>>
      tpu.enqueue_dma source(%dma_start3A_231 : memref<40xi32, #tpu.memory_space<hbm>>) target(%arg10 : memref<40xi32, #tpu.memory_space<vmem>>) target_semaphore(%arg21 : memref<!tpu.dma_semaphore, #tpu.memory_space<semaphore_mem>>)
      %gt3A_232 = arith.constant 0 : i32
      %gt3A_233 = arith.cmpi sgt, %scan3A_196, %gt3A_232 : i32
      %convert_element_type3A_234 = arith.extui %gt3A_233 : i1 to i32
      %cond3A_235 = arith.constant 0 : i32
      %cond3A_236 = arith.cmpi ne, %convert_element_type3A_234, %cond3A_235 : i32
      scf.if %cond3A_236 {
        tpu.wait_dma2 semaphore(%arg32 : memref<!tpu.dma_semaphore, #tpu.memory_space<semaphore_mem>>) src(%arg2 : memref<10000x128xf32, #tpu.memory_space<hbm>>) dst(%arg16 : memref<40x128xf32, #tpu.memory_space<vmem>>)
      } else {
      }
      %add3A_237 = arith.constant 120 : i32
      %add3A_238 = arith.addi %multiple_of3A_200, %add3A_237 : i32
      %multiple_of3A_239 = tpu.assume_multiple %add3A_238, 8 : i32
      %dma_start3A_240 = tpu.memref_slice %arg4[%multiple_of3A_239] : memref<320000xi32, #tpu.memory_space<hbm>> -> memref<40xi32, #tpu.memory_space<hbm>>
      %dma_start3A_241 = tpu.memref_slice %arg4[%multiple_of3A_239] : memref<320000xi32, #tpu.memory_space<hbm>> -> memref<40xi32, #tpu.memory_space<hbm>>
      tpu.enqueue_dma source(%dma_start3A_241 : memref<40xi32, #tpu.memory_space<hbm>>) target(%arg11 : memref<40xi32, #tpu.memory_space<vmem>>) target_semaphore(%arg22 : memref<!tpu.dma_semaphore, #tpu.memory_space<semaphore_mem>>)
      %gt3A_242 = arith.constant 0 : i32
      %gt3A_243 = arith.cmpi sgt, %scan3A_196, %gt3A_242 : i32
      %convert_element_type3A_244 = arith.extui %gt3A_243 : i1 to i32
      %cond3A_245 = arith.constant 0 : i32
      %cond3A_246 = arith.cmpi ne, %convert_element_type3A_244, %cond3A_245 : i32
      scf.if %cond3A_246 {
        tpu.wait_dma2 semaphore(%arg33 : memref<!tpu.dma_semaphore, #tpu.memory_space<semaphore_mem>>) src(%arg2 : memref<10000x128xf32, #tpu.memory_space<hbm>>) dst(%arg17 : memref<40x128xf32, #tpu.memory_space<vmem>>)
      } else {
      }
      %add3A_247 = arith.constant 160 : i32
      %add3A_248 = arith.addi %multiple_of3A_200, %add3A_247 : i32
      %multiple_of3A_249 = tpu.assume_multiple %add3A_248, 8 : i32
      %dma_start3A_250 = tpu.memref_slice %arg4[%multiple_of3A_249] : memref<320000xi32, #tpu.memory_space<hbm>> -> memref<40xi32, #tpu.memory_space<hbm>>
      %dma_start3A_251 = tpu.memref_slice %arg4[%multiple_of3A_249] : memref<320000xi32, #tpu.memory_space<hbm>> -> memref<40xi32, #tpu.memory_space<hbm>>
      tpu.enqueue_dma source(%dma_start3A_251 : memref<40xi32, #tpu.memory_space<hbm>>) target(%arg12 : memref<40xi32, #tpu.memory_space<vmem>>) target_semaphore(%arg23 : memref<!tpu.dma_semaphore, #tpu.memory_space<semaphore_mem>>)
      %dma_wait3A_252 = tpu.memref_slice %arg3[%multiple_of3A_200] : memref<320000xi32, #tpu.memory_space<hbm>> -> memref<200xi32, #tpu.memory_space<hbm>>
      %dma_wait3A_253 = tpu.memref_slice %arg3[%multiple_of3A_200] : memref<320000xi32, #tpu.memory_space<hbm>> -> memref<200xi32, #tpu.memory_space<hbm>>
      tpu.wait_dma2 semaphore(%arg18 : memref<!tpu.dma_semaphore, #tpu.memory_space<semaphore_mem>>) src(%dma_wait3A_253 : memref<200xi32, #tpu.memory_space<hbm>>) dst(%arg7 : memref<200xi32, #tpu.memory_space<vmem>>)
      %dma_start3A_254 = arith.constant 0 : i32
      %dma_start3A_255 = tpu.memref_slice %arg7[%dma_start3A_254] : memref<200xi32, #tpu.memory_space<vmem>> -> memref<40xi32, #tpu.memory_space<vmem>>
      %dma_start3A_256 = arith.constant 0 : i32
      %dma_start3A_257 = arith.constant 0 : i32
      %dma_start3A_258 = tpu.memref_slice %arg2[%dma_start3A_256, %dma_start3A_257] : memref<10000x128xf32, #tpu.memory_space<hbm>> -> memref<10000x128xf32, #tpu.memory_space<hbm>>
      tpu.enqueue_indirect_dma source(%dma_start3A_258 : memref<10000x128xf32, #tpu.memory_space<hbm>>) target(%arg13 : memref<40x128xf32, #tpu.memory_space<vmem>>) offsets(%dma_start3A_255 : memref<40xi32, #tpu.memory_space<vmem>>) semaphore(%arg24 : memref<!tpu.dma_semaphore, #tpu.memory_space<semaphore_mem>>)
      %dma_start3A_259 = arith.constant 40 : i32
      %dma_start3A_260 = tpu.memref_slice %arg7[%dma_start3A_259] : memref<200xi32, #tpu.memory_space<vmem>> -> memref<40xi32, #tpu.memory_space<vmem>>
      %dma_start3A_261 = arith.constant 0 : i32
      %dma_start3A_262 = arith.constant 0 : i32
      %dma_start3A_263 = tpu.memref_slice %arg2[%dma_start3A_261, %dma_start3A_262] : memref<10000x128xf32, #tpu.memory_space<hbm>> -> memref<10000x128xf32, #tpu.memory_space<hbm>>
      tpu.enqueue_indirect_dma source(%dma_start3A_263 : memref<10000x128xf32, #tpu.memory_space<hbm>>) target(%arg14 : memref<40x128xf32, #tpu.memory_space<vmem>>) offsets(%dma_start3A_260 : memref<40xi32, #tpu.memory_space<vmem>>) semaphore(%arg25 : memref<!tpu.dma_semaphore, #tpu.memory_space<semaphore_mem>>)
      %dma_start3A_264 = arith.constant 80 : i32
      %dma_start3A_265 = tpu.memref_slice %arg7[%dma_start3A_264] : memref<200xi32, #tpu.memory_space<vmem>> -> memref<40xi32, #tpu.memory_space<vmem>>
      %dma_start3A_266 = arith.constant 0 : i32
      %dma_start3A_267 = arith.constant 0 : i32
      %dma_start3A_268 = tpu.memref_slice %arg2[%dma_start3A_266, %dma_start3A_267] : memref<10000x128xf32, #tpu.memory_space<hbm>> -> memref<10000x128xf32, #tpu.memory_space<hbm>>
      tpu.enqueue_indirect_dma source(%dma_start3A_268 : memref<10000x128xf32, #tpu.memory_space<hbm>>) target(%arg15 : memref<40x128xf32, #tpu.memory_space<vmem>>) offsets(%dma_start3A_265 : memref<40xi32, #tpu.memory_space<vmem>>) semaphore(%arg26 : memref<!tpu.dma_semaphore, #tpu.memory_space<semaphore_mem>>)
      %dma_start3A_269 = arith.constant 120 : i32
      %dma_start3A_270 = tpu.memref_slice %arg7[%dma_start3A_269] : memref<200xi32, #tpu.memory_space<vmem>> -> memref<40xi32, #tpu.memory_space<vmem>>
      %dma_start3A_271 = arith.constant 0 : i32
      %dma_start3A_272 = arith.constant 0 : i32
      %dma_start3A_273 = tpu.memref_slice %arg2[%dma_start3A_271, %dma_start3A_272] : memref<10000x128xf32, #tpu.memory_space<hbm>> -> memref<10000x128xf32, #tpu.memory_space<hbm>>
      tpu.enqueue_indirect_dma source(%dma_start3A_273 : memref<10000x128xf32, #tpu.memory_space<hbm>>) target(%arg16 : memref<40x128xf32, #tpu.memory_space<vmem>>) offsets(%dma_start3A_270 : memref<40xi32, #tpu.memory_space<vmem>>) semaphore(%arg27 : memref<!tpu.dma_semaphore, #tpu.memory_space<semaphore_mem>>)
      %dma_start3A_274 = arith.constant 160 : i32
      %dma_start3A_275 = tpu.memref_slice %arg7[%dma_start3A_274] : memref<200xi32, #tpu.memory_space<vmem>> -> memref<40xi32, #tpu.memory_space<vmem>>
      %dma_start3A_276 = arith.constant 0 : i32
      %dma_start3A_277 = arith.constant 0 : i32
      %dma_start3A_278 = tpu.memref_slice %arg2[%dma_start3A_276, %dma_start3A_277] : memref<10000x128xf32, #tpu.memory_space<hbm>> -> memref<10000x128xf32, #tpu.memory_space<hbm>>
      tpu.enqueue_indirect_dma source(%dma_start3A_278 : memref<10000x128xf32, #tpu.memory_space<hbm>>) target(%arg17 : memref<40x128xf32, #tpu.memory_space<vmem>>) offsets(%dma_start3A_275 : memref<40xi32, #tpu.memory_space<vmem>>) semaphore(%arg28 : memref<!tpu.dma_semaphore, #tpu.memory_space<semaphore_mem>>)
      %dma_wait3A_279 = arith.constant 0 : i32
      %dma_wait3A_280 = tpu.memref_slice %arg7[%dma_wait3A_279] : memref<200xi32, #tpu.memory_space<vmem>> -> memref<40xi32, #tpu.memory_space<vmem>>
      %dma_wait3A_281 = arith.constant 0 : i32
      %dma_wait3A_282 = arith.constant 0 : i32
      %dma_wait3A_283 = tpu.memref_slice %arg2[%dma_wait3A_281, %dma_wait3A_282] : memref<10000x128xf32, #tpu.memory_space<hbm>> -> memref<10000x128xf32, #tpu.memory_space<hbm>>
      tpu.wait_indirect_dma semaphore(%arg24 : memref<!tpu.dma_semaphore, #tpu.memory_space<semaphore_mem>>) src(%dma_wait3A_283 : memref<10000x128xf32, #tpu.memory_space<hbm>>) dst(%arg13 : memref<40x128xf32, #tpu.memory_space<vmem>>)
      %dma_wait3A_284 = tpu.memref_slice %arg4[%multiple_of3A_209] : memref<320000xi32, #tpu.memory_space<hbm>> -> memref<40xi32, #tpu.memory_space<hbm>>
      %dma_wait3A_285 = tpu.memref_slice %arg4[%multiple_of3A_209] : memref<320000xi32, #tpu.memory_space<hbm>> -> memref<40xi32, #tpu.memory_space<hbm>>
      tpu.wait_dma2 semaphore(%arg19 : memref<!tpu.dma_semaphore, #tpu.memory_space<semaphore_mem>>) src(%dma_wait3A_285 : memref<40xi32, #tpu.memory_space<hbm>>) dst(%arg8 : memref<40xi32, #tpu.memory_space<vmem>>)
      %dma_start3A_286 = arith.constant 0 : i32
      %dma_start3A_287 = arith.constant 0 : i32
      %dma_start3A_288 = tpu.memref_slice %arg6[%dma_start3A_286, %dma_start3A_287] : memref<10000x128xf32, #tpu.memory_space<vmem_shared>> -> memref<10000x128xf32, #tpu.memory_space<vmem_shared>>
      tpu.enqueue_indirect_dma source(%arg13 : memref<40x128xf32, #tpu.memory_space<vmem>>) target(%dma_start3A_288 : memref<10000x128xf32, #tpu.memory_space<vmem_shared>>) offsets(%arg8 : memref<40xi32, #tpu.memory_space<vmem>>) semaphore(%arg29 : memref<!tpu.dma_semaphore, #tpu.memory_space<semaphore_mem>>) {add = true}
      %dma_wait3A_289 = arith.constant 40 : i32
      %dma_wait3A_290 = tpu.memref_slice %arg7[%dma_wait3A_289] : memref<200xi32, #tpu.memory_space<vmem>> -> memref<40xi32, #tpu.memory_space<vmem>>
      %dma_wait3A_291 = arith.constant 0 : i32
      %dma_wait3A_292 = arith.constant 0 : i32
      %dma_wait3A_293 = tpu.memref_slice %arg2[%dma_wait3A_291, %dma_wait3A_292] : memref<10000x128xf32, #tpu.memory_space<hbm>> -> memref<10000x128xf32, #tpu.memory_space<hbm>>
      tpu.wait_indirect_dma semaphore(%arg25 : memref<!tpu.dma_semaphore, #tpu.memory_space<semaphore_mem>>) src(%dma_wait3A_293 : memref<10000x128xf32, #tpu.memory_space<hbm>>) dst(%arg14 : memref<40x128xf32, #tpu.memory_space<vmem>>)
      %dma_wait3A_294 = tpu.memref_slice %arg4[%multiple_of3A_219] : memref<320000xi32, #tpu.memory_space<hbm>> -> memref<40xi32, #tpu.memory_space<hbm>>
      %dma_wait3A_295 = tpu.memref_slice %arg4[%multiple_of3A_219] : memref<320000xi32, #tpu.memory_space<hbm>> -> memref<40xi32, #tpu.memory_space<hbm>>
      tpu.wait_dma2 semaphore(%arg20 : memref<!tpu.dma_semaphore, #tpu.memory_space<semaphore_mem>>) src(%dma_wait3A_295 : memref<40xi32, #tpu.memory_space<hbm>>) dst(%arg9 : memref<40xi32, #tpu.memory_space<vmem>>)
      %dma_start3A_296 = arith.constant 0 : i32
      %dma_start3A_297 = arith.constant 0 : i32
      %dma_start3A_298 = tpu.memref_slice %arg6[%dma_start3A_296, %dma_start3A_297] : memref<10000x128xf32, #tpu.memory_space<vmem_shared>> -> memref<10000x128xf32, #tpu.memory_space<vmem_shared>>
      tpu.enqueue_indirect_dma source(%arg14 : memref<40x128xf32, #tpu.memory_space<vmem>>) target(%dma_start3A_298 : memref<10000x128xf32, #tpu.memory_space<vmem_shared>>) offsets(%arg9 : memref<40xi32, #tpu.memory_space<vmem>>) semaphore(%arg30 : memref<!tpu.dma_semaphore, #tpu.memory_space<semaphore_mem>>) {add = true}
      %dma_wait3A_299 = arith.constant 80 : i32
      %dma_wait3A_300 = tpu.memref_slice %arg7[%dma_wait3A_299] : memref<200xi32, #tpu.memory_space<vmem>> -> memref<40xi32, #tpu.memory_space<vmem>>
      %dma_wait3A_301 = arith.constant 0 : i32
      %dma_wait3A_302 = arith.constant 0 : i32
      %dma_wait3A_303 = tpu.memref_slice %arg2[%dma_wait3A_301, %dma_wait3A_302] : memref<10000x128xf32, #tpu.memory_space<hbm>> -> memref<10000x128xf32, #tpu.memory_space<hbm>>
      tpu.wait_indirect_dma semaphore(%arg26 : memref<!tpu.dma_semaphore, #tpu.memory_space<semaphore_mem>>) src(%dma_wait3A_303 : memref<10000x128xf32, #tpu.memory_space<hbm>>) dst(%arg15 : memref<40x128xf32, #tpu.memory_space<vmem>>)
      %dma_wait3A_304 = tpu.memref_slice %arg4[%multiple_of3A_229] : memref<320000xi32, #tpu.memory_space<hbm>> -> memref<40xi32, #tpu.memory_space<hbm>>
      %dma_wait3A_305 = tpu.memref_slice %arg4[%multiple_of3A_229] : memref<320000xi32, #tpu.memory_space<hbm>> -> memref<40xi32, #tpu.memory_space<hbm>>
      tpu.wait_dma2 semaphore(%arg21 : memref<!tpu.dma_semaphore, #tpu.memory_space<semaphore_mem>>) src(%dma_wait3A_305 : memref<40xi32, #tpu.memory_space<hbm>>) dst(%arg10 : memref<40xi32, #tpu.memory_space<vmem>>)
      %dma_start3A_306 = arith.constant 0 : i32
      %dma_start3A_307 = arith.constant 0 : i32
      %dma_start3A_308 = tpu.memref_slice %arg6[%dma_start3A_306, %dma_start3A_307] : memref<10000x128xf32, #tpu.memory_space<vmem_shared>> -> memref<10000x128xf32, #tpu.memory_space<vmem_shared>>
      tpu.enqueue_indirect_dma source(%arg15 : memref<40x128xf32, #tpu.memory_space<vmem>>) target(%dma_start3A_308 : memref<10000x128xf32, #tpu.memory_space<vmem_shared>>) offsets(%arg10 : memref<40xi32, #tpu.memory_space<vmem>>) semaphore(%arg31 : memref<!tpu.dma_semaphore, #tpu.memory_space<semaphore_mem>>) {add = true}
      %dma_wait3A_309 = arith.constant 120 : i32
      %dma_wait3A_310 = tpu.memref_slice %arg7[%dma_wait3A_309] : memref<200xi32, #tpu.memory_space<vmem>> -> memref<40xi32, #tpu.memory_space<vmem>>
      %dma_wait3A_311 = arith.constant 0 : i32
      %dma_wait3A_312 = arith.constant 0 : i32
      %dma_wait3A_313 = tpu.memref_slice %arg2[%dma_wait3A_311, %dma_wait3A_312] : memref<10000x128xf32, #tpu.memory_space<hbm>> -> memref<10000x128xf32, #tpu.memory_space<hbm>>
      tpu.wait_indirect_dma semaphore(%arg27 : memref<!tpu.dma_semaphore, #tpu.memory_space<semaphore_mem>>) src(%dma_wait3A_313 : memref<10000x128xf32, #tpu.memory_space<hbm>>) dst(%arg16 : memref<40x128xf32, #tpu.memory_space<vmem>>)
      %dma_wait3A_314 = tpu.memref_slice %arg4[%multiple_of3A_239] : memref<320000xi32, #tpu.memory_space<hbm>> -> memref<40xi32, #tpu.memory_space<hbm>>
      %dma_wait3A_315 = tpu.memref_slice %arg4[%multiple_of3A_239] : memref<320000xi32, #tpu.memory_space<hbm>> -> memref<40xi32, #tpu.memory_space<hbm>>
      tpu.wait_dma2 semaphore(%arg22 : memref<!tpu.dma_semaphore, #tpu.memory_space<semaphore_mem>>) src(%dma_wait3A_315 : memref<40xi32, #tpu.memory_space<hbm>>) dst(%arg11 : memref<40xi32, #tpu.memory_space<vmem>>)
      %dma_start3A_316 = arith.constant 0 : i32
      %dma_start3A_317 = arith.constant 0 : i32
      %dma_start3A_318 = tpu.memref_slice %arg6[%dma_start3A_316, %dma_start3A_317] : memref<10000x128xf32, #tpu.memory_space<vmem_shared>> -> memref<10000x128xf32, #tpu.memory_space<vmem_shared>>
      tpu.enqueue_indirect_dma source(%arg16 : memref<40x128xf32, #tpu.memory_space<vmem>>) target(%dma_start3A_318 : memref<10000x128xf32, #tpu.memory_space<vmem_shared>>) offsets(%arg11 : memref<40xi32, #tpu.memory_space<vmem>>) semaphore(%arg32 : memref<!tpu.dma_semaphore, #tpu.memory_space<semaphore_mem>>) {add = true}
      %dma_wait3A_319 = arith.constant 160 : i32
      %dma_wait3A_320 = tpu.memref_slice %arg7[%dma_wait3A_319] : memref<200xi32, #tpu.memory_space<vmem>> -> memref<40xi32, #tpu.memory_space<vmem>>
      %dma_wait3A_321 = arith.constant 0 : i32
      %dma_wait3A_322 = arith.constant 0 : i32
      %dma_wait3A_323 = tpu.memref_slice %arg2[%dma_wait3A_321, %dma_wait3A_322] : memref<10000x128xf32, #tpu.memory_space<hbm>> -> memref<10000x128xf32, #tpu.memory_space<hbm>>
      tpu.wait_indirect_dma semaphore(%arg28 : memref<!tpu.dma_semaphore, #tpu.memory_space<semaphore_mem>>) src(%dma_wait3A_323 : memref<10000x128xf32, #tpu.memory_space<hbm>>) dst(%arg17 : memref<40x128xf32, #tpu.memory_space<vmem>>)
      %dma_wait3A_324 = tpu.memref_slice %arg4[%multiple_of3A_249] : memref<320000xi32, #tpu.memory_space<hbm>> -> memref<40xi32, #tpu.memory_space<hbm>>
      %dma_wait3A_325 = tpu.memref_slice %arg4[%multiple_of3A_249] : memref<320000xi32, #tpu.memory_space<hbm>> -> memref<40xi32, #tpu.memory_space<hbm>>
      tpu.wait_dma2 semaphore(%arg23 : memref<!tpu.dma_semaphore, #tpu.memory_space<semaphore_mem>>) src(%dma_wait3A_325 : memref<40xi32, #tpu.memory_space<hbm>>) dst(%arg12 : memref<40xi32, #tpu.memory_space<vmem>>)
      %dma_start3A_326 = arith.constant 0 : i32
      %dma_start3A_327 = arith.constant 0 : i32
      %dma_start3A_328 = tpu.memref_slice %arg6[%dma_start3A_326, %dma_start3A_327] : memref<10000x128xf32, #tpu.memory_space<vmem_shared>> -> memref<10000x128xf32, #tpu.memory_space<vmem_shared>>
      tpu.enqueue_indirect_dma source(%arg17 : memref<40x128xf32, #tpu.memory_space<vmem>>) target(%dma_start3A_328 : memref<10000x128xf32, #tpu.memory_space<vmem_shared>>) offsets(%arg12 : memref<40xi32, #tpu.memory_space<vmem>>) semaphore(%arg33 : memref<!tpu.dma_semaphore, #tpu.memory_space<semaphore_mem>>) {add = true}
    }
    %scan3A_189 = arith.constant 50 : i32
    tpu.wait_dma2 semaphore(%arg29 : memref<!tpu.dma_semaphore, #tpu.memory_space<semaphore_mem>>) src(%arg2 : memref<10000x128xf32, #tpu.memory_space<hbm>>) dst(%arg13 : memref<40x128xf32, #tpu.memory_space<vmem>>)
    tpu.wait_dma2 semaphore(%arg30 : memref<!tpu.dma_semaphore, #tpu.memory_space<semaphore_mem>>) src(%arg2 : memref<10000x128xf32, #tpu.memory_space<hbm>>) dst(%arg14 : memref<40x128xf32, #tpu.memory_space<vmem>>)
    tpu.wait_dma2 semaphore(%arg31 : memref<!tpu.dma_semaphore, #tpu.memory_space<semaphore_mem>>) src(%arg2 : memref<10000x128xf32, #tpu.memory_space<hbm>>) dst(%arg15 : memref<40x128xf32, #tpu.memory_space<vmem>>)
    tpu.wait_dma2 semaphore(%arg32 : memref<!tpu.dma_semaphore, #tpu.memory_space<semaphore_mem>>) src(%arg2 : memref<10000x128xf32, #tpu.memory_space<hbm>>) dst(%arg16 : memref<40x128xf32, #tpu.memory_space<vmem>>)
    tpu.wait_dma2 semaphore(%arg33 : memref<!tpu.dma_semaphore, #tpu.memory_space<semaphore_mem>>) src(%arg2 : memref<10000x128xf32, #tpu.memory_space<hbm>>) dst(%arg17 : memref<40x128xf32, #tpu.memory_space<vmem>>)
    %barrier3A_190 = arith.constant 0 : index
    tpu.barrier barrier_id(%barrier3A_190)
    "tpu.region"() ({
      %run_scoped3A = tpu.sem_alloc : memref<!tpu.dma_semaphore, #tpu.memory_space<semaphore_mem>>
      %dma_start3A_196 = arith.constant 0 : i32
      %dma_start3A_197 = tpu.memref_slice %arg5[%arg0, %multiple_of3A, %dma_start3A_196] : memref<2x10000x128xf32, #tpu.memory_space<hbm>> -> memref<1x624x128xf32, #tpu.memory_space<hbm>>
      %dma_start3A_198 = tpu.memref_squeeze %dma_start3A_197 : memref<1x624x128xf32, #tpu.memory_space<hbm>> -> memref<624x128xf32, #tpu.memory_space<hbm>>
      %dma_start3A_199 = arith.constant 0 : i32
      %dma_start3A_200 = tpu.memref_slice %arg6[%multiple_of3A, %dma_start3A_199] : memref<10000x128xf32, #tpu.memory_space<vmem_shared>> -> memref<624x128xf32, #tpu.memory_space<vmem_shared>>
      tpu.enqueue_dma source(%dma_start3A_200 : memref<624x128xf32, #tpu.memory_space<vmem_shared>>) target(%dma_start3A_198 : memref<624x128xf32, #tpu.memory_space<hbm>>) target_semaphore(%run_scoped3A : memref<!tpu.dma_semaphore, #tpu.memory_space<semaphore_mem>>)
      %dma_wait3A_201 = arith.constant 0 : i32
      %dma_wait3A_202 = tpu.memref_slice %arg5[%arg0, %multiple_of3A, %dma_wait3A_201] : memref<2x10000x128xf32, #tpu.memory_space<hbm>> -> memref<1x624x128xf32, #tpu.memory_space<hbm>>
      %dma_wait3A_203 = tpu.memref_squeeze %dma_wait3A_202 : memref<1x624x128xf32, #tpu.memory_space<hbm>> -> memref<624x128xf32, #tpu.memory_space<hbm>>
      %dma_wait3A_204 = arith.constant 0 : i32
      %dma_wait3A_205 = tpu.memref_slice %arg6[%multiple_of3A, %dma_wait3A_204] : memref<10000x128xf32, #tpu.memory_space<vmem_shared>> -> memref<624x128xf32, #tpu.memory_space<vmem_shared>>
      tpu.wait_dma2 semaphore(%run_scoped3A : memref<!tpu.dma_semaphore, #tpu.memory_space<semaphore_mem>>) src(%dma_wait3A_205 : memref<624x128xf32, #tpu.memory_space<vmem_shared>>) dst(%dma_wait3A_203 : memref<624x128xf32, #tpu.memory_space<hbm>>)
      tpu.yield
    }) : () -> ()
    %eq3A_191 = arith.constant 15 : i32
    %eq3A_192 = arith.cmpi eq, %arg1, %eq3A_191 : i32
    %convert_element_type3A_193 = arith.extui %eq3A_192 : i1 to i32
    %cond3A_194 = arith.constant 0 : i32
    %cond3A_195 = arith.cmpi ne, %convert_element_type3A_193, %cond3A_194 : i32
    scf.if %cond3A_195 {
      "tpu.region"() ({
        %run_scoped3A = tpu.sem_alloc : memref<!tpu.dma_semaphore, #tpu.memory_space<semaphore_mem>>
        %dma_start3A_196 = arith.constant 9984 : i32
        %dma_start3A_197 = arith.constant 0 : i32
        %dma_start3A_198 = tpu.memref_slice %arg5[%arg0, %dma_start3A_196, %dma_start3A_197] : memref<2x10000x128xf32, #tpu.memory_space<hbm>> -> memref<1x16x128xf32, #tpu.memory_space<hbm>>
        %dma_start3A_199 = tpu.memref_squeeze %dma_start3A_198 : memref<1x16x128xf32, #tpu.memory_space<hbm>> -> memref<16x128xf32, #tpu.memory_space<hbm>>
        %dma_start3A_200 = arith.constant 9984 : i32
        %dma_start3A_201 = arith.constant 0 : i32
        %dma_start3A_202 = tpu.memref_slice %arg6[%dma_start3A_200, %dma_start3A_201] : memref<10000x128xf32, #tpu.memory_space<vmem_shared>> -> memref<16x128xf32, #tpu.memory_space<vmem_shared>>
        tpu.enqueue_dma source(%dma_start3A_202 : memref<16x128xf32, #tpu.memory_space<vmem_shared>>) target(%dma_start3A_199 : memref<16x128xf32, #tpu.memory_space<hbm>>) target_semaphore(%run_scoped3A : memref<!tpu.dma_semaphore, #tpu.memory_space<semaphore_mem>>)
        %dma_wait3A_203 = arith.constant 9984 : i32
        %dma_wait3A_204 = arith.constant 0 : i32
        %dma_wait3A_205 = tpu.memref_slice %arg5[%arg0, %dma_wait3A_203, %dma_wait3A_204] : memref<2x10000x128xf32, #tpu.memory_space<hbm>> -> memref<1x16x128xf32, #tpu.memory_space<hbm>>
        %dma_wait3A_206 = tpu.memref_squeeze %dma_wait3A_205 : memref<1x16x128xf32, #tpu.memory_space<hbm>> -> memref<16x128xf32, #tpu.memory_space<hbm>>
        %dma_wait3A_207 = arith.constant 9984 : i32
        %dma_wait3A_208 = arith.constant 0 : i32
        %dma_wait3A_209 = tpu.memref_slice %arg6[%dma_wait3A_207, %dma_wait3A_208] : memref<10000x128xf32, #tpu.memory_space<vmem_shared>> -> memref<16x128xf32, #tpu.memory_space<vmem_shared>>
        tpu.wait_dma2 semaphore(%run_scoped3A : memref<!tpu.dma_semaphore, #tpu.memory_space<semaphore_mem>>) src(%dma_wait3A_209 : memref<16x128xf32, #tpu.memory_space<vmem_shared>>) dst(%dma_wait3A_206 : memref<16x128xf32, #tpu.memory_space<hbm>>)
        tpu.yield
      }) : () -> ()
    } else {
    }
    return
  }
}

module attributes {stable_mosaic.version = 14 : i64} {
  func.func @_pre_body(%arg0: i32, %arg1: memref<2000x128xf32, #tpu.memory_space<vmem>>, %arg2: memref<128x128xf32, #tpu.memory_space<vmem>>, %arg3: memref<128x128xf32, #tpu.memory_space<vmem>>, %arg4: memref<1x128xf32, #tpu.memory_space<vmem>>, %arg5: memref<2000x128xf32, #tpu.memory_space<vmem>>, %arg6: memref<2000x128xf32, #tpu.memory_space<vmem>>) attributes {dimension_semantics = [#tpu.dimension_semantics<arbitrary>], iteration_bounds = array<i64: 5>, scalar_prefetch = 0 : i64, scratch_operands = 0 : i64, tpu.core_type = #tpu.core_type<tc>, window_params = [{transform_indices = @transform_0, window_bounds = array<i64: 2000, 128>}, {pipeline_mode = #tpu.pipeline_mode<synchronous>, transform_indices = @transform_1, window_bounds = array<i64: 128, 128>}, {pipeline_mode = #tpu.pipeline_mode<synchronous>, transform_indices = @transform_2, window_bounds = array<i64: 128, 128>}, {pipeline_mode = #tpu.pipeline_mode<synchronous>, transform_indices = @transform_3, window_bounds = array<i64: 1, 128>}, {transform_indices = @transform_4, window_bounds = array<i64: 2000, 128>}, {transform_indices = @transform_5, window_bounds = array<i64: 2000, 128>}]} {
    %get3A = arith.constant 0 : index
    %get3A_0 = arith.constant 0 : index
    %get3A_1 = vector.load %arg1[%get3A, %get3A_0] : memref<2000x128xf32, #tpu.memory_space<vmem>>, vector<2000x128xf32>
    %get3A_2 = arith.constant 0 : index
    %get3A_3 = arith.constant 0 : index
    %get3A_4 = vector.load %arg2[%get3A_2, %get3A_3] : memref<128x128xf32, #tpu.memory_space<vmem>>, vector<128x128xf32>
    %dot_general3A = arith.constant dense<0.000000e+00> : vector<2000x128xf32>
    %dot_general3A_5 = tpu.matmul %get3A_1, %get3A_4, %dot_general3A {dimension_numbers = #tpu.dot_dimension_numbers<[1], [1], [0], [0], [0, 0, 1, 0], [], []>, transpose_lhs_hint = false} : vector<2000x128xf32>, vector<128x128xf32>, vector<2000x128xf32> -> vector<2000x128xf32>
    %swap3A = arith.constant 0 : index
    %swap3A_6 = arith.constant 0 : index
    %swap3A_7 = vector.load %arg5[%swap3A, %swap3A_6] : memref<2000x128xf32, #tpu.memory_space<vmem>>, vector<2000x128xf32>
    tpu.vector_store %arg5[%swap3A, %swap3A_6], %dot_general3A_5 {strides = array<i32>} : memref<2000x128xf32, #tpu.memory_space<vmem>>, vector<2000x128xf32>,
    %get3A_8 = arith.constant 0 : index
    %get3A_9 = arith.constant 0 : index
    %get3A_10 = vector.load %arg3[%get3A_8, %get3A_9] : memref<128x128xf32, #tpu.memory_space<vmem>>, vector<128x128xf32>
    %dot_general3A_11 = arith.constant dense<0.000000e+00> : vector<2000x128xf32>
    %dot_general3A_12 = tpu.matmul %get3A_1, %get3A_10, %dot_general3A_11 {dimension_numbers = #tpu.dot_dimension_numbers<[1], [1], [0], [0], [0, 0, 1, 0], [], []>, transpose_lhs_hint = false} : vector<2000x128xf32>, vector<128x128xf32>, vector<2000x128xf32> -> vector<2000x128xf32>
    %get3A_13 = arith.constant 0 : index
    %get3A_14 = arith.constant 0 : index
    %get3A_15 = vector.load %arg4[%get3A_13, %get3A_14] : memref<1x128xf32, #tpu.memory_space<vmem>>, vector<1x128xf32>
    %add3A = vector.broadcast %get3A_15 : vector<1x128xf32> to vector<2000x128xf32>
    %add3A_16 = arith.addf %dot_general3A_12, %add3A : vector<2000x128xf32>
    %swap3A_17 = arith.constant 0 : index
    %swap3A_18 = arith.constant 0 : index
    %swap3A_19 = vector.load %arg6[%swap3A_17, %swap3A_18] : memref<2000x128xf32, #tpu.memory_space<vmem>>, vector<2000x128xf32>
    tpu.vector_store %arg6[%swap3A_17, %swap3A_18], %add3A_16 {strides = array<i32>} : memref<2000x128xf32, #tpu.memory_space<vmem>>, vector<2000x128xf32>,
    return
  }
  func.func @transform_0(%arg0: i32) -> (i32, i32) {
    %c0_i32 = arith.constant 0 : i32
    %c0_i32_0 = arith.constant 0 : i32
    return %arg0, %c0_i32 : i32, i32
  }
  func.func @transform_1(%arg0: i32) -> (i32, i32) {
    %c0_i32 = arith.constant 0 : i32
    %c0_i32_0 = arith.constant 0 : i32
    %c0_i32_1 = arith.constant 0 : i32
    return %c0_i32, %c0_i32_0 : i32, i32
  }
  func.func @transform_2(%arg0: i32) -> (i32, i32) {
    %c0_i32 = arith.constant 0 : i32
    %c0_i32_0 = arith.constant 0 : i32
    %c0_i32_1 = arith.constant 0 : i32
    return %c0_i32, %c0_i32_0 : i32, i32
  }
  func.func @transform_3(%arg0: i32) -> (i32, i32) {
    %c0_i32 = arith.constant 0 : i32
    %c0_i32_0 = arith.constant 0 : i32
    %c0_i32_1 = arith.constant 0 : i32
    return %c0_i32, %c0_i32_0 : i32, i32
  }
  func.func @transform_4(%arg0: i32) -> (i32, i32) {
    %c0_i32 = arith.constant 0 : i32
    %c0_i32_0 = arith.constant 0 : i32
    return %arg0, %c0_i32 : i32, i32
  }
  func.func @transform_5(%arg0: i32) -> (i32, i32) {
    %c0_i32 = arith.constant 0 : i32
    %c0_i32_0 = arith.constant 0 : i32
    return %arg0, %c0_i32 : i32, i32
  }
}

module attributes {stable_mosaic.version = 14 : i64} {
  func.func @_degsum_body(%arg0: memref<32x10000xf32, #tpu.memory_space<vmem>>, %arg1: memref<10000x1xf32, #tpu.memory_space<vmem>>) attributes {dimension_semantics = [], scalar_prefetch = 0 : i64, scratch_operands = 0 : i64, tpu.core_type = #tpu.core_type<tc>} {
    %get3A = arith.constant 0 : index
    %get3A_0 = arith.constant 0 : index
    %get3A_1 = vector.load %arg0[%get3A, %get3A_0] : memref<32x10000xf32, #tpu.memory_space<vmem>>, vector<32x10000xf32>
    %reduce_sum3A = arith.constant dense<0.000000e+00> : vector<10000xf32>
    %reduce_sum3A_2 = vector.multi_reduction <add>, %get3A_1, %reduce_sum3A [0] : vector<32x10000xf32> to vector<10000xf32>
    %max3A = arith.constant 1.000000e+00 : f32
    %max3A_3 = vector.broadcast %max3A : f32 to vector<10000xf32>
    %max3A_4 = arith.maximumf %reduce_sum3A_2, %max3A_3 : vector<10000xf32>
    %div3A = arith.constant 1.000000e+00 : f32
    %div3A_5 = vector.broadcast %div3A : f32 to vector<10000xf32>
    %div3A_6 = arith.divf %div3A_5, %max3A_4 : vector<10000xf32>
    %broadcast_in_dim3A = vector.shape_cast %div3A_6 : vector<10000xf32> to vector<10000x1xf32>
    %swap3A = arith.constant 0 : index
    %swap3A_7 = arith.constant 0 : index
    %swap3A_8 = vector.load %arg1[%swap3A, %swap3A_7] : memref<10000x1xf32, #tpu.memory_space<vmem>>, vector<10000x1xf32>
    tpu.vector_store %arg1[%swap3A, %swap3A_7], %broadcast_in_dim3A {strides = array<i32>} : memref<10000x1xf32, #tpu.memory_space<vmem>>, vector<10000x1xf32>,
    return
  }
}

module attributes {stable_mosaic.version = 14 : i64} {
  func.func @_mid_body(%arg0: i32, %arg1: memref<2x2000x128xf32, #tpu.memory_space<vmem>>, %arg2: memref<2000x1xf32, #tpu.memory_space<vmem>>, %arg3: memref<2000x128xf32, #tpu.memory_space<vmem>>, %arg4: memref<128x128xf32, #tpu.memory_space<vmem>>, %arg5: memref<128x128xf32, #tpu.memory_space<vmem>>, %arg6: memref<1x128xf32, #tpu.memory_space<vmem>>, %arg7: memref<2000x128xf32, #tpu.memory_space<vmem>>, %arg8: memref<2000x128xf32, #tpu.memory_space<vmem>>) attributes {dimension_semantics = [#tpu.dimension_semantics<arbitrary>], iteration_bounds = array<i64: 5>, scalar_prefetch = 0 : i64, scratch_operands = 0 : i64, tpu.core_type = #tpu.core_type<tc>, window_params = [{transform_indices = @transform_0, window_bounds = array<i64: 2, 2000, 128>}, {transform_indices = @transform_1, window_bounds = array<i64: 2000, 1>}, {transform_indices = @transform_2, window_bounds = array<i64: 2000, 128>}, {pipeline_mode = #tpu.pipeline_mode<synchronous>, transform_indices = @transform_3, window_bounds = array<i64: 128, 128>}, {pipeline_mode = #tpu.pipeline_mode<synchronous>, transform_indices = @transform_4, window_bounds = array<i64: 128, 128>}, {pipeline_mode = #tpu.pipeline_mode<synchronous>, transform_indices = @transform_5, window_bounds = array<i64: 1, 128>}, {transform_indices = @transform_6, window_bounds = array<i64: 2000, 128>}, {transform_indices = @transform_7, window_bounds = array<i64: 2000, 128>}]} {
    %get3A = arith.constant 0 : index
    %get3A_0 = arith.constant 0 : index
    %get3A_1 = vector.load %arg2[%get3A, %get3A_0] : memref<2000x1xf32, #tpu.memory_space<vmem>>, vector<2000x1xf32>
    %get3A_2 = arith.constant 0 : index
    %get3A_3 = arith.constant 0 : index
    %get3A_4 = arith.constant 0 : index
    %get3A_5 = vector.load %arg1[%get3A_2, %get3A_3, %get3A_4] : memref<2x2000x128xf32, #tpu.memory_space<vmem>>, vector<1x2000x128xf32>
    %get3A_6 = vector.shape_cast %get3A_5 : vector<1x2000x128xf32> to vector<2000x128xf32>
    %get3A_7 = arith.constant 1 : index
    %get3A_8 = arith.constant 0 : index
    %get3A_9 = arith.constant 0 : index
    %get3A_10 = vector.load %arg1[%get3A_7, %get3A_8, %get3A_9] : memref<2x2000x128xf32, #tpu.memory_space<vmem>>, vector<1x2000x128xf32>
    %get3A_11 = vector.shape_cast %get3A_10 : vector<1x2000x128xf32> to vector<2000x128xf32>
    %add3A = arith.addf %get3A_6, %get3A_11 : vector<2000x128xf32>
    %mul3A = vector.broadcast %get3A_1 : vector<2000x1xf32> to vector<2000x128xf32>
    %mul3A_12 = arith.mulf %add3A, %mul3A : vector<2000x128xf32>
    %get3A_13 = arith.constant 0 : index
    %get3A_14 = arith.constant 0 : index
    %get3A_15 = vector.load %arg3[%get3A_13, %get3A_14] : memref<2000x128xf32, #tpu.memory_space<vmem>>, vector<2000x128xf32>
    %add3A_16 = arith.addf %mul3A_12, %get3A_15 : vector<2000x128xf32>
    %max3A = arith.constant 0.000000e+00 : f32
    %max3A_17 = vector.broadcast %max3A : f32 to vector<2000x128xf32>
    %max3A_18 = arith.maximumf %add3A_16, %max3A_17 : vector<2000x128xf32>
    %get3A_19 = arith.constant 0 : index
    %get3A_20 = arith.constant 0 : index
    %get3A_21 = vector.load %arg4[%get3A_19, %get3A_20] : memref<128x128xf32, #tpu.memory_space<vmem>>, vector<128x128xf32>
    %dot_general3A = arith.constant dense<0.000000e+00> : vector<2000x128xf32>
    %dot_general3A_22 = tpu.matmul %max3A_18, %get3A_21, %dot_general3A {dimension_numbers = #tpu.dot_dimension_numbers<[1], [1], [0], [0], [0, 0, 1, 0], [], []>, transpose_lhs_hint = false} : vector<2000x128xf32>, vector<128x128xf32>, vector<2000x128xf32> -> vector<2000x128xf32>
    %swap3A = arith.constant 0 : index
    %swap3A_23 = arith.constant 0 : index
    %swap3A_24 = vector.load %arg7[%swap3A, %swap3A_23] : memref<2000x128xf32, #tpu.memory_space<vmem>>, vector<2000x128xf32>
    tpu.vector_store %arg7[%swap3A, %swap3A_23], %dot_general3A_22 {strides = array<i32>} : memref<2000x128xf32, #tpu.memory_space<vmem>>, vector<2000x128xf32>,
    %get3A_25 = arith.constant 0 : index
    %get3A_26 = arith.constant 0 : index
    %get3A_27 = vector.load %arg5[%get3A_25, %get3A_26] : memref<128x128xf32, #tpu.memory_space<vmem>>, vector<128x128xf32>
    %dot_general3A_28 = arith.constant dense<0.000000e+00> : vector<2000x128xf32>
    %dot_general3A_29 = tpu.matmul %max3A_18, %get3A_27, %dot_general3A_28 {dimension_numbers = #tpu.dot_dimension_numbers<[1], [1], [0], [0], [0, 0, 1, 0], [], []>, transpose_lhs_hint = false} : vector<2000x128xf32>, vector<128x128xf32>, vector<2000x128xf32> -> vector<2000x128xf32>
    %get3A_30 = arith.constant 0 : index
    %get3A_31 = arith.constant 0 : index
    %get3A_32 = vector.load %arg6[%get3A_30, %get3A_31] : memref<1x128xf32, #tpu.memory_space<vmem>>, vector<1x128xf32>
    %add3A_33 = vector.broadcast %get3A_32 : vector<1x128xf32> to vector<2000x128xf32>
    %add3A_34 = arith.addf %dot_general3A_29, %add3A_33 : vector<2000x128xf32>
    %swap3A_35 = arith.constant 0 : index
    %swap3A_36 = arith.constant 0 : index
    %swap3A_37 = vector.load %arg8[%swap3A_35, %swap3A_36] : memref<2000x128xf32, #tpu.memory_space<vmem>>, vector<2000x128xf32>
    tpu.vector_store %arg8[%swap3A_35, %swap3A_36], %add3A_34 {strides = array<i32>} : memref<2000x128xf32, #tpu.memory_space<vmem>>, vector<2000x128xf32>,
    return
  }
  func.func @transform_0(%arg0: i32) -> (i32, i32, i32) {
    %c0_i32 = arith.constant 0 : i32
    %c0_i32_0 = arith.constant 0 : i32
    %c0_i32_1 = arith.constant 0 : i32
    return %c0_i32, %arg0, %c0_i32_0 : i32, i32, i32
  }
  func.func @transform_1(%arg0: i32) -> (i32, i32) {
    %c0_i32 = arith.constant 0 : i32
    %c0_i32_0 = arith.constant 0 : i32
    return %arg0, %c0_i32 : i32, i32
  }
  func.func @transform_2(%arg0: i32) -> (i32, i32) {
    %c0_i32 = arith.constant 0 : i32
    %c0_i32_0 = arith.constant 0 : i32
    return %arg0, %c0_i32 : i32, i32
  }
  func.func @transform_3(%arg0: i32) -> (i32, i32) {
    %c0_i32 = arith.constant 0 : i32
    %c0_i32_0 = arith.constant 0 : i32
    %c0_i32_1 = arith.constant 0 : i32
    return %c0_i32, %c0_i32_0 : i32, i32
  }
  func.func @transform_4(%arg0: i32) -> (i32, i32) {
    %c0_i32 = arith.constant 0 : i32
    %c0_i32_0 = arith.constant 0 : i32
    %c0_i32_1 = arith.constant 0 : i32
    return %c0_i32, %c0_i32_0 : i32, i32
  }
  func.func @transform_5(%arg0: i32) -> (i32, i32) {
    %c0_i32 = arith.constant 0 : i32
    %c0_i32_0 = arith.constant 0 : i32
    %c0_i32_1 = arith.constant 0 : i32
    return %c0_i32, %c0_i32_0 : i32, i32
  }
  func.func @transform_6(%arg0: i32) -> (i32, i32) {
    %c0_i32 = arith.constant 0 : i32
    %c0_i32_0 = arith.constant 0 : i32
    return %arg0, %c0_i32 : i32, i32
  }
  func.func @transform_7(%arg0: i32) -> (i32, i32) {
    %c0_i32 = arith.constant 0 : i32
    %c0_i32_0 = arith.constant 0 : i32
    return %arg0, %c0_i32 : i32, i32
  }
}

module attributes {stable_mosaic.version = 14 : i64} {
  func.func @_post_body(%arg0: i32, %arg1: memref<2x2000x128xf32, #tpu.memory_space<vmem>>, %arg2: memref<2000x1xf32, #tpu.memory_space<vmem>>, %arg3: memref<2000x128xf32, #tpu.memory_space<vmem>>, %arg4: memref<128x128xf32, #tpu.memory_space<vmem>>, %arg5: memref<1x128xf32, #tpu.memory_space<vmem>>, %arg6: memref<2000x128xf32, #tpu.memory_space<vmem>>, %arg7: memref<2000x128xf32, #tpu.memory_space<vmem>>) attributes {dimension_semantics = [#tpu.dimension_semantics<arbitrary>], iteration_bounds = array<i64: 5>, scalar_prefetch = 0 : i64, scratch_operands = 0 : i64, tpu.core_type = #tpu.core_type<tc>, window_params = [{transform_indices = @transform_0, window_bounds = array<i64: 2, 2000, 128>}, {transform_indices = @transform_1, window_bounds = array<i64: 2000, 1>}, {transform_indices = @transform_2, window_bounds = array<i64: 2000, 128>}, {pipeline_mode = #tpu.pipeline_mode<synchronous>, transform_indices = @transform_3, window_bounds = array<i64: 128, 128>}, {pipeline_mode = #tpu.pipeline_mode<synchronous>, transform_indices = @transform_4, window_bounds = array<i64: 1, 128>}, {transform_indices = @transform_5, window_bounds = array<i64: 2000, 128>}, {transform_indices = @transform_6, window_bounds = array<i64: 2000, 128>}]} {
    %get3A = arith.constant 0 : index
    %get3A_0 = arith.constant 0 : index
    %get3A_1 = arith.constant 0 : index
    %get3A_2 = vector.load %arg1[%get3A, %get3A_0, %get3A_1] : memref<2x2000x128xf32, #tpu.memory_space<vmem>>, vector<1x2000x128xf32>
    %get3A_3 = vector.shape_cast %get3A_2 : vector<1x2000x128xf32> to vector<2000x128xf32>
    %get3A_4 = arith.constant 1 : index
    %get3A_5 = arith.constant 0 : index
    %get3A_6 = arith.constant 0 : index
    %get3A_7 = vector.load %arg1[%get3A_4, %get3A_5, %get3A_6] : memref<2x2000x128xf32, #tpu.memory_space<vmem>>, vector<1x2000x128xf32>
    %get3A_8 = vector.shape_cast %get3A_7 : vector<1x2000x128xf32> to vector<2000x128xf32>
    %add3A = arith.addf %get3A_3, %get3A_8 : vector<2000x128xf32>
    %get3A_9 = arith.constant 0 : index
    %get3A_10 = arith.constant 0 : index
    %get3A_11 = vector.load %arg2[%get3A_9, %get3A_10] : memref<2000x1xf32, #tpu.memory_space<vmem>>, vector<2000x1xf32>
    %mul3A = vector.broadcast %get3A_11 : vector<2000x1xf32> to vector<2000x128xf32>
    %mul3A_12 = arith.mulf %add3A, %mul3A : vector<2000x128xf32>
    %get3A_13 = arith.constant 0 : index
    %get3A_14 = arith.constant 0 : index
    %get3A_15 = vector.load %arg3[%get3A_13, %get3A_14] : memref<2000x128xf32, #tpu.memory_space<vmem>>, vector<2000x128xf32>
    %add3A_16 = arith.addf %mul3A_12, %get3A_15 : vector<2000x128xf32>
    %swap3A = arith.constant 0 : index
    %swap3A_17 = arith.constant 0 : index
    %swap3A_18 = vector.load %arg6[%swap3A, %swap3A_17] : memref<2000x128xf32, #tpu.memory_space<vmem>>, vector<2000x128xf32>
    tpu.vector_store %arg6[%swap3A, %swap3A_17], %add3A_16 {strides = array<i32>} : memref<2000x128xf32, #tpu.memory_space<vmem>>, vector<2000x128xf32>,
    %get3A_19 = arith.constant 0 : index
    %get3A_20 = arith.constant 0 : index
    %get3A_21 = vector.load %arg4[%get3A_19, %get3A_20] : memref<128x128xf32, #tpu.memory_space<vmem>>, vector<128x128xf32>
    %dot_general3A = arith.constant dense<0.000000e+00> : vector<2000x128xf32>
    %dot_general3A_22 = tpu.matmul %add3A_16, %get3A_21, %dot_general3A {dimension_numbers = #tpu.dot_dimension_numbers<[1], [1], [0], [0], [0, 0, 1, 0], [], []>, transpose_lhs_hint = false} : vector<2000x128xf32>, vector<128x128xf32>, vector<2000x128xf32> -> vector<2000x128xf32>
    %get3A_23 = arith.constant 0 : index
    %get3A_24 = arith.constant 0 : index
    %get3A_25 = vector.load %arg5[%get3A_23, %get3A_24] : memref<1x128xf32, #tpu.memory_space<vmem>>, vector<1x128xf32>
    %add3A_26 = vector.broadcast %get3A_25 : vector<1x128xf32> to vector<2000x128xf32>
    %add3A_27 = arith.addf %dot_general3A_22, %add3A_26 : vector<2000x128xf32>
    %swap3A_28 = arith.constant 0 : index
    %swap3A_29 = arith.constant 0 : index
    %swap3A_30 = vector.load %arg7[%swap3A_28, %swap3A_29] : memref<2000x128xf32, #tpu.memory_space<vmem>>, vector<2000x128xf32>
    tpu.vector_store %arg7[%swap3A_28, %swap3A_29], %add3A_27 {strides = array<i32>} : memref<2000x128xf32, #tpu.memory_space<vmem>>, vector<2000x128xf32>,
    return
  }
  func.func @transform_0(%arg0: i32) -> (i32, i32, i32) {
    %c0_i32 = arith.constant 0 : i32
    %c0_i32_0 = arith.constant 0 : i32
    %c0_i32_1 = arith.constant 0 : i32
    return %c0_i32, %arg0, %c0_i32_0 : i32, i32, i32
  }
  func.func @transform_1(%arg0: i32) -> (i32, i32) {
    %c0_i32 = arith.constant 0 : i32
    %c0_i32_0 = arith.constant 0 : i32
    return %arg0, %c0_i32 : i32, i32
  }
  func.func @transform_2(%arg0: i32) -> (i32, i32) {
    %c0_i32 = arith.constant 0 : i32
    %c0_i32_0 = arith.constant 0 : i32
    return %arg0, %c0_i32 : i32, i32
  }
  func.func @transform_3(%arg0: i32) -> (i32, i32) {
    %c0_i32 = arith.constant 0 : i32
    %c0_i32_0 = arith.constant 0 : i32
    %c0_i32_1 = arith.constant 0 : i32
    return %c0_i32, %c0_i32_0 : i32, i32
  }
  func.func @transform_4(%arg0: i32) -> (i32, i32) {
    %c0_i32 = arith.constant 0 : i32
    %c0_i32_0 = arith.constant 0 : i32
    %c0_i32_1 = arith.constant 0 : i32
    return %c0_i32, %c0_i32_0 : i32, i32
  }
  func.func @transform_5(%arg0: i32) -> (i32, i32) {
    %c0_i32 = arith.constant 0 : i32
    %c0_i32_0 = arith.constant 0 : i32
    return %arg0, %c0_i32 : i32, i32
  }
  func.func @transform_6(%arg0: i32) -> (i32, i32) {
    %c0_i32 = arith.constant 0 : i32
    %c0_i32_0 = arith.constant 0 : i32
    return %arg0, %c0_i32 : i32, i32
  }
}

</mosaic_0001>

<sc_bundles>
// kernel: kernel.11.cloned.1.call-start
scs
__scs_entry_jumppad:
0x0: {  	(pc) =	sbr.rel $0x88, $3  }
0x1: {  	(tag) =	ssettag $0x0;
	lr =	simm.s32 $0x1  }
0x2: {  	[smem:$0x3F97] =	sst lr;
	_ =	strace $0xD0000000  }
0x3: {  	_ = 	snop  }
0x4: {  	_ = 	snop  }
0x5: {  	_ = 	snop  }
0x6: {  	_ = 	snop  }
0x7: {  	_ = 	snop  }
__scs_overlays_trampoline_lowered:
0x8: {  	[smem:$0x3FA6] =	sst s0  }
0x9: {  	[smem:$0x3FA7] =	sst s1  }
0xa: {  	[smem:$0x3FA8] =	sst s2  }
0xb: {  	[smem:$0x3FA9] =	sst s3  }
0xc: {  	[smem:$0x3FAA] =	sst s4  }
0xd: {  	[smem:$0x3FAB] =	sst s5  }
0xe: {  	[smem:$0x3FAC] =	sst s6  }
0xf: {  	[smem:$0x3FAD] =	sst s7  }
0x10: {  	[smem:$0x3FAE] =	sst s8  }
0x11: {  	[smem:$0x3FAF] =	sst s9;
	s0 =	simm.s32 @!p0 $0x0  }
0x12: {  	s1 =	sld [smem:$0x3F95];
	s0 =	simm.s32 @p0 $0x1  }
0x13: {  	[smem:$0x3FB0] =	sst s0;
	s0 =	simm.s32 @!p1 $0x0  }
0x14: {  	s2 =	sld [smem:$0x3F94];
	s0 =	simm.s32 @p1 $0x1  }
0x15: {  	[smem:$0x3FB1] =	sst s0;
	s0 =	simm.s32 @!p2 $0x0  }
0x16: {  	s3 =	sld [smem:$0x3FDB];
	s0 =	simm.s32 @p2 $0x1  }
0x17: {  	s4 =	simm.s32 $0x1BF5;
	[smem:$0x3FB3] =	sst s0  }
0x18: {  	s0 =	sld [smem:$0x3F96];
	_ =	swait.ge [sflag:s4], $0x0  }
0x19: {  	s7 =	sld [smem:$0x3F97]  }
0x1a: {  	s8 =	sadd.s32 $0xFFFFE003, lr  }
0x1b: {  	s9 =	sadd.s32 $0xFFFFFEF7, lr;
	s5 =	simm.s32 $0xFFFFFFFF;
	p2 =	slt.u32 s8, $0xFFFFF086  }
0x1c: {  	p1 =	slt.u32 s9, $0xF7A;
	s5 =	simm.s32 @!p2 $0x0  }
0x1d: {  	s5 =	simm.s32 @p1 $0x1;
	p0 =	seq.s32 s7, s2  }
0x1e: {  	s7 =	smul.u32 @!p0 $0xF7A, s2;
	p2 =	seq.s32 @!p0 s5, $0x0  }
0x1f: {  	s9 =	smul.u32 $0xF7A, s1;
	s8 =	simm.s32 @!p0 $0x1BF5;
	p2 =	por !p2, p0  }
0x20: {  	[sflag:s8] =	ssyncset.s32 @!p0 $0xFFFFF086;
	s6 =	sadd.s32 @!p0 s3, s7;
	s7 =	simm.s32 @!p0 $0x108  }
0x21: {  	s3 =	sadd.s32 s3, s9;
	s6 =	sadd.s32 @!p0 $0x88, s6;
	s7 =	simm.s32 @p2 $0x1082  }
0x22: {  	[simem:s7], [sflag:s8] =	dma.local @!p0 [hbm:s6], $0xF7A  }
0x23: {  	s9 =	sor.u32 $0xD0000000, s2;
	s6 =	simm.s32 $0x108;
	_ =	swait.ge @!p0 [sflag:s8], $0x0  }
0x24: {  	s3 =	sadd.s32 $0x88, s3;
	s6 =	simm.s32 @!p1 $0x1082;
	[sflag:s4] =	ssyncset.s32 $0xFFFFF086  }
0x25: {  	[simem:s6], [sflag:s4] =	dma.local [hbm:s3], $0xF7A  }
0x26: {  	[smem:$0x3F97] =	sst s1;
	(tag) =	ssettag s2;
	_ =	strace s9  }
0x27: {  	s1 =	sld [smem:$0x3FA7]  }
0x28: {  	s2 =	sld [smem:$0x3FA8]  }
0x29: {  	s4 =	sld [smem:$0x3FAA]  }
0x2a: {  	p0 =	seq.s32 s5, $0x0;
	s5 =	sld [smem:$0x3FAB]  }
0x2b: {  	s6 =	sld [smem:$0x3FAC]  }
0x2c: {  	s7 =	sld [smem:$0x3FAD]  }
0x2d: {  	s3 =	simm.s32 $0x108;
	s8 =	sld [smem:$0x3FAE]  }
0x2e: {  	s3 =	simm.s32 @!p0 $0x1082;
	s9 =	sld [smem:$0x3FAF]  }
0x2f: {  	lr =	sadd.s32 s0, s3;
	s0 =	sld [smem:$0x3FA6]  }
0x30: {  	s3 =	sld [smem:$0x3FA9]  }
0x31: {  	[smem:$0x3FB2] =	sst s10  }
0x32: {  	s10 =	sld [smem:$0x3FB0];
	_ =	sdelay $0x3  }
0x33: {  	p0 =	seq.s32 s10, $0x1;
	s10 =	sld [smem:$0x3FB2];
	_ =	sdelay $0x3  }
0x34: {  	[smem:$0x3FB2] =	sst s10  }
0x35: {  	s10 =	sld [smem:$0x3FB1];
	_ =	sdelay $0x3  }
0x36: {  	p1 =	seq.s32 s10, $0x1;
	s10 =	sld [smem:$0x3FB2];
	_ =	sdelay $0x3  }
0x37: {  	[smem:$0x3FB2] =	sst s10  }
0x38: {  	s10 =	sld [smem:$0x3FB3]  }
0x39: {  	_ = 	snop;
	(pc) =	sbr.ind lr, $3  }
0x3a: {  	_ = 	snop  }
0x3b: {  	_ = 	snop  }
0x3c: {  	p2 =	seq.s32 s10, $0x1;
	s10 =	sld [smem:$0x3FB2]  }
0x3d: {  	_ =	shalt  }
0x3e: {  	_ =	shalt  }
0x3f: {  	_ =	shalt  }
0x40: {  	_ =	shalt  }
0x41: {  	_ =	shalt  }
0x42: {  	_ =	shalt  }
0x43: {  	_ =	shalt  }
0x44: {  	_ =	shalt  }
0x45: {  	_ =	shalt  }
0x46: {  	_ =	shalt  }
0x47: {  	_ =	shalt  }
0x48: {  	_ =	shalt  }
0x49: {  	_ =	shalt  }
0x4a: {  	_ =	shalt  }
0x4b: {  	_ =	shalt  }
0x4c: {  	_ =	shalt  }
0x4d: {  	_ =	shalt  }
0x4e: {  	_ =	shalt  }
0x4f: {  	_ =	shalt  }
0x50: {  	_ =	shalt  }
0x51: {  	_ =	shalt  }
0x52: {  	_ =	shalt  }
0x53: {  	_ =	shalt  }
0x54: {  	_ =	shalt  }
0x55: {  	_ =	shalt  }
0x56: {  	_ =	shalt  }
0x57: {  	_ =	shalt  }
0x58: {  	_ =	shalt  }
0x59: {  	_ =	shalt  }
0x5a: {  	_ =	shalt  }
0x5b: {  	_ =	shalt  }
0x5c: {  	_ =	shalt  }
0x5d: {  	_ =	shalt  }
0x5e: {  	_ =	shalt  }
0x5f: {  	_ =	shalt  }
0x60: {  	_ =	shalt  }
0x61: {  	_ =	shalt  }
0x62: {  	_ =	shalt  }
0x63: {  	_ =	shalt  }
0x64: {  	_ =	shalt  }
0x65: {  	_ =	shalt  }
0x66: {  	_ =	shalt  }
0x67: {  	_ =	shalt  }
0x68: {  	_ =	shalt  }
0x69: {  	_ =	shalt  }
0x6a: {  	_ =	shalt  }
0x6b: {  	_ =	shalt  }
0x6c: {  	_ =	shalt  }
0x6d: {  	_ =	shalt  }
0x6e: {  	_ =	shalt  }
0x6f: {  	_ =	shalt  }
0x70: {  	_ =	shalt  }
0x71: {  	_ =	shalt  }
0x72: {  	_ =	shalt  }
0x73: {  	_ =	shalt  }
0x74: {  	_ =	shalt  }
0x75: {  	_ =	shalt  }
0x76: {  	_ =	shalt  }
0x77: {  	_ =	shalt  }
0x78: {  	_ =	shalt  }
0x79: {  	_ =	shalt  }
0x7a: {  	_ =	shalt  }
0x7b: {  	_ =	shalt  }
0x7c: {  	_ =	shalt  }
0x7d: {  	_ =	shalt  }
0x7e: {  	_ =	shalt  }
0x7f: {  	_ =	shalt  }
0x80: {  	_ =	shalt  }
0x81: {  	_ =	shalt  }
0x82: {  	_ =	shalt  }
0x83: {  	_ =	shalt  }
0x84: {  	_ =	shalt  }
0x85: {  	_ =	shalt  }
0x86: {  	_ =	shalt  }
0x87: {  	_ =	shalt  }
.Lfunc_end0:
.L_simem_size_0:
called_computation.1_lowered:
.L_overlay_start_0:
0x88: {  	s2 =	sld [smem:$0x3FD9]  }
0x89: {  	s3 =	sld [smem:$0x3FFE];
	_ =	sdelay $0x1  }
0x8a: {  	s1 =	srdreg.scid  }
0x8b: {  	s0 =	sand.u32 $0x1, s1  }
0x8c: {  	s14 =	sshll.u32 s0, $0xA;
	s2 =	sadd.s32 s3, s2  }
0x8d: {  	s2 =	sadd.s32 s2, s14  }
0x8e: {  	[smem:$0x3FBE] =	sst s2  }
0x8f: {  	_ = 	snop  }
0x90: {  	s2 =	sld [smem:$0x3FD0];
	_ =	sdelay $0x2  }
0x91: {  	s15 =	simm.s32 $0xA;
	s4 =	simm.s32 $0x10  }
0x92: {  	[smem:s4], [sflag:s15] =	dma.local [hbm:s2], $0x1  }
0x93: {  	_ =	swait.eq [sflag:s15], $0x1  }
0x94: {  	[sflag:s15] =	ssyncset.done $0x0  }
0x95: {  	s16 =	sld [smem:$0x10];
	[sflag:s15] =	ssyncadd.s32 $0xFFFFFFFF  }
0x96: {  	s17 =	sld [smem:$0x11];
	(tm) =	ssettm $0x1  }
0x97: {  	s18 =	sld [smem:$0x3FFB];
	_ =	sdelay $0x3  }
0x98: {  	_ =	strace s18  }
0x99: {  	s4 =	sld [smem:$0x3FFC];
	_ =	sdelay $0x3  }
0x9a: {  	_ =	strace s4  }
0x9b: {  	s4 =	sld [smem:$0x3FFD];
	_ =	sdelay $0x3  }
0x9c: {  	_ =	strace s4  }
0x9d: {  	_ =	strace $0x8FFFFFFF  }
0x9e: {  	s19 =	sld [smem:$0x3FDB];
	_ =	sdelay $0x1  }
0x9f: {  	s5 =	simm.s32 $_scs_section_size  }
0xa0: {  	s6 =	simm.s32 $_size__tile_overlayer_lowered;
	s7 =	simm.s32 $_tile_overlayer_lowered  }
0xa1: {  	s22 =	simm.s32 $0x1BFF;
	s21 =	sshll.u32 s7, $0x1;
	s4 =	sadd.s32 s5, s19  }
0xa2: {  	s8 =	simm.s32 $0x0;
	s20 =	sshll.u32 s6, $0x1;
	s6 =	sadd.s32 s21, s4  }
0xa3: {  	[timem:s8], [sflag:s22] =	dma.local [hbm:s6], s20  }
0xa4: {  	_ =	swait.ge [sflag:s22], s20  }
0xa5: {  	s5 =	ssub.s32 $0x0, s20;
	[sflag:s22] =	ssyncset.done $0x0  }
0xa6: {  	[sflag:s22] =	ssyncadd.s32 s5;
	_ =	sdelay $0x1  }
0xa7: {  	s23 =	simm.s32 $0x1B8B  }
0xa8: {  	_ =	swait.ge [sflag:s23], $0x1  }
0xa9: {  	[sflag:s23] =	ssyncset.done $0x0  }
0xaa: {  	s25 =	simm.s32 $0x1B8E;
	s24 =	sld [smem:$0x3FFE];
	[sflag:s23] =	ssyncadd.s32 $0xFFFFFFFF  }
0xab: {  	s26 =	simm.s32 $execute0_lowered;
	[smem:$0x3FD2] =	sst s25  }
0xac: {  	s6 =	sshll.u32 s26, $0x1;
	_ =	strace $0x80000049;
	[dreg:$0x1] =	wrdreg $0xFFFFFFFF  }
0xad: {  	s28 =	simm.s32 $_size_execute0_lowered;
	s4 =	sadd.s32 s4, s6;
	[dreg:$0x0] =	wrdreg $0x0  }
0xae: {  	s6 =	sshll.u32 s28, $0x1;
	[dreg:$0x2] =	wrdreg s4  }
0xaf: {  	[dreg:$0x3] =	wrdreg s6  }
0xb0: {  	[dreg:$0x4] =	wrdreg $0xC0  }
0xb1: {  	_ =	task [dreg:s8], $0x5FFFF  }
0xb2: {  	[dreg:$0x1] =	wrdreg $0xFFFFFFFF  }
0xb3: {  	[dreg:$0x0] =	wrdreg $0x60  }
0xb4: {  	[dreg:$0x2] =	wrdreg s17  }
0xb5: {  	[dreg:$0x3] =	wrdreg s24  }
0xb6: {  	[dreg:$0x4] =	wrdreg s16  }
0xb7: {  	[dreg:$0x5] =	wrdreg $0x0  }
0xb8: {  	[dreg:$0x6] =	wrdreg $0x9  }
0xb9: {  	_ =	task.clear_ibuf [dreg:s8], $0x7FFFF;
	_ =	strace $0x90000049  }
0xba: {  	s29 =	simm.s32 $0x9;
	_ =	strace $0x8000004B  }
0xbb: {  	_ =	swait.ge [sflag:s29], $0x1  }
0xbc: {  	[sflag:s29] =	ssyncadd.s32 $0xFFFFFFFF  }
0xbd: {  	_ =	strace $0x9000004B  }
0xbe: {  	_ =	sfence  }
0xbf: {  	s30 =	sld [smem:$0x0];
	_ =	sdelay $0x2  }
0xc0: {  	s31 =	sshll.u32 s1, $0xD;
	s1 =	sshrl.u32 s1, $0x2  }
0xc1: {  	s3 =	sand.u32 $0x4000, s31;
	s1 =	sadd.s32 s1, s30  }
0xc2: {  	s0 =	sor.u32 s3, s0;
	s1 =	sshll.u32 s1, $0x11  }
0xc3: {  	s0 =	sor.u32 s1, s0  }
0xc4: {  	s0 =	sadd.s32 $0x8F2B, s0  }
0xc5: {  	[sflag:s0] =	ssyncadd.remote.s32 $0x1  }
0xc6: {  	_ =	sfence.sel $0xFFFF  }
0xc7: {  	[dreg:$0x0] =	wrdreg $0xFFFFFFFF;
	(pc) =	sbr.abs _section_cstart, $3  }
0xc8: {  	[dreg:$0x1] =	wrdreg $0xFFFFFFFF  }
0xc9: {  	_ =	task.clear_ibuf [dreg:s8], $0x2FFFF;
	_ =	strace $0x9FFFFFFF  }
0xca: {  	(tm) =	ssettm $0x7FFFFFFF  }
0xcb: {  	_ =	shalt  }
tec
execute0_lowered:
.L_overlay_start_1:
0x0: {  	(tag) =	ssettag $0x1  }
0x1: {  	s0 =	rddreg [dreg:$0x0]  }
0x2: {  	s2 =	rddreg [dreg:$0x1]  }
0x3: {  	s3 =	srdreg.scid;
	s12 =	stileid.u32  }
0x4: {  	s1 =	rddreg [dreg:$0x2];
	s7 =	smul.u32 $0x2710, s12  }
0x5: {  	s4 =	simm.s32 $0x0;
	s5 =	sand.u32 $0x1, s3;
	s26 =	smul.u32 $0x4E000, s12  }
0x6: {  	[smem:$0x7FF] =	sst s4;
	s6 =	smul.u32 $0x27100, s5  }
0x7: {  	s3 =	rddreg [dreg:$0x3];
	_ =	strace $0x8000004A  }
0x8: {  	s28 =	sadd.s32 $0x138000, s3;
	s6 =	sadd.s32 s7, s6;
	s7 =	sshrl.u32 s26, $0x2  }
0x9: {  	s9 =	ssub.s32 $0x2, s5;
	[smem:$0x7FD] =	sst s28;
	s24 =	sadd.s32 s7, s3  }
0xa: {  	s11 =	sshrl.u32 s9, $0x1;
	s7 =	sadd.s32 $0x1400, s24;
	[dreg:$0xf] =	wrdreg s24  }
0xb: {  	s9 =	ssub.s32 s9, s11;
	s11 =	sadd.s32 $0x2800, s24;
	[dreg:$0x10] =	wrdreg s7  }
0xc: {  	s30 =	simm.s32 $0x1;
	s13 =	sadd.s32 $0x3C00, s24;
	[dreg:$0x11] =	wrdreg s11  }
0xd: {  	s31 =	simm.s32 $0x13880;
	s14 =	sadd.s32 $0x5000, s24;
	[dreg:$0x12] =	wrdreg s13  }
0xe: {  	s29 =	simm.s32 $0x13A80;
	s15 =	sadd.s32 $0x6400, s24;
	[dreg:$0x13] =	wrdreg s14  }
0xf: {  	s22 =	smul.u32 $0x13800, s12;
	s16 =	sadd.s32 $0x7800, s24;
	[dreg:$0x14] =	wrdreg s15  }
0x10: {  	p0 =	sne.s32 s12, $0xF;
	s17 =	sadd.s32 $0x8C00, s24;
	[dreg:$0x15] =	wrdreg s16  }
0x11: {  	s5 =	smul.u32 $0x138800, s5;
	s18 =	sadd.s32 $0xA000, s24;
	[dreg:$0x16] =	wrdreg s17  }
0x12: {  	s12 =	simm.s32 $0x2;
	s19 =	sadd.s32 $0xB400, s24;
	[dreg:$0x17] =	wrdreg s18  }
0x13: {  	s23 =	sadd.s32 s22, s5;
	s20 =	sadd.s32 $0xC800, s24;
	[dreg:$0x18] =	wrdreg s19  }
0x14: {  	s5 =	sshrl.u32 s5, $0x3;
	s26 =	sadd.s32 $0xF000, s24;
	[dreg:$0x19] =	wrdreg s20  }
0x15: {  	s8 =	sshrl.u32 s6, $0x3;
	s22 =	sadd.s32 $0x11800, s24;
	[dreg:$0x1b] =	wrdreg s26  }
0x16: {  	s10 =	sadd.s32 s8, s2;
	s13 =	sadd.s32 $0xDC00, s24;
	[dreg:$0x1e] =	wrdreg s22  }
0x17: {  	s21 =	sadd.s32 $0xA0, s6;
	s10 =	sadd.s32 $0x2000, s10;
	[dreg:$0x1a] =	wrdreg s13  }
0x18: {  	s25 =	sadd.s32 $0x50, s6;
	s11 =	simm.s32 $0x138D0;
	[dreg:$0x5] =	wrdreg s10  }
0x19: {  	s2 =	sadd.s32 $0xBE00, s2;
	s14 =	simm.s32 $0x13920;
	[dreg:$0x9] =	wrdreg s11  }
0x1a: {  	s7 =	sshrl.u32 s21, $0x3;
	s15 =	simm.s32 $0x13980;
	[dreg:$0xb] =	wrdreg s14  }
0x1b: {  	s16 =	simm.s32 $0x13A00;
	s17 =	simm.s32 $0x13B00;
	[dreg:$0xc] =	wrdreg s15  }
0x1c: {  	s21 =	sadd.s32 s8, s1;
	s18 =	sadd.s32 $0x10400, s24;
	[dreg:$0xd] =	wrdreg s16  }
0x1d: {  	s26 =	sadd.s32 $0x12C00, s24;
	s8 =	simm.s32 $0x16400;
	[dreg:$0x1d] =	wrdreg s18  }
0x1e: {  	s22 =	simm.s32 $0xB;
	s7 =	sadd.s32 s7, s1;
	[dreg:$0xe] =	wrdreg s17  }
0x1f: {  	s10 =	sshrl.u32 s23, $0x3;
	s13 =	simm.s32 $0x138F8;
	[smem:$0x7FC] =	sst s26  }
0x20: {  	s11 =	simm.s32 $0x7;
	s14 =	simm.s32 $0x3;
	s15 =	simm.s32 $0x9  }
0x21: {  	s16 =	simm.s32 $0x4;
	s17 =	simm.s32 $0xA;
	s18 =	simm.s32 $0x5  }
0x22: {  	[dreg:$0x6] =	wrdreg s7;
	s7 =	sshrl.u32 s25, $0x3;
	s10 =	sadd.s32 s2, s10  }
0x23: {  	s2 =	sadd.s32 s2, s5;
	[dreg:$0xa] =	wrdreg s13;
	s25 =	smax.u32 s9, $0x1  }
0x24: {  	s9 =	simm.s32 $0x17800;
	s13 =	simm.s32 $0x8;
	[dreg:$0x1c] =	wrdreg s10  }
0x25: {  	s5 =	simm.s32 $0x0;
	s7 =	sadd.s32 s7, s1;
	[smem:$0x7FB] =	sst s25  }
0x26: {  	s10 =	sadd.s32 $0x28, s6;
	s23 =	sadd.s32 $0x27000, s2;
	[dreg:$0x7] =	wrdreg s7  }
0x27: {  	s6 =	sadd.s32 $0x78, s6;
	s7 =	simm.s32 $0x138A8;
	[dreg:$0x1f] =	wrdreg s23  }
0x28: {  	s6 =	sshrl.u32 s6, $0x3;
	s23 =	simm.s32 $0x6;
	[dreg:$0x8] =	wrdreg s7  }
0x29: {  	s7 =	sshrl.u32 s10, $0x3;
	s20 =	sadd.s32 s1, s6;
	s6 =	simm.s32 $0x28  }
0x2a: {  	v0 =	vimm.f32 $0.0e+00;
	s10 =	simm.s32 $0x18C00;
	s19 =	sadd.s32 s1, s7;
	s7 =	simm.s32 $0x15000  }
.LBB2_1:
0x2b: {  	[smem:$0x7FA] =	sst s5;
	s25 =	simm.s32 $0x0;
	s26 =	simm.s32 $0x200  }
.LBB2_2:
0x2c: {  	p1 =	sne.s32 s26, $0x4E00;
	[tilespmem:s25+$0x13C70] =	vst v0  }
0x2d: {  	[tilespmem:s25+$0x13C00] =	vst v0  }
0x2e: {  	[tilespmem:s25+$0x13C10] =	vst v0  }
.Ltmp0:
0x2f: {  	[tilespmem:s25+$0x13C20] =	vst v0;
	(pc) =	sbr.rel @p1 .LBB2_2-.Ltmp0, $4  }
0x30: {  	[tilespmem:s25+$0x13C30] =	vst v0  }
0x31: {  	[tilespmem:s25+$0x13C40] =	vst v0  }
0x32: {  	[tilespmem:s25+$0x13C50] =	vst v0  }
0x33: {  	[tilespmem:s25+$0x13C60] =	vst v0;
	s25 =	sshra.s32 s26, $0x2;
	s26 =	sadd.s32 $0x200, s26  }
0x34: {  	[tilespmem:s25+$0x13C70] =	vst v0  }
0x35: {  	[tilespmem:s25+$0x13C00] =	vst v0  }
0x36: {  	[tilespmem:s25+$0x13C10] =	vst v0  }
0x37: {  	[tilespmem:s25+$0x13C20] =	vst v0  }
0x38: {  	[tilespmem:s25+$0x13C30] =	vst v0  }
0x39: {  	[tilespmem:s25+$0x13C40] =	vst v0  }
0x3a: {  	[tilespmem:s25+$0x13C50] =	vst v0  }
0x3b: {  	[tilespmem:s25+$0x13C60] =	vst v0;
	s2 =	simm.s32 $0x13C00;
	s1 =	rddreg [dreg:$0x10]  }
0x3c: {  	[spmem:s24] =	stream.linear.scatter [tilespmem:s2], [sflag:$0x1], $0x1400, $0x38;
	[tilespmem:$0x1A000] =	vst v63  }
0x3d: {  	s25 =	rddreg [dreg:$0x11]  }
0x3e: {  	[spmem:s1] =	stream.linear.scatter [tilespmem:s2], [sflag:$0x1], $0x1400, $0x38;
	[tilespmem:$0x1A000] =	vst v63  }
0x3f: {  	s26 =	rddreg [dreg:$0x12]  }
0x40: {  	[spmem:s25] =	stream.linear.scatter [tilespmem:s2], [sflag:$0x1], $0x1400, $0x38;
	[tilespmem:$0x1A000] =	vst v63  }
0x41: {  	s5 =	rddreg [dreg:$0x13]  }
0x42: {  	[spmem:s26] =	stream.linear.scatter [tilespmem:s2], [sflag:$0x1], $0x1400, $0x38;
	[tilespmem:$0x1A000] =	vst v63  }
0x43: {  	s24 =	rddreg [dreg:$0x14]  }
0x44: {  	[spmem:s5] =	stream.linear.scatter [tilespmem:s2], [sflag:$0x1], $0x1400, $0x38;
	[tilespmem:$0x1A000] =	vst v63  }
0x45: {  	s25 =	rddreg [dreg:$0x15]  }
0x46: {  	[spmem:s24] =	stream.linear.scatter [tilespmem:s2], [sflag:$0x1], $0x1400, $0x38;
	[tilespmem:$0x1A000] =	vst v63  }
0x47: {  	s26 =	rddreg [dreg:$0x16]  }
0x48: {  	[spmem:s25] =	stream.linear.scatter [tilespmem:s2], [sflag:$0x1], $0x1400, $0x38;
	[tilespmem:$0x1A000] =	vst v63  }
0x49: {  	s5 =	rddreg [dreg:$0x17]  }
0x4a: {  	[spmem:s26] =	stream.linear.scatter [tilespmem:s2], [sflag:$0x1], $0x1400, $0x38;
	[tilespmem:$0x1A000] =	vst v63  }
0x4b: {  	s24 =	rddreg [dreg:$0x18]  }
0x4c: {  	[spmem:s5] =	stream.linear.scatter [tilespmem:s2], [sflag:$0x1], $0x1400, $0x38;
	[tilespmem:$0x1A000] =	vst v63  }
0x4d: {  	s25 =	rddreg [dreg:$0x19]  }
0x4e: {  	[spmem:s24] =	stream.linear.scatter [tilespmem:s2], [sflag:$0x1], $0x1400, $0x38;
	[tilespmem:$0x1A000] =	vst v63  }
0x4f: {  	s26 =	rddreg [dreg:$0x1a]  }
0x50: {  	[spmem:s25] =	stream.linear.scatter [tilespmem:s2], [sflag:$0x1], $0x1400, $0x38;
	[tilespmem:$0x1A000] =	vst v63  }
0x51: {  	s5 =	rddreg [dreg:$0x1b]  }
0x52: {  	[spmem:s26] =	stream.linear.scatter [tilespmem:s2], [sflag:$0x1], $0x1400, $0x38;
	[tilespmem:$0x1A000] =	vst v63  }
0x53: {  	s24 =	rddreg [dreg:$0x1d]  }
0x54: {  	[spmem:s5] =	stream.linear.scatter [tilespmem:s2], [sflag:$0x1], $0x1400, $0x38;
	[tilespmem:$0x1A000] =	vst v63  }
0x55: {  	s25 =	rddreg [dreg:$0x1e]  }
0x56: {  	[spmem:s24] =	stream.linear.scatter [tilespmem:s2], [sflag:$0x1], $0x1400, $0x38;
	[tilespmem:$0x1A000] =	vst v63  }
0x57: {  	s26 =	sld [smem:$0x7FC]  }
0x58: {  	[spmem:s25] =	stream.linear.scatter [tilespmem:s2], [sflag:$0x1], $0x1400, $0x38;
	[tilespmem:$0x1A000] =	vst v63  }
0x59: {  	_ = 	snop  }
0x5a: {  	[spmem:s26] =	stream.linear.scatter [tilespmem:s2], [sflag:$0x1], $0xC00, $0x38;
	[tilespmem:$0x1A000] =	vst v63  }
0x5b: {  	s5 =	simm.s32 @!p0 $0x13C00  }
0x5c: {  	[spmem:s28] =	stream.linear.scatter @!p0 [tilespmem:s5], [sflag:$0x11], $0x800, $0x38;
	[tilespmem:$0x1A000] =	vst v63  }
0x5d: {  	s5 =	simm.s32 @!p0 $0x11  }
0x5e: {  	_ =	swait.ge @!p0 [sflag:s5], $0x800  }
0x5f: {  	[sflag:s5] =	ssyncset.done @!p0 $0x0  }
0x60: {  	[sflag:s5] =	ssyncadd.s32 @!p0 $0xFFFFF800  }
0x61: {  	_ =	swait.ge [sflag:s30], $0x1400  }
0x62: {  	[sflag:s30] =	ssyncset.done $0x0  }
0x63: {  	[sflag:s30] =	ssyncadd.s32 $0xFFFFEC00  }
0x64: {  	_ =	swait.ge [sflag:s30], $0x1400  }
0x65: {  	[sflag:s30] =	ssyncset.done $0x0  }
0x66: {  	[sflag:s30] =	ssyncadd.s32 $0xFFFFEC00  }
0x67: {  	_ =	swait.ge [sflag:s30], $0x1400  }
0x68: {  	[sflag:s30] =	ssyncset.done $0x0  }
0x69: {  	[sflag:s30] =	ssyncadd.s32 $0xFFFFEC00  }
0x6a: {  	_ =	swait.ge [sflag:s30], $0x1400  }
0x6b: {  	[sflag:s30] =	ssyncset.done $0x0  }
0x6c: {  	[sflag:s30] =	ssyncadd.s32 $0xFFFFEC00  }
0x6d: {  	_ =	swait.ge [sflag:s30], $0x1400  }
0x6e: {  	[sflag:s30] =	ssyncset.done $0x0  }
0x6f: {  	[sflag:s30] =	ssyncadd.s32 $0xFFFFEC00  }
0x70: {  	_ =	swait.ge [sflag:s30], $0x1400  }
0x71: {  	[sflag:s30] =	ssyncset.done $0x0  }
0x72: {  	[sflag:s30] =	ssyncadd.s32 $0xFFFFEC00  }
0x73: {  	_ =	swait.ge [sflag:s30], $0x1400  }
0x74: {  	[sflag:s30] =	ssyncset.done $0x0  }
0x75: {  	[sflag:s30] =	ssyncadd.s32 $0xFFFFEC00  }
0x76: {  	_ =	swait.ge [sflag:s30], $0x1400  }
0x77: {  	[sflag:s30] =	ssyncset.done $0x0  }
0x78: {  	[sflag:s30] =	ssyncadd.s32 $0xFFFFEC00  }
0x79: {  	_ =	swait.ge [sflag:s30], $0x1400  }
0x7a: {  	[sflag:s30] =	ssyncset.done $0x0  }
0x7b: {  	[sflag:s30] =	ssyncadd.s32 $0xFFFFEC00  }
0x7c: {  	_ =	swait.ge [sflag:s30], $0x1400  }
0x7d: {  	[sflag:s30] =	ssyncset.done $0x0  }
0x7e: {  	[sflag:s30] =	ssyncadd.s32 $0xFFFFEC00  }
0x7f: {  	_ =	swait.ge [sflag:s30], $0x1400  }
0x80: {  	[sflag:s30] =	ssyncset.done $0x0  }
0x81: {  	[sflag:s30] =	ssyncadd.s32 $0xFFFFEC00  }
0x82: {  	_ =	swait.ge [sflag:s30], $0x1400  }
0x83: {  	[sflag:s30] =	ssyncset.done $0x0  }
0x84: {  	[sflag:s30] =	ssyncadd.s32 $0xFFFFEC00  }
0x85: {  	_ =	swait.ge [sflag:s30], $0x1400  }
0x86: {  	[sflag:s30] =	ssyncset.done $0x0  }
0x87: {  	[sflag:s30] =	ssyncadd.s32 $0xFFFFEC00  }
0x88: {  	_ =	swait.ge [sflag:s30], $0x1400  }
0x89: {  	[sflag:s30] =	ssyncset.done $0x0  }
0x8a: {  	[sflag:s30] =	ssyncadd.s32 $0xFFFFEC00  }
0x8b: {  	_ =	swait.ge [sflag:s30], $0x1400  }
0x8c: {  	[sflag:s30] =	ssyncset.done $0x0  }
0x8d: {  	[sflag:s30] =	ssyncadd.s32 $0xFFFFEC00  }
0x8e: {  	_ =	swait.ge [sflag:s30], $0xC00  }
0x8f: {  	[sflag:s30] =	ssyncset.done $0x0  }
0x90: {  	[sflag:s30] =	ssyncadd.s32 $0xFFFFF400  }
0x91: {  	[bflag:$0x0] =	sbarrier.arrive $0xFFFF  }
0x92: {  	s2 =	rddreg [dreg:$0x5]  }
0x93: {  	p1 =	por $0x1, $0x1;
	s5 =	sadd.s32 $0x0, s2  }
0x94: {  	[tilespmem:s31], [sflag:$0x1] =	stream.linear.gather [hbm4b:s5+s4], $0xC8, $0x38;
	[tilespmem:$0x1A000] =	vst v63  }
0x95: {  	s25 =	simm.s32 @p1 $0x0;
	s26 =	simm.s32 @p1 $0x13980;
	s5 =	sadd.s32 @p1 $0x0, s21  }
0x96: {  	[tilespmem:s26], [sflag:$0x2] =	stream.linear.gather @p1 [hbm4b:s5+s25], $0x28, $0x38;
	[tilespmem:$0x1A000] =	vst v63  }
0x97: {  	s5 =	simm.s32 @p1 $0x13A00;
	s26 =	simm.s32 @!p1 $0xC  }
0x98: {  	[tilespmem:s5], [sflag:$0x3] =	stream.linear.gather @p1 [hbm4b:s19+s25], $0x28, $0x38;
	[tilespmem:$0x1A000] =	vst v63  }
0x99: {  	_ =	swait.ge @!p1 [sflag:s26], $0x1400  }
0x9a: {  	s28 =	simm.s32 @!p1 $0x0;
	[sflag:s26] =	ssyncset.done @!p1 $0x0  }
0x9b: {  	s5 =	simm.s32 @!p1 $0x13980;
	[sflag:s26] =	ssyncadd.s32 @!p1 $0xFFFFEC00;
	s26 =	sadd.s32 @!p1 $0x0, s21  }
0x9c: {  	[tilespmem:s5], [sflag:$0x2] =	stream.linear.gather @!p1 [hbm4b:s26+s28], $0x28, $0x38;
	[tilespmem:$0x1A000] =	vst v63  }
0x9d: {  	s5 =	simm.s32 @!p1 $0xD  }
0x9e: {  	_ =	swait.ge @!p1 [sflag:s5], $0x1400  }
0x9f: {  	[sflag:s5] =	ssyncset.done @!p1 $0x0  }
0xa0: {  	s26 =	simm.s32 @!p1 $0x13A00;
	[sflag:s5] =	ssyncadd.s32 @!p1 $0xFFFFEC00;
	s5 =	sadd.s32 @!p1 $0x0, s19  }
0xa1: {  	[tilespmem:s26], [sflag:$0x3] =	stream.linear.gather @!p1 [hbm4b:s5+s28], $0x28, $0x38;
	[tilespmem:$0x1A000] =	vst v63  }
0xa2: {  	s5 =	simm.s32 @!p1 $0xE  }
0xa3: {  	_ =	swait.ge @!p1 [sflag:s5], $0x1400  }
0xa4: {  	s24 =	rddreg [dreg:$0x7];
	[sflag:s5] =	ssyncset.done @!p1 $0x0  }
0xa5: {  	[sflag:s5] =	ssyncadd.s32 @!p1 $0xFFFFEC00;
	s26 =	sadd.s32 $0x0, s24  }
0xa6: {  	[tilespmem:s29], [sflag:$0x4] =	stream.linear.gather [hbm4b:s26+s4], $0x28, $0x38;
	[tilespmem:$0x1A000] =	vst v63  }
0xa7: {  	s5 =	simm.s32 @p1 $0x13B00  }
0xa8: {  	[tilespmem:s5], [sflag:$0x5] =	stream.linear.gather @p1 [hbm4b:s20+s25], $0x28, $0x38;
	[tilespmem:$0x1A000] =	vst v63  }
0xa9: {  	s5 =	simm.s32 @!p1 $0xF  }
0xaa: {  	_ =	swait.ge @!p1 [sflag:s5], $0x1400  }
0xab: {  	[sflag:s5] =	ssyncset.done @!p1 $0x0  }
0xac: {  	s25 =	simm.s32 @!p1 $0x13B00;
	[sflag:s5] =	ssyncadd.s32 @!p1 $0xFFFFEC00;
	s5 =	sadd.s32 @!p1 $0x0, s20  }
0xad: {  	[tilespmem:s25], [sflag:$0x5] =	stream.linear.gather @!p1 [hbm4b:s5+s28], $0x28, $0x38;
	[tilespmem:$0x1A000] =	vst v63  }
0xae: {  	s5 =	simm.s32 @!p1 $0x10  }
0xaf: {  	_ =	swait.ge @!p1 [sflag:s5], $0x1400  }
0xb0: {  	s28 =	rddreg [dreg:$0x6];
	[sflag:s5] =	ssyncset.done @!p1 $0x0  }
0xb1: {  	s24 =	simm.s32 $0x13B80;
	[sflag:s5] =	ssyncadd.s32 @!p1 $0xFFFFEC00;
	s2 =	sadd.s32 $0x0, s28  }
0xb2: {  	[tilespmem:s24], [sflag:$0x6] =	stream.linear.gather [hbm4b:s2+s4], $0x28, $0x38;
	[tilespmem:$0x1A000] =	vst v63  }
0xb3: {  	_ =	swait.ge [sflag:s30], $0xC8  }
0xb4: {  	[sflag:s30] =	ssyncset.done $0x0  }
0xb5: {  	s1 =	simm.s32 $0x13C00;
	[sflag:s30] =	ssyncadd.s32 $0xFFFFFF38  }
0xb6: {  	[tilespmem:s1], [sflag:$0x7] =	stream.indirect.gather [hbm4b:s0+s6], $0x80, s31, s6, $0xb8;
	[tilespmem:$0x1A000] =	vst v63  }
0xb7: {  	s25 =	rddreg [dreg:$0x8]  }
0xb8: {  	[tilespmem:s7], [sflag:$0x8] =	stream.indirect.gather [hbm4b:s0+s6], $0x80, s25, s6, $0xb8;
	[tilespmem:$0x1A000] =	vst v63  }
0xb9: {  	s26 =	rddreg [dreg:$0x9]  }
0xba: {  	[tilespmem:s8], [sflag:$0x9] =	stream.indirect.gather [hbm4b:s0+s6], $0x80, s26, s6, $0xb8;
	[tilespmem:$0x1A000] =	vst v63  }
0xbb: {  	s28 =	rddreg [dreg:$0xa]  }
0xbc: {  	[tilespmem:s9], [sflag:$0xA] =	stream.indirect.gather [hbm4b:s0+s6], $0x80, s28, s6, $0xb8;
	[tilespmem:$0x1A000] =	vst v63  }
0xbd: {  	s2 =	rddreg [dreg:$0xb]  }
0xbe: {  	[tilespmem:s10], [sflag:$0xB] =	stream.indirect.gather [hbm4b:s0+s6], $0x80, s2, s6, $0xb8;
	[tilespmem:$0x1A000] =	vst v63  }
0xbf: {  	_ =	swait.ge [sflag:s11], $0x1400  }
0xc0: {  	[sflag:s11] =	ssyncset.done $0x0  }
0xc1: {  	[sflag:s11] =	ssyncadd.s32 $0xFFFFEC00  }
0xc2: {  	_ =	swait.ge [sflag:s12], $0x28  }
0xc3: {  	[sflag:s12] =	ssyncset.done $0x0  }
0xc4: {  	s25 =	rddreg [dreg:$0xc];
	[sflag:s12] =	ssyncadd.s32 $0xFFFFFFD8  }
0xc5: {  	[spmem:s3] =	stream.indirect.scatter.add.f32 [tilespmem:s1], [sflag:$0xC], $0x80, s25, s6, $0xb8;
	[tilespmem:$0x1A000] =	vst v63  }
0xc6: {  	_ =	swait.ge [sflag:s13], $0x1400  }
0xc7: {  	[sflag:s13] =	ssyncset.done $0x0  }
0xc8: {  	[sflag:s13] =	ssyncadd.s32 $0xFFFFEC00  }
0xc9: {  	_ =	swait.ge [sflag:s14], $0x28  }
0xca: {  	[sflag:s14] =	ssyncset.done $0x0  }
0xcb: {  	s26 =	rddreg [dreg:$0xd];
	[sflag:s14] =	ssyncadd.s32 $0xFFFFFFD8  }
0xcc: {  	[spmem:s3] =	stream.indirect.scatter.add.f32 [tilespmem:s7], [sflag:$0xD], $0x80, s26, s6, $0xb8;
	[tilespmem:$0x1A000] =	vst v63  }
0xcd: {  	_ =	swait.ge [sflag:s15], $0x1400  }
0xce: {  	[sflag:s15] =	ssyncset.done $0x0  }
0xcf: {  	[sflag:s15] =	ssyncadd.s32 $0xFFFFEC00  }
0xd0: {  	_ =	swait.ge [sflag:s16], $0x28  }
0xd1: {  	[sflag:s16] =	ssyncset.done $0x0  }
0xd2: {  	[sflag:s16] =	ssyncadd.s32 $0xFFFFFFD8  }
0xd3: {  	[spmem:s3] =	stream.indirect.scatter.add.f32 [tilespmem:s8], [sflag:$0xE], $0x80, s29, s6, $0xb8;
	[tilespmem:$0x1A000] =	vst v63  }
0xd4: {  	_ =	swait.ge [sflag:s17], $0x1400  }
0xd5: {  	[sflag:s17] =	ssyncset.done $0x0  }
0xd6: {  	[sflag:s17] =	ssyncadd.s32 $0xFFFFEC00  }
0xd7: {  	_ =	swait.ge [sflag:s18], $0x28  }
0xd8: {  	[sflag:s18] =	ssyncset.done $0x0  }
0xd9: {  	s28 =	rddreg [dreg:$0xe];
	[sflag:s18] =	ssyncadd.s32 $0xFFFFFFD8  }
0xda: {  	[spmem:s3] =	stream.indirect.scatter.add.f32 [tilespmem:s9], [sflag:$0xF], $0x80, s28, s6, $0xb8;
	[tilespmem:$0x1A000] =	vst v63  }
0xdb: {  	_ =	swait.ge [sflag:s22], $0x1400  }
0xdc: {  	[sflag:s22] =	ssyncset.done $0x0  }
0xdd: {  	[sflag:s22] =	ssyncadd.s32 $0xFFFFEC00  }
0xde: {  	_ =	swait.ge [sflag:s23], $0x28  }
0xdf: {  	s25 =	simm.s32 $0x19;
	[sflag:s23] =	ssyncset.done $0x0  }
0xe0: {  	s26 =	simm.s32 $0x32;
	s5 =	rddreg [dreg:$0x5];
	[sflag:s23] =	ssyncadd.s32 $0xFFFFFFD8  }
.LBB2_4:
0xe1: {  	[spmem:s3] =	stream.indirect.scatter.add.f32 [tilespmem:s10], [sflag:$0x10], $0x80, s24, s6, $0xb8;
	[tilespmem:$0x1A000] =	vst v63  }
0xe2: {  	s5 =	sadd.s32 s25, s5;
	p2 =	seq.s32 s25, $0x0  }
0xe3: {  	[tilespmem:s31], [sflag:$0x1] =	stream.linear.gather [hbm4b:s5+s4], $0xC8, $0x38;
	[tilespmem:$0x1A000] =	vst v63  }
0xe4: {  	s24 =	simm.s32 @p2 $0x0;
	s5 =	sadd.s32 @p2 s25, s21;
	s31 =	simm.s32 @p2 $0x13980  }
0xe5: {  	[tilespmem:s31], [sflag:$0x2] =	stream.linear.gather @p2 [hbm4b:s5+s24], $0x28, $0x38;
	[tilespmem:$0x1A000] =	vst v63  }
0xe6: {  	s5 =	simm.s32 @p2 $0x13A00;
	s31 =	simm.s32 @!p2 $0xC  }
0xe7: {  	[tilespmem:s5], [sflag:$0x3] =	stream.linear.gather @p2 [hbm4b:s19+s24], $0x28, $0x38;
	[tilespmem:$0x1A000] =	vst v63  }
0xe8: {  	_ =	swait.ge @!p2 [sflag:s31], $0x1400  }
0xe9: {  	s2 =	simm.s32 @!p2 $0xD;
	s1 =	simm.s32 @!p2 $0x0;
	[sflag:s31] =	ssyncset.done @!p2 $0x0  }
0xea: {  	s5 =	simm.s32 @!p2 $0x13980;
	[sflag:s31] =	ssyncadd.s32 @!p2 $0xFFFFEC00;
	s31 =	sadd.s32 @!p2 s25, s21  }
0xeb: {  	[tilespmem:s5], [sflag:$0x2] =	stream.linear.gather @!p2 [hbm4b:s31+s1], $0x28, $0x38;
	[tilespmem:$0x1A000] =	vst v63  }
0xec: {  	_ =	swait.ge @!p2 [sflag:s2], $0x1400  }
0xed: {  	s5 =	simm.s32 @!p2 $0xE;
	[sflag:s2] =	ssyncset.done @!p2 $0x0  }
0xee: {  	s31 =	simm.s32 @!p2 $0x13A00;
	[sflag:s2] =	ssyncadd.s32 @!p2 $0xFFFFEC00;
	s2 =	sadd.s32 @!p2 s25, s19  }
0xef: {  	[tilespmem:s31], [sflag:$0x3] =	stream.linear.gather @!p2 [hbm4b:s2+s1], $0x28, $0x38;
	[tilespmem:$0x1A000] =	vst v63  }
0xf0: {  	_ =	swait.ge @!p2 [sflag:s5], $0x1400  }
0xf1: {  	s2 =	rddreg [dreg:$0x7];
	[sflag:s5] =	ssyncset.done @!p2 $0x0  }
0xf2: {  	[sflag:s5] =	ssyncadd.s32 @!p2 $0xFFFFEC00;
	s2 =	sadd.s32 s25, s2  }
0xf3: {  	[tilespmem:s29], [sflag:$0x4] =	stream.linear.gather [hbm4b:s2+s4], $0x28, $0x38;
	[tilespmem:$0x1A000] =	vst v63  }
0xf4: {  	s5 =	simm.s32 @!p2 $0xF;
	s2 =	simm.s32 @p2 $0x13B00  }
0xf5: {  	[tilespmem:s2], [sflag:$0x5] =	stream.linear.gather @p2 [hbm4b:s20+s24], $0x28, $0x38;
	[tilespmem:$0x1A000] =	vst v63  }
0xf6: {  	_ =	swait.ge @!p2 [sflag:s5], $0x1400  }
0xf7: {  	s2 =	simm.s32 @!p2 $0x10;
	[sflag:s5] =	ssyncset.done @!p2 $0x0  }
0xf8: {  	s24 =	simm.s32 @!p2 $0x13B00;
	[sflag:s5] =	ssyncadd.s32 @!p2 $0xFFFFEC00;
	s5 =	sadd.s32 @!p2 s25, s20  }
0xf9: {  	[tilespmem:s24], [sflag:$0x5] =	stream.linear.gather @!p2 [hbm4b:s5+s1], $0x28, $0x38;
	[tilespmem:$0x1A000] =	vst v63  }
0xfa: {  	_ =	swait.ge @!p2 [sflag:s2], $0x1400  }
0xfb: {  	s5 =	rddreg [dreg:$0x6];
	[sflag:s2] =	ssyncset.done @!p2 $0x0  }
0xfc: {  	s24 =	simm.s32 $0x13B80;
	[sflag:s2] =	ssyncadd.s32 @!p2 $0xFFFFEC00;
	s1 =	sadd.s32 s25, s5  }
0xfd: {  	[tilespmem:s24], [sflag:$0x6] =	stream.linear.gather [hbm4b:s1+s4], $0x28, $0x38;
	[tilespmem:$0x1A000] =	vst v63  }
0xfe: {  	_ =	swait.ge [sflag:s30], $0xC8  }
0xff: {  	s28 =	smov.u32 s26;
	s31 =	simm.s32 $0x13880;
	[sflag:s30] =	ssyncset.done $0x0  }
0x100: {  	s25 =	smov.u32 s28;
	s28 =	simm.s32 $0x13C00;
	[sflag:s30] =	ssyncadd.s32 $0xFFFFFF38  }
0x101: {  	[tilespmem:s28], [sflag:$0x7] =	stream.indirect.gather [hbm4b:s0+s6], $0x80, s31, s6, $0xb8;
	[tilespmem:$0x1A000] =	vst v63  }
0x102: {  	s2 =	rddreg [dreg:$0x8]  }
0x103: {  	[tilespmem:s7], [sflag:$0x8] =	stream.indirect.gather [hbm4b:s0+s6], $0x80, s2, s6, $0xb8;
	[tilespmem:$0x1A000] =	vst v63  }
0x104: {  	s5 =	rddreg [dreg:$0x9]  }
0x105: {  	[tilespmem:s8], [sflag:$0x9] =	stream.indirect.gather [hbm4b:s0+s6], $0x80, s5, s6, $0xb8;
	[tilespmem:$0x1A000] =	vst v63  }
0x106: {  	s1 =	rddreg [dreg:$0xa]  }
0x107: {  	[tilespmem:s9], [sflag:$0xA] =	stream.indirect.gather [hbm4b:s0+s6], $0x80, s1, s6, $0xb8;
	[tilespmem:$0x1A000] =	vst v63  }
0x108: {  	s5 =	rddreg [dreg:$0xb]  }
0x109: {  	[tilespmem:s10], [sflag:$0xB] =	stream.indirect.gather [hbm4b:s0+s6], $0x80, s5, s6, $0xb8;
	[tilespmem:$0x1A000] =	vst v63  }
0x10a: {  	_ =	swait.ge [sflag:s11], $0x1400  }
0x10b: {  	[sflag:s11] =	ssyncset.done $0x0  }
0x10c: {  	[sflag:s11] =	ssyncadd.s32 $0xFFFFEC00  }
0x10d: {  	_ =	swait.ge [sflag:s12], $0x28  }
0x10e: {  	[sflag:s12] =	ssyncset.done $0x0  }
0x10f: {  	s5 =	rddreg [dreg:$0xc];
	[sflag:s12] =	ssyncadd.s32 $0xFFFFFFD8  }
0x110: {  	[spmem:s3] =	stream.indirect.scatter.add.f32 [tilespmem:s28], [sflag:$0xC], $0x80, s5, s6, $0xb8;
	[tilespmem:$0x1A000] =	vst v63  }
0x111: {  	_ =	swait.ge [sflag:s13], $0x1400  }
0x112: {  	[sflag:s13] =	ssyncset.done $0x0  }
0x113: {  	[sflag:s13] =	ssyncadd.s32 $0xFFFFEC00  }
0x114: {  	_ =	swait.ge [sflag:s14], $0x28  }
0x115: {  	[sflag:s14] =	ssyncset.done $0x0  }
0x116: {  	s2 =	rddreg [dreg:$0xd];
	[sflag:s14] =	ssyncadd.s32 $0xFFFFFFD8  }
0x117: {  	[spmem:s3] =	stream.indirect.scatter.add.f32 [tilespmem:s7], [sflag:$0xD], $0x80, s2, s6, $0xb8;
	[tilespmem:$0x1A000] =	vst v63  }
0x118: {  	_ =	swait.ge [sflag:s15], $0x1400  }
0x119: {  	[sflag:s15] =	ssyncset.done $0x0  }
0x11a: {  	[sflag:s15] =	ssyncadd.s32 $0xFFFFEC00  }
0x11b: {  	_ =	swait.ge [sflag:s16], $0x28  }
0x11c: {  	[sflag:s16] =	ssyncset.done $0x0  }
0x11d: {  	[sflag:s16] =	ssyncadd.s32 $0xFFFFFFD8  }
0x11e: {  	[spmem:s3] =	stream.indirect.scatter.add.f32 [tilespmem:s8], [sflag:$0xE], $0x80, s29, s6, $0xb8;
	[tilespmem:$0x1A000] =	vst v63  }
0x11f: {  	_ =	swait.ge [sflag:s17], $0x1400  }
0x120: {  	[sflag:s17] =	ssyncset.done $0x0  }
0x121: {  	[sflag:s17] =	ssyncadd.s32 $0xFFFFEC00  }
0x122: {  	_ =	swait.ge [sflag:s18], $0x28  }
0x123: {  	[sflag:s18] =	ssyncset.done $0x0  }
0x124: {  	s26 =	sadd.s32 $0x19, s26;
	s5 =	rddreg [dreg:$0xe];
	[sflag:s18] =	ssyncadd.s32 $0xFFFFFFD8  }
0x125: {  	[spmem:s3] =	stream.indirect.scatter.add.f32 [tilespmem:s9], [sflag:$0xF], $0x80, s5, s6, $0xb8;
	[tilespmem:$0x1A000] =	vst v63  }
0x126: {  	p1 =	sne.s32 s26, $0x4E2;
	_ =	swait.ge [sflag:s22], $0x1400  }
.Ltmp1:
0x127: {  	[sflag:s22] =	ssyncset.done $0x0;
	(pc) =	sbr.rel @p1 .LBB2_4-.Ltmp1, $4  }
0x128: {  	[sflag:s22] =	ssyncadd.s32 $0xFFFFEC00  }
0x129: {  	_ =	swait.ge [sflag:s23], $0x28  }
0x12a: {  	[sflag:s23] =	ssyncset.done $0x0  }
0x12b: {  	s5 =	rddreg [dreg:$0x5];
	[sflag:s23] =	ssyncadd.s32 $0xFFFFFFD8  }
0x12c: {  	[spmem:s3] =	stream.indirect.scatter.add.f32 [tilespmem:s10], [sflag:$0x10], $0x80, s24, s6, $0xb8;
	[tilespmem:$0x1A000] =	vst v63  }
0x12d: {  	s1 =	sadd.s32 s25, s5;
	p1 =	seq.s32 s25, $0x0  }
0x12e: {  	[tilespmem:s31], [sflag:$0x1] =	stream.linear.gather [hbm4b:s1+s4], $0xC8, $0x38;
	[tilespmem:$0x1A000] =	vst v63  }
0x12f: {  	s2 =	simm.s32 @p1 $0x0;
	s5 =	simm.s32 @p1 $0x13980;
	s1 =	sadd.s32 @p1 s25, s21  }
0x130: {  	[tilespmem:s5], [sflag:$0x2] =	stream.linear.gather @p1 [hbm4b:s1+s2], $0x28, $0x38;
	[tilespmem:$0x1A000] =	vst v63  }
0x131: {  	s1 =	simm.s32 @p1 $0x13A00;
	s5 =	simm.s32 @!p1 $0xC  }
0x132: {  	[tilespmem:s1], [sflag:$0x3] =	stream.linear.gather @p1 [hbm4b:s19+s2], $0x28, $0x38;
	[tilespmem:$0x1A000] =	vst v63  }
0x133: {  	_ =	swait.ge @!p1 [sflag:s5], $0x1400  }
0x134: {  	s24 =	simm.s32 @!p1 $0x0;
	[sflag:s5] =	ssyncset.done @!p1 $0x0  }
0x135: {  	s1 =	simm.s32 @!p1 $0x13980;
	[sflag:s5] =	ssyncadd.s32 @!p1 $0xFFFFEC00;
	s5 =	sadd.s32 @!p1 s25, s21  }
0x136: {  	[tilespmem:s1], [sflag:$0x2] =	stream.linear.gather @!p1 [hbm4b:s5+s24], $0x28, $0x38;
	[tilespmem:$0x1A000] =	vst v63  }
0x137: {  	s1 =	simm.s32 @!p1 $0xD  }
0x138: {  	_ =	swait.ge @!p1 [sflag:s1], $0x1400  }
0x139: {  	[sflag:s1] =	ssyncset.done @!p1 $0x0  }
0x13a: {  	s5 =	simm.s32 @!p1 $0x13A00;
	[sflag:s1] =	ssyncadd.s32 @!p1 $0xFFFFEC00;
	s1 =	sadd.s32 @!p1 s25, s19  }
0x13b: {  	[tilespmem:s5], [sflag:$0x3] =	stream.linear.gather @!p1 [hbm4b:s1+s24], $0x28, $0x38;
	[tilespmem:$0x1A000] =	vst v63  }
0x13c: {  	s1 =	simm.s32 @!p1 $0xE  }
0x13d: {  	_ =	swait.ge @!p1 [sflag:s1], $0x1400  }
0x13e: {  	s5 =	rddreg [dreg:$0x7];
	[sflag:s1] =	ssyncset.done @!p1 $0x0  }
0x13f: {  	[sflag:s1] =	ssyncadd.s32 @!p1 $0xFFFFEC00;
	s5 =	sadd.s32 s25, s5  }
0x140: {  	[tilespmem:s29], [sflag:$0x4] =	stream.linear.gather [hbm4b:s5+s4], $0x28, $0x38;
	[tilespmem:$0x1A000] =	vst v63  }
0x141: {  	s1 =	simm.s32 @p1 $0x13B00  }
0x142: {  	[tilespmem:s1], [sflag:$0x5] =	stream.linear.gather @p1 [hbm4b:s20+s2], $0x28, $0x38;
	[tilespmem:$0x1A000] =	vst v63  }
0x143: {  	s1 =	simm.s32 @!p1 $0xF  }
0x144: {  	_ =	swait.ge @!p1 [sflag:s1], $0x1400  }
0x145: {  	[sflag:s1] =	ssyncset.done @!p1 $0x0  }
0x146: {  	s2 =	simm.s32 @!p1 $0x13B00;
	[sflag:s1] =	ssyncadd.s32 @!p1 $0xFFFFEC00;
	s1 =	sadd.s32 @!p1 s25, s20  }
0x147: {  	[tilespmem:s2], [sflag:$0x5] =	stream.linear.gather @!p1 [hbm4b:s1+s24], $0x28, $0x38;
	[tilespmem:$0x1A000] =	vst v63  }
0x148: {  	s1 =	simm.s32 @!p1 $0x10  }
0x149: {  	_ =	swait.ge @!p1 [sflag:s1], $0x1400  }
0x14a: {  	s24 =	rddreg [dreg:$0x6];
	[sflag:s1] =	ssyncset.done @!p1 $0x0  }
0x14b: {  	s26 =	simm.s32 $0x13B80;
	[sflag:s1] =	ssyncadd.s32 @!p1 $0xFFFFEC00;
	s5 =	sadd.s32 s25, s24  }
0x14c: {  	[tilespmem:s26], [sflag:$0x6] =	stream.linear.gather [hbm4b:s5+s4], $0x28, $0x38;
	[tilespmem:$0x1A000] =	vst v63  }
0x14d: {  	_ =	swait.ge [sflag:s30], $0xC8  }
0x14e: {  	[sflag:s30] =	ssyncset.done $0x0  }
0x14f: {  	[sflag:s30] =	ssyncadd.s32 $0xFFFFFF38  }
0x150: {  	[tilespmem:s28], [sflag:$0x7] =	stream.indirect.gather [hbm4b:s0+s6], $0x80, s31, s6, $0xb8;
	[tilespmem:$0x1A000] =	vst v63  }
0x151: {  	s24 =	rddreg [dreg:$0x8]  }
0x152: {  	[tilespmem:s7], [sflag:$0x8] =	stream.indirect.gather [hbm4b:s0+s6], $0x80, s24, s6, $0xb8;
	[tilespmem:$0x1A000] =	vst v63  }
0x153: {  	s25 =	rddreg [dreg:$0x9]  }
0x154: {  	[tilespmem:s8], [sflag:$0x9] =	stream.indirect.gather [hbm4b:s0+s6], $0x80, s25, s6, $0xb8;
	[tilespmem:$0x1A000] =	vst v63  }
0x155: {  	s5 =	rddreg [dreg:$0xa]  }
0x156: {  	[tilespmem:s9], [sflag:$0xA] =	stream.indirect.gather [hbm4b:s0+s6], $0x80, s5, s6, $0xb8;
	[tilespmem:$0x1A000] =	vst v63  }
0x157: {  	s24 =	rddreg [dreg:$0xb]  }
0x158: {  	[tilespmem:s10], [sflag:$0xB] =	stream.indirect.gather [hbm4b:s0+s6], $0x80, s24, s6, $0xb8;
	[tilespmem:$0x1A000] =	vst v63  }
0x159: {  	_ =	swait.ge [sflag:s11], $0x1400  }
0x15a: {  	[sflag:s11] =	ssyncset.done $0x0  }
0x15b: {  	[sflag:s11] =	ssyncadd.s32 $0xFFFFEC00  }
0x15c: {  	_ =	swait.ge [sflag:s12], $0x28  }
0x15d: {  	[sflag:s12] =	ssyncset.done $0x0  }
0x15e: {  	s25 =	rddreg [dreg:$0xc];
	[sflag:s12] =	ssyncadd.s32 $0xFFFFFFD8  }
0x15f: {  	[spmem:s3] =	stream.indirect.scatter.add.f32 [tilespmem:s28], [sflag:$0xC], $0x80, s25, s6, $0xb8;
	[tilespmem:$0x1A000] =	vst v63  }
0x160: {  	_ =	swait.ge [sflag:s13], $0x1400  }
0x161: {  	[sflag:s13] =	ssyncset.done $0x0  }
0x162: {  	[sflag:s13] =	ssyncadd.s32 $0xFFFFEC00  }
0x163: {  	_ =	swait.ge [sflag:s14], $0x28  }
0x164: {  	[sflag:s14] =	ssyncset.done $0x0  }
0x165: {  	s2 =	rddreg [dreg:$0xd];
	[sflag:s14] =	ssyncadd.s32 $0xFFFFFFD8  }
0x166: {  	[spmem:s3] =	stream.indirect.scatter.add.f32 [tilespmem:s7], [sflag:$0xD], $0x80, s2, s6, $0xb8;
	[tilespmem:$0x1A000] =	vst v63  }
0x167: {  	_ =	swait.ge [sflag:s15], $0x1400  }
0x168: {  	[sflag:s15] =	ssyncset.done $0x0  }
0x169: {  	[sflag:s15] =	ssyncadd.s32 $0xFFFFEC00  }
0x16a: {  	_ =	swait.ge [sflag:s16], $0x28  }
0x16b: {  	[sflag:s16] =	ssyncset.done $0x0  }
0x16c: {  	[sflag:s16] =	ssyncadd.s32 $0xFFFFFFD8  }
0x16d: {  	[spmem:s3] =	stream.indirect.scatter.add.f32 [tilespmem:s8], [sflag:$0xE], $0x80, s29, s6, $0xb8;
	[tilespmem:$0x1A000] =	vst v63  }
0x16e: {  	_ =	swait.ge [sflag:s17], $0x1400  }
0x16f: {  	[sflag:s17] =	ssyncset.done $0x0  }
0x170: {  	[sflag:s17] =	ssyncadd.s32 $0xFFFFEC00  }
0x171: {  	_ =	swait.ge [sflag:s18], $0x28  }
0x172: {  	[sflag:s18] =	ssyncset.done $0x0  }
0x173: {  	s5 =	rddreg [dreg:$0xe];
	[sflag:s18] =	ssyncadd.s32 $0xFFFFFFD8  }
0x174: {  	[spmem:s3] =	stream.indirect.scatter.add.f32 [tilespmem:s9], [sflag:$0xF], $0x80, s5, s6, $0xb8;
	[tilespmem:$0x1A000] =	vst v63  }
0x175: {  	_ =	swait.ge [sflag:s22], $0x1400  }
0x176: {  	[sflag:s22] =	ssyncset.done $0x0  }
0x177: {  	[sflag:s22] =	ssyncadd.s32 $0xFFFFEC00  }
0x178: {  	_ =	swait.ge [sflag:s23], $0x28  }
0x179: {  	[sflag:s23] =	ssyncset.done $0x0  }
0x17a: {  	s24 =	simm.s32 $0xC;
	[sflag:s23] =	ssyncadd.s32 $0xFFFFFFD8  }
0x17b: {  	[spmem:s3] =	stream.indirect.scatter.add.f32 [tilespmem:s10], [sflag:$0x10], $0x80, s26, s6, $0xb8;
	[tilespmem:$0x1A000] =	vst v63  }
0x17c: {  	_ =	swait.ge [sflag:s24], $0x1400  }
0x17d: {  	[sflag:s24] =	ssyncset.done $0x0  }
0x17e: {  	s25 =	simm.s32 $0xD;
	[sflag:s24] =	ssyncadd.s32 $0xFFFFEC00  }
0x17f: {  	_ =	swait.ge [sflag:s25], $0x1400  }
0x180: {  	[sflag:s25] =	ssyncset.done $0x0  }
0x181: {  	s26 =	simm.s32 $0xE;
	[sflag:s25] =	ssyncadd.s32 $0xFFFFEC00  }
0x182: {  	_ =	swait.ge [sflag:s26], $0x1400  }
0x183: {  	[sflag:s26] =	ssyncset.done $0x0  }
0x184: {  	s2 =	simm.s32 $0xF;
	[sflag:s26] =	ssyncadd.s32 $0xFFFFEC00  }
0x185: {  	_ =	swait.ge [sflag:s2], $0x1400  }
0x186: {  	[sflag:s2] =	ssyncset.done $0x0  }
0x187: {  	s5 =	simm.s32 $0x10;
	[sflag:s2] =	ssyncadd.s32 $0xFFFFEC00  }
0x188: {  	_ =	swait.ge [sflag:s5], $0x1400  }
0x189: {  	[sflag:s5] =	ssyncset.done $0x0  }
0x18a: {  	s24 =	stileid.u32;
	[sflag:s5] =	ssyncadd.s32 $0xFFFFEC00  }
0x18b: {  	s1 =	sshll.u32 s24, $0x6;
	[bflag:$0x0] =	sbarrier.arrive $0xFFFF  }
0x18c: {  	s1 =	sor.u32 $0x1C11, s1;
	s24 =	rddreg [dreg:$0xf]  }
0x18d: {  	s5 =	simm.s32 $0x11;
	s26 =	rddreg [dreg:$0x1c];
	s25 =	sshrl.u32 s24, $0x3  }
0x18e: {  	[hbm:s26], [sflag:s1] =	dma.local [spmem:s25], $0x2700  }
0x18f: {  	_ =	swait.ge [sflag:s5], $0x2700  }
0x190: {  	s28 =	sld [smem:$0x7FD];
	_ =	sdelay $0x1  }
0x191: {  	[sflag:s5] =	ssyncset.done $0x0  }
0x192: {  	[sflag:s5] =	ssyncadd.s32 $0xFFFFD900;
	s5 =	rddreg [dreg:$0x1f];
	s2 =	sshrl.u32 @!p0 s28, $0x3  }
0x193: {  	[hbm:s5], [sflag:s1] =	dma.local @!p0 [spmem:s2], $0x100  }
0x194: {  	s1 =	simm.s32 @!p0 $0x11  }
0x195: {  	_ =	swait.ge @!p0 [sflag:s1], $0x100  }
0x196: {  	s25 =	sld [smem:$0x7FA]  }
0x197: {  	s26 =	sld [smem:$0x7FB];
	_ =	sdelay $0x1  }
0x198: {  	s5 =	sadd.s32 $0x1, s25  }
0x199: {  	p1 =	sne.s32 s5, s26  }
.Ltmp2:
0x19a: {  	_ = 	snop;
	(pc) =	sbr.rel @p1 .LBB2_1-.Ltmp2, $3  }
0x19b: {  	_ =	sdelay $0x1  }
0x19c: {  	[sflag:s1] =	ssyncset.done @!p0 $0x0  }
0x19d: {  	[sflag:s1] =	ssyncadd.s32 @!p0 $0xFFFFFF00  }
0x19e: {  	_ =	sfence.sel $0x180000  }
0x19f: {  	[bflag:$0x0] =	sbarrier.arrive $0xFFFF  }
0x1a0: {  	_ =	strace $0x9000004A  }
0x1a1: {  	s0 =	stileid.u32;
	[bflag:$0x2] =	sbarrier.arrive $0xFFFF  }
0x1a2: {  	p0 =	sne.s32 s0, $0x0;
	s0 =	rddreg [dreg:$0x4]  }
0x1a3: {  	s0 =	sadd.s32 @!p0 $0x100000, s0  }
0x1a4: {  	[sflag:s0] =	ssyncadd.tile.s32 @!p0 $0x1;
	_ =	shalt  }
.Lfunc_end2:
_tile_overlayer_lowered:
.L_overlay_start_2:
0x1a5: {  	(tag) =	ssettag $0x2  }
0x1a6: {  	s0 =	rddreg [dreg:$0x0];
	s2 =	stileid.u32  }
0x1a7: {  	s1 =	rddreg [dreg:$0x1];
	p0 =	sne.s32 s2, $0x0  }
0x1a8: {  	s3 =	rddreg [dreg:$0x2];
	[bflag:$0x3] =	sbarrier.arrive $0xFFFF;
	s2 =	simm.s32 @!p0 $0x1C11  }
0x1a9: {  	[timem:s3], [sflag:s2] =	dma.local @!p0 [hbm:s0], s1  }
0x1aa: {  	s0 =	simm.s32 @!p0 $0x11  }
0x1ab: {  	_ =	swait.ge @!p0 [sflag:s0], s1  }
0x1ac: {  	s1 =	ssub.s32 @!p0 $0x0, s1;
	[sflag:s0] =	ssyncset.done @!p0 $0x0  }
0x1ad: {  	[sflag:s0] =	ssyncadd.s32 @!p0 s1  }
0x1ae: {  	[bflag:$0x3] =	sbarrier.arrive $0xFFFF  }
0x1af: {  	_ =	shalt  }

// kernel: kernel.8.cloned.1.call-start
scs
__scs_entry_jumppad:
0x0: {  	(pc) =	sbr.rel $0x88, $3  }
0x1: {  	(tag) =	ssettag $0x0;
	lr =	simm.s32 $0x1  }
0x2: {  	[smem:$0x3F97] =	sst lr;
	_ =	strace $0xD0000000  }
0x3: {  	_ = 	snop  }
0x4: {  	_ = 	snop  }
0x5: {  	_ = 	snop  }
0x6: {  	_ = 	snop  }
0x7: {  	_ = 	snop  }
__scs_overlays_trampoline_lowered:
0x8: {  	[smem:$0x3FA6] =	sst s0  }
0x9: {  	[smem:$0x3FA7] =	sst s1  }
0xa: {  	[smem:$0x3FA8] =	sst s2  }
0xb: {  	[smem:$0x3FA9] =	sst s3  }
0xc: {  	[smem:$0x3FAA] =	sst s4  }
0xd: {  	[smem:$0x3FAB] =	sst s5  }
0xe: {  	[smem:$0x3FAC] =	sst s6  }
0xf: {  	[smem:$0x3FAD] =	sst s7  }
0x10: {  	[smem:$0x3FAE] =	sst s8  }
0x11: {  	[smem:$0x3FAF] =	sst s9;
	s0 =	simm.s32 @!p0 $0x0  }
0x12: {  	s1 =	sld [smem:$0x3F95];
	s0 =	simm.s32 @p0 $0x1  }
0x13: {  	[smem:$0x3FB0] =	sst s0;
	s0 =	simm.s32 @!p1 $0x0  }
0x14: {  	s2 =	sld [smem:$0x3F94];
	s0 =	simm.s32 @p1 $0x1  }
0x15: {  	[smem:$0x3FB1] =	sst s0;
	s0 =	simm.s32 @!p2 $0x0  }
0x16: {  	s3 =	sld [smem:$0x3FDB];
	s0 =	simm.s32 @p2 $0x1  }
0x17: {  	s4 =	simm.s32 $0x1BF5;
	[smem:$0x3FB3] =	sst s0  }
0x18: {  	s0 =	sld [smem:$0x3F96];
	_ =	swait.ge [sflag:s4], $0x0  }
0x19: {  	s7 =	sld [smem:$0x3F97]  }
0x1a: {  	s8 =	sadd.s32 $0xFFFFE003, lr  }
0x1b: {  	s9 =	sadd.s32 $0xFFFFFEF7, lr;
	s5 =	simm.s32 $0xFFFFFFFF;
	p2 =	slt.u32 s8, $0xFFFFF086  }
0x1c: {  	p1 =	slt.u32 s9, $0xF7A;
	s5 =	simm.s32 @!p2 $0x0  }
0x1d: {  	s5 =	simm.s32 @p1 $0x1;
	p0 =	seq.s32 s7, s2  }
0x1e: {  	s7 =	smul.u32 @!p0 $0xF7A, s2;
	p2 =	seq.s32 @!p0 s5, $0x0  }
0x1f: {  	s9 =	smul.u32 $0xF7A, s1;
	s8 =	simm.s32 @!p0 $0x1BF5;
	p2 =	por !p2, p0  }
0x20: {  	[sflag:s8] =	ssyncset.s32 @!p0 $0xFFFFF086;
	s6 =	sadd.s32 @!p0 s3, s7;
	s7 =	simm.s32 @!p0 $0x108  }
0x21: {  	s3 =	sadd.s32 s3, s9;
	s6 =	sadd.s32 @!p0 $0x88, s6;
	s7 =	simm.s32 @p2 $0x1082  }
0x22: {  	[simem:s7], [sflag:s8] =	dma.local @!p0 [hbm:s6], $0xF7A  }
0x23: {  	s9 =	sor.u32 $0xD0000000, s2;
	s6 =	simm.s32 $0x108;
	_ =	swait.ge @!p0 [sflag:s8], $0x0  }
0x24: {  	s3 =	sadd.s32 $0x88, s3;
	s6 =	simm.s32 @!p1 $0x1082;
	[sflag:s4] =	ssyncset.s32 $0xFFFFF086  }
0x25: {  	[simem:s6], [sflag:s4] =	dma.local [hbm:s3], $0xF7A  }
0x26: {  	[smem:$0x3F97] =	sst s1;
	(tag) =	ssettag s2;
	_ =	strace s9  }
0x27: {  	s1 =	sld [smem:$0x3FA7]  }
0x28: {  	s2 =	sld [smem:$0x3FA8]  }
0x29: {  	s4 =	sld [smem:$0x3FAA]  }
0x2a: {  	p0 =	seq.s32 s5, $0x0;
	s5 =	sld [smem:$0x3FAB]  }
0x2b: {  	s6 =	sld [smem:$0x3FAC]  }
0x2c: {  	s7 =	sld [smem:$0x3FAD]  }
0x2d: {  	s3 =	simm.s32 $0x108;
	s8 =	sld [smem:$0x3FAE]  }
0x2e: {  	s3 =	simm.s32 @!p0 $0x1082;
	s9 =	sld [smem:$0x3FAF]  }
0x2f: {  	lr =	sadd.s32 s0, s3;
	s0 =	sld [smem:$0x3FA6]  }
0x30: {  	s3 =	sld [smem:$0x3FA9]  }
0x31: {  	[smem:$0x3FB2] =	sst s10  }
0x32: {  	s10 =	sld [smem:$0x3FB0];
	_ =	sdelay $0x3  }
0x33: {  	p0 =	seq.s32 s10, $0x1;
	s10 =	sld [smem:$0x3FB2];
	_ =	sdelay $0x3  }
0x34: {  	[smem:$0x3FB2] =	sst s10  }
0x35: {  	s10 =	sld [smem:$0x3FB1];
	_ =	sdelay $0x3  }
0x36: {  	p1 =	seq.s32 s10, $0x1;
	s10 =	sld [smem:$0x3FB2];
	_ =	sdelay $0x3  }
0x37: {  	[smem:$0x3FB2] =	sst s10  }
0x38: {  	s10 =	sld [smem:$0x3FB3]  }
0x39: {  	_ = 	snop;
	(pc) =	sbr.ind lr, $3  }
0x3a: {  	_ = 	snop  }
0x3b: {  	_ = 	snop  }
0x3c: {  	p2 =	seq.s32 s10, $0x1;
	s10 =	sld [smem:$0x3FB2]  }
0x3d: {  	_ =	shalt  }
0x3e: {  	_ =	shalt  }
0x3f: {  	_ =	shalt  }
0x40: {  	_ =	shalt  }
0x41: {  	_ =	shalt  }
0x42: {  	_ =	shalt  }
0x43: {  	_ =	shalt  }
0x44: {  	_ =	shalt  }
0x45: {  	_ =	shalt  }
0x46: {  	_ =	shalt  }
0x47: {  	_ =	shalt  }
0x48: {  	_ =	shalt  }
0x49: {  	_ =	shalt  }
0x4a: {  	_ =	shalt  }
0x4b: {  	_ =	shalt  }
0x4c: {  	_ =	shalt  }
0x4d: {  	_ =	shalt  }
0x4e: {  	_ =	shalt  }
0x4f: {  	_ =	shalt  }
0x50: {  	_ =	shalt  }
0x51: {  	_ =	shalt  }
0x52: {  	_ =	shalt  }
0x53: {  	_ =	shalt  }
0x54: {  	_ =	shalt  }
0x55: {  	_ =	shalt  }
0x56: {  	_ =	shalt  }
0x57: {  	_ =	shalt  }
0x58: {  	_ =	shalt  }
0x59: {  	_ =	shalt  }
0x5a: {  	_ =	shalt  }
0x5b: {  	_ =	shalt  }
0x5c: {  	_ =	shalt  }
0x5d: {  	_ =	shalt  }
0x5e: {  	_ =	shalt  }
0x5f: {  	_ =	shalt  }
0x60: {  	_ =	shalt  }
0x61: {  	_ =	shalt  }
0x62: {  	_ =	shalt  }
0x63: {  	_ =	shalt  }
0x64: {  	_ =	shalt  }
0x65: {  	_ =	shalt  }
0x66: {  	_ =	shalt  }
0x67: {  	_ =	shalt  }
0x68: {  	_ =	shalt  }
0x69: {  	_ =	shalt  }
0x6a: {  	_ =	shalt  }
0x6b: {  	_ =	shalt  }
0x6c: {  	_ =	shalt  }
0x6d: {  	_ =	shalt  }
0x6e: {  	_ =	shalt  }
0x6f: {  	_ =	shalt  }
0x70: {  	_ =	shalt  }
0x71: {  	_ =	shalt  }
0x72: {  	_ =	shalt  }
0x73: {  	_ =	shalt  }
0x74: {  	_ =	shalt  }
0x75: {  	_ =	shalt  }
0x76: {  	_ =	shalt  }
0x77: {  	_ =	shalt  }
0x78: {  	_ =	shalt  }
0x79: {  	_ =	shalt  }
0x7a: {  	_ =	shalt  }
0x7b: {  	_ =	shalt  }
0x7c: {  	_ =	shalt  }
0x7d: {  	_ =	shalt  }
0x7e: {  	_ =	shalt  }
0x7f: {  	_ =	shalt  }
0x80: {  	_ =	shalt  }
0x81: {  	_ =	shalt  }
0x82: {  	_ =	shalt  }
0x83: {  	_ =	shalt  }
0x84: {  	_ =	shalt  }
0x85: {  	_ =	shalt  }
0x86: {  	_ =	shalt  }
0x87: {  	_ =	shalt  }
.Lfunc_end0:
.L_simem_size_0:
called_computation_lowered:
.L_overlay_start_0:
0x88: {  	s2 =	sld [smem:$0x3FD9]  }
0x89: {  	s3 =	sld [smem:$0x3FFE];
	_ =	sdelay $0x1  }
0x8a: {  	s1 =	srdreg.scid  }
0x8b: {  	s0 =	sand.u32 $0x1, s1  }
0x8c: {  	s14 =	sshll.u32 s0, $0xA;
	s2 =	sadd.s32 s3, s2  }
0x8d: {  	s2 =	sadd.s32 s2, s14  }
0x8e: {  	[smem:$0x3FBE] =	sst s2  }
0x8f: {  	_ = 	snop  }
0x90: {  	s2 =	sld [smem:$0x3FD0];
	_ =	sdelay $0x2  }
0x91: {  	s15 =	simm.s32 $0xA;
	s4 =	simm.s32 $0x10  }
0x92: {  	[smem:s4], [sflag:s15] =	dma.local [hbm:s2], $0x1  }
0x93: {  	_ =	swait.eq [sflag:s15], $0x1  }
0x94: {  	[sflag:s15] =	ssyncset.done $0x0  }
0x95: {  	s16 =	sld [smem:$0x10];
	[sflag:s15] =	ssyncadd.s32 $0xFFFFFFFF  }
0x96: {  	s17 =	sld [smem:$0x11];
	(tm) =	ssettm $0x1  }
0x97: {  	s18 =	sld [smem:$0x3FFB];
	_ =	sdelay $0x3  }
0x98: {  	_ =	strace s18  }
0x99: {  	s4 =	sld [smem:$0x3FFC];
	_ =	sdelay $0x3  }
0x9a: {  	_ =	strace s4  }
0x9b: {  	s4 =	sld [smem:$0x3FFD];
	_ =	sdelay $0x3  }
0x9c: {  	_ =	strace s4  }
0x9d: {  	_ =	strace $0x8FFFFFFF  }
0x9e: {  	s19 =	sld [smem:$0x3FDB];
	_ =	sdelay $0x1  }
0x9f: {  	s5 =	simm.s32 $_scs_section_size  }
0xa0: {  	s6 =	simm.s32 $_size__tile_overlayer_lowered;
	s7 =	simm.s32 $_tile_overlayer_lowered  }
0xa1: {  	s22 =	simm.s32 $0x1BFF;
	s21 =	sshll.u32 s7, $0x1;
	s4 =	sadd.s32 s5, s19  }
0xa2: {  	s8 =	simm.s32 $0x0;
	s20 =	sshll.u32 s6, $0x1;
	s6 =	sadd.s32 s21, s4  }
0xa3: {  	[timem:s8], [sflag:s22] =	dma.local [hbm:s6], s20  }
0xa4: {  	_ =	swait.ge [sflag:s22], s20  }
0xa5: {  	s5 =	ssub.s32 $0x0, s20;
	[sflag:s22] =	ssyncset.done $0x0  }
0xa6: {  	[sflag:s22] =	ssyncadd.s32 s5;
	_ =	sdelay $0x1  }
0xa7: {  	s23 =	simm.s32 $0x1B8B  }
0xa8: {  	_ =	swait.ge [sflag:s23], $0x1  }
0xa9: {  	[sflag:s23] =	ssyncset.done $0x0  }
0xaa: {  	s25 =	simm.s32 $0x1B8E;
	s24 =	sld [smem:$0x3FFE];
	[sflag:s23] =	ssyncadd.s32 $0xFFFFFFFF  }
0xab: {  	s26 =	simm.s32 $execute0_lowered;
	[smem:$0x3FD2] =	sst s25  }
0xac: {  	s6 =	sshll.u32 s26, $0x1;
	_ =	strace $0x80000046;
	[dreg:$0x1] =	wrdreg $0xFFFFFFFF  }
0xad: {  	s28 =	simm.s32 $_size_execute0_lowered;
	s4 =	sadd.s32 s4, s6;
	[dreg:$0x0] =	wrdreg $0x0  }
0xae: {  	s6 =	sshll.u32 s28, $0x1;
	[dreg:$0x2] =	wrdreg s4  }
0xaf: {  	[dreg:$0x3] =	wrdreg s6  }
0xb0: {  	[dreg:$0x4] =	wrdreg $0xC0  }
0xb1: {  	_ =	task [dreg:s8], $0x5FFFF  }
0xb2: {  	[dreg:$0x1] =	wrdreg $0xFFFFFFFF  }
0xb3: {  	[dreg:$0x0] =	wrdreg $0x60  }
0xb4: {  	[dreg:$0x2] =	wrdreg s17  }
0xb5: {  	[dreg:$0x3] =	wrdreg s24  }
0xb6: {  	[dreg:$0x4] =	wrdreg s16  }
0xb7: {  	[dreg:$0x5] =	wrdreg $0x27800  }
0xb8: {  	[dreg:$0x6] =	wrdreg $0x9  }
0xb9: {  	_ =	task.clear_ibuf [dreg:s8], $0x7FFFF;
	_ =	strace $0x90000046  }
0xba: {  	s29 =	simm.s32 $0x9;
	_ =	strace $0x80000048  }
0xbb: {  	_ =	swait.ge [sflag:s29], $0x1  }
0xbc: {  	[sflag:s29] =	ssyncadd.s32 $0xFFFFFFFF  }
0xbd: {  	_ =	strace $0x90000048  }
0xbe: {  	_ =	sfence  }
0xbf: {  	s30 =	sld [smem:$0x0];
	_ =	sdelay $0x2  }
0xc0: {  	s31 =	sshll.u32 s1, $0xD;
	s1 =	sshrl.u32 s1, $0x2  }
0xc1: {  	s3 =	sand.u32 $0x4000, s31;
	s1 =	sadd.s32 s1, s30  }
0xc2: {  	s0 =	sor.u32 s3, s0;
	s1 =	sshll.u32 s1, $0x11  }
0xc3: {  	s0 =	sor.u32 s1, s0  }
0xc4: {  	s0 =	sadd.s32 $0x8F2B, s0  }
0xc5: {  	[sflag:s0] =	ssyncadd.remote.s32 $0x1  }
0xc6: {  	_ =	sfence.sel $0xFFFF  }
0xc7: {  	[dreg:$0x0] =	wrdreg $0xFFFFFFFF;
	(pc) =	sbr.abs _section_cstart, $3  }
0xc8: {  	[dreg:$0x1] =	wrdreg $0xFFFFFFFF  }
0xc9: {  	_ =	task.clear_ibuf [dreg:s8], $0x2FFFF;
	_ =	strace $0x9FFFFFFF  }
0xca: {  	(tm) =	ssettm $0x7FFFFFFF  }
0xcb: {  	_ =	shalt  }
tec
execute0_lowered:
.L_overlay_start_1:
0x0: {  	(tag) =	ssettag $0x1  }
0x1: {  	s0 =	rddreg [dreg:$0x0]  }
0x2: {  	s2 =	rddreg [dreg:$0x1]  }
0x3: {  	s1 =	rddreg [dreg:$0x2]  }
0x4: {  	s4 =	srdreg.scid;
	s14 =	stileid.u32  }
0x5: {  	s3 =	rddreg [dreg:$0x3];
	s31 =	simm.s32 $0x16380;
	s7 =	smul.u32 $0x2710, s14  }
0x6: {  	s5 =	sand.u32 $0x1, s4;
	s4 =	simm.s32 $0x0;
	s9 =	smul.u32 $0x4E000, s14  }
0x7: {  	s11 =	sadd.s32 $0xBE00, s2;
	s26 =	sadd.s32 $0x16200, s2;
	s19 =	smul.u32 $0x13800, s14  }
0x8: {  	p0 =	sne.s32 s14, $0xF;
	s6 =	smul.u32 $0x27100, s5;
	[smem:$0x7FF] =	sst s4  }
0x9: {  	s23 =	sshll.u32 s5, $0x4;
	s12 =	ssub.s32 $0x2, s5;
	s5 =	smul.u32 $0x138800, s5  }
0xa: {  	_ =	strace $0x80000047;
	[dreg:$0xf] =	wrdreg s11;
	s25 =	sshrl.u32 s9, $0x2  }
0xb: {  	s13 =	sshrl.u32 s12, $0x1;
	s9 =	simm.s32 $0x28;
	s7 =	sadd.s32 s7, s6  }
0xc: {  	s6 =	sor.u32 s14, s23;
	s29 =	sadd.s32 s25, s3;
	s11 =	ssub.s32 s12, s13  }
0xd: {  	s24 =	smul.u32 $0x4E2, s6;
	s6 =	sadd.s32 $0x1400, s29;
	[dreg:$0x10] =	wrdreg s29  }
0xe: {  	s22 =	sadd.s32 s19, s5;
	s28 =	sadd.s32 $0x2800, s29;
	[dreg:$0x11] =	wrdreg s6  }
0xf: {  	s5 =	sshrl.u32 s5, $0x3;
	s30 =	sadd.s32 $0x3C00, s29;
	[dreg:$0x12] =	wrdreg s28  }
0x10: {  	s14 =	simm.s32 $0x7;
	s12 =	sadd.s32 $0x5000, s29;
	[dreg:$0x13] =	wrdreg s30  }
0x11: {  	s8 =	sshrl.u32 s7, $0x3;
	s13 =	sadd.s32 $0x6400, s29;
	[dreg:$0x14] =	wrdreg s12  }
0x12: {  	s15 =	sadd.s32 $0x7800, s29;
	s16 =	sadd.s32 $0x8C00, s29;
	[dreg:$0x15] =	wrdreg s13  }
0x13: {  	s17 =	sadd.s32 $0xA000, s29;
	s18 =	sadd.s32 $0xA0, s7;
	[dreg:$0x16] =	wrdreg s15  }
0x14: {  	s20 =	sadd.s32 $0xB400, s29;
	s23 =	sadd.s32 $0x50, s7;
	[dreg:$0x17] =	wrdreg s16  }
0x15: {  	s5 =	sadd.s32 s26, s5;
	s10 =	sadd.s32 s8, s2;
	[dreg:$0x18] =	wrdreg s17  }
0x16: {  	s12 =	sshrl.u32 s18, $0x3;
	[dreg:$0x19] =	wrdreg s20;
	s28 =	sadd.s32 $0x28, s7  }
0x17: {  	s30 =	simm.s32 $0x16050;
	s6 =	simm.s32 $0x16078;
	s7 =	sadd.s32 $0x78, s7  }
0x18: {  	s13 =	simm.s32 $0x16100;
	s15 =	simm.s32 $0x16180;
	[dreg:$0x9] =	wrdreg s30  }
0x19: {  	s16 =	simm.s32 $0x16280;
	s20 =	sadd.s32 s8, s1;
	[dreg:$0xa] =	wrdreg s6  }
0x1a: {  	s17 =	sadd.s32 $0xDC00, s29;
	s8 =	simm.s32 $0x16300;
	[dreg:$0xc] =	wrdreg s13  }
0x1b: {  	s2 =	sadd.s32 s24, s2;
	s10 =	sadd.s32 $0x2000, s10;
	[dreg:$0xd] =	wrdreg s15  }
0x1c: {  	s21 =	sadd.s32 s12, s1;
	s24 =	sadd.s32 $0xC800, s29;
	[dreg:$0x1c] =	wrdreg s17  }
0x1d: {  	s12 =	sshrl.u32 s22, $0x3;
	s7 =	sshrl.u32 s7, $0x3;
	[dreg:$0xe] =	wrdreg s16  }
0x1e: {  	s22 =	sadd.s32 $0x27000, s5;
	s30 =	sadd.s32 $0x138000, s3;
	[dreg:$0x5] =	wrdreg s10  }
0x1f: {  	s5 =	simm.s32 $0x16000;
	s13 =	simm.s32 $0x1B380;
	[dreg:$0x6] =	wrdreg s21  }
0x20: {  	s15 =	simm.s32 $0x2;
	s16 =	simm.s32 $0x8;
	[dreg:$0x1a] =	wrdreg s24  }
0x21: {  	s17 =	simm.s32 $0x3;
	s6 =	simm.s32 $0x0;
	[dreg:$0x1e] =	wrdreg s22  }
0x22: {  	s10 =	sshrl.u32 s23, $0x3;
	s25 =	sadd.s32 s26, s12;
	[smem:$0x7FD] =	sst s30  }
0x23: {  	s26 =	simm.s32 $0x16028;
	s12 =	simm.s32 $0x160A0;
	[dreg:$0x1b] =	wrdreg s25  }
0x24: {  	s19 =	sadd.s32 s1, s7;
	s21 =	sadd.s32 $0xF000, s29;
	[dreg:$0x8] =	wrdreg s26  }
0x25: {  	s23 =	sadd.s32 $0xC400, s2;
	s24 =	smax.u32 s11, $0x1;
	[dreg:$0xb] =	wrdreg s12  }
0x26: {  	s7 =	simm.s32 $0x16200;
	s11 =	simm.s32 $0x18B80;
	[dreg:$0x1d] =	wrdreg s21  }
0x27: {  	s22 =	simm.s32 $0x4;
	s10 =	sadd.s32 s10, s1;
	[dreg:$0x1f] =	wrdreg s23  }
0x28: {  	[smem:$0x7F9] =	sst s24;
	s25 =	sadd.s32 $0x10400, s29;
	s26 =	sadd.s32 $0x11800, s29  }
0x29: {  	s12 =	simm.s32 $0x19F80;
	s21 =	simm.s32 $0x9;
	[dreg:$0x7] =	wrdreg s10  }
0x2a: {  	s23 =	simm.s32 $0xA;
	s24 =	simm.s32 $0x5;
	[smem:$0x7FA] =	sst s25  }
0x2b: {  	s10 =	sshrl.u32 s28, $0x3;
	[smem:$0x7FB] =	sst s26;
	s28 =	sadd.s32 $0x12C00, s29  }
0x2c: {  	s25 =	simm.s32 $0xB;
	s26 =	simm.s32 $0x6;
	s18 =	sadd.s32 s1, s10  }
0x2d: {  	v0 =	vimm.f32 $0.0e+00;
	v1 =	vimm.f32 $1.000000000e+00;
	vm0 =	vcmask $0x3F20;
	[smem:$0x7FC] =	sst s28;
	s1 =	simm.s32 $0x1;
	s10 =	simm.s32 $0x17780  }
.LBB2_1:
0x2e: {  	s28 =	simm.s32 $0x0;
	s30 =	simm.s32 $0x200  }
.LBB2_2:
0x2f: {  	p1 =	sne.s32 s30, $0x4E00;
	[tilespmem:s28+$0x163F0] =	vst v0  }
0x30: {  	[tilespmem:s28+$0x16380] =	vst v0  }
0x31: {  	[tilespmem:s28+$0x16390] =	vst v0  }
.Ltmp0:
0x32: {  	[tilespmem:s28+$0x163A0] =	vst v0;
	(pc) =	sbr.rel @p1 .LBB2_2-.Ltmp0, $4  }
0x33: {  	[tilespmem:s28+$0x163B0] =	vst v0  }
0x34: {  	[tilespmem:s28+$0x163C0] =	vst v0  }
0x35: {  	[tilespmem:s28+$0x163D0] =	vst v0  }
0x36: {  	[tilespmem:s28+$0x163E0] =	vst v0;
	s28 =	sshra.s32 s30, $0x2;
	s30 =	sadd.s32 $0x200, s30  }
0x37: {  	[tilespmem:s28+$0x163F0] =	vst v0  }
0x38: {  	[tilespmem:s28+$0x16380] =	vst v0  }
0x39: {  	[tilespmem:s28+$0x16390] =	vst v0  }
0x3a: {  	[tilespmem:s28+$0x163A0] =	vst v0  }
0x3b: {  	[tilespmem:s28+$0x163B0] =	vst v0  }
0x3c: {  	[tilespmem:s28+$0x163C0] =	vst v0  }
0x3d: {  	[smem:$0x7F8] =	sst s6;
	[tilespmem:s28+$0x163D0] =	vst v0  }
0x3e: {  	[tilespmem:s28+$0x163E0] =	vst v0;
	s2 =	rddreg [dreg:$0x11]  }
0x3f: {  	[spmem:s29] =	stream.linear.scatter [tilespmem:s31], [sflag:$0x1], $0x1400, $0x38;
	[tilespmem:$0x1C780] =	vst v63  }
0x40: {  	s30 =	rddreg [dreg:$0x12]  }
0x41: {  	[spmem:s2] =	stream.linear.scatter [tilespmem:s31], [sflag:$0x1], $0x1400, $0x38;
	[tilespmem:$0x1C780] =	vst v63  }
0x42: {  	s6 =	rddreg [dreg:$0x13]  }
0x43: {  	[spmem:s30] =	stream.linear.scatter [tilespmem:s31], [sflag:$0x1], $0x1400, $0x38;
	[tilespmem:$0x1C780] =	vst v63  }
0x44: {  	s29 =	rddreg [dreg:$0x14]  }
0x45: {  	[spmem:s6] =	stream.linear.scatter [tilespmem:s31], [sflag:$0x1], $0x1400, $0x38;
	[tilespmem:$0x1C780] =	vst v63  }
0x46: {  	s30 =	rddreg [dreg:$0x15]  }
0x47: {  	[spmem:s29] =	stream.linear.scatter [tilespmem:s31], [sflag:$0x1], $0x1400, $0x38;
	[tilespmem:$0x1C780] =	vst v63  }
0x48: {  	s6 =	rddreg [dreg:$0x16]  }
0x49: {  	[spmem:s30] =	stream.linear.scatter [tilespmem:s31], [sflag:$0x1], $0x1400, $0x38;
	[tilespmem:$0x1C780] =	vst v63  }
0x4a: {  	s29 =	rddreg [dreg:$0x17]  }
0x4b: {  	[spmem:s6] =	stream.linear.scatter [tilespmem:s31], [sflag:$0x1], $0x1400, $0x38;
	[tilespmem:$0x1C780] =	vst v63  }
0x4c: {  	s30 =	rddreg [dreg:$0x18]  }
0x4d: {  	[spmem:s29] =	stream.linear.scatter [tilespmem:s31], [sflag:$0x1], $0x1400, $0x38;
	[tilespmem:$0x1C780] =	vst v63  }
0x4e: {  	s6 =	rddreg [dreg:$0x19]  }
0x4f: {  	[spmem:s30] =	stream.linear.scatter [tilespmem:s31], [sflag:$0x1], $0x1400, $0x38;
	[tilespmem:$0x1C780] =	vst v63  }
0x50: {  	s29 =	rddreg [dreg:$0x1a]  }
0x51: {  	[spmem:s6] =	stream.linear.scatter [tilespmem:s31], [sflag:$0x1], $0x1400, $0x38;
	[tilespmem:$0x1C780] =	vst v63  }
0x52: {  	s30 =	rddreg [dreg:$0x1c]  }
0x53: {  	[spmem:s29] =	stream.linear.scatter [tilespmem:s31], [sflag:$0x1], $0x1400, $0x38;
	[tilespmem:$0x1C780] =	vst v63  }
0x54: {  	s6 =	rddreg [dreg:$0x1d]  }
0x55: {  	[spmem:s30] =	stream.linear.scatter [tilespmem:s31], [sflag:$0x1], $0x1400, $0x38;
	[tilespmem:$0x1C780] =	vst v63  }
0x56: {  	s29 =	sld [smem:$0x7FA]  }
0x57: {  	[spmem:s6] =	stream.linear.scatter [tilespmem:s31], [sflag:$0x1], $0x1400, $0x38;
	[tilespmem:$0x1C780] =	vst v63  }
0x58: {  	s30 =	sld [smem:$0x7FB]  }
0x59: {  	[spmem:s29] =	stream.linear.scatter [tilespmem:s31], [sflag:$0x1], $0x1400, $0x38;
	[tilespmem:$0x1C780] =	vst v63  }
0x5a: {  	s6 =	sld [smem:$0x7FC]  }
0x5b: {  	[spmem:s30] =	stream.linear.scatter [tilespmem:s31], [sflag:$0x1], $0x1400, $0x38;
	[tilespmem:$0x1C780] =	vst v63  }
0x5c: {  	s2 =	sld [smem:$0x7FD]  }
0x5d: {  	[spmem:s6] =	stream.linear.scatter [tilespmem:s31], [sflag:$0x1], $0xC00, $0x38;
	[tilespmem:$0x1C780] =	vst v63  }
0x5e: {  	s28 =	simm.s32 @!p0 $0x16380  }
0x5f: {  	[spmem:s2] =	stream.linear.scatter @!p0 [tilespmem:s28], [sflag:$0x11], $0x800, $0x38;
	[tilespmem:$0x1C780] =	vst v63  }
0x60: {  	s28 =	simm.s32 @!p0 $0x11  }
0x61: {  	_ =	swait.ge @!p0 [sflag:s28], $0x800  }
0x62: {  	[sflag:s28] =	ssyncset.done @!p0 $0x0  }
0x63: {  	[sflag:s28] =	ssyncadd.s32 @!p0 $0xFFFFF800  }
0x64: {  	_ =	swait.ge [sflag:s1], $0x1400  }
0x65: {  	[sflag:s1] =	ssyncset.done $0x0  }
0x66: {  	[sflag:s1] =	ssyncadd.s32 $0xFFFFEC00  }
0x67: {  	_ =	swait.ge [sflag:s1], $0x1400  }
0x68: {  	[sflag:s1] =	ssyncset.done $0x0  }
0x69: {  	[sflag:s1] =	ssyncadd.s32 $0xFFFFEC00  }
0x6a: {  	_ =	swait.ge [sflag:s1], $0x1400  }
0x6b: {  	[sflag:s1] =	ssyncset.done $0x0  }
0x6c: {  	[sflag:s1] =	ssyncadd.s32 $0xFFFFEC00  }
0x6d: {  	_ =	swait.ge [sflag:s1], $0x1400  }
0x6e: {  	[sflag:s1] =	ssyncset.done $0x0  }
0x6f: {  	[sflag:s1] =	ssyncadd.s32 $0xFFFFEC00  }
0x70: {  	_ =	swait.ge [sflag:s1], $0x1400  }
0x71: {  	[sflag:s1] =	ssyncset.done $0x0  }
0x72: {  	[sflag:s1] =	ssyncadd.s32 $0xFFFFEC00  }
0x73: {  	_ =	swait.ge [sflag:s1], $0x1400  }
0x74: {  	[sflag:s1] =	ssyncset.done $0x0  }
0x75: {  	[sflag:s1] =	ssyncadd.s32 $0xFFFFEC00  }
0x76: {  	_ =	swait.ge [sflag:s1], $0x1400  }
0x77: {  	[sflag:s1] =	ssyncset.done $0x0  }
0x78: {  	[sflag:s1] =	ssyncadd.s32 $0xFFFFEC00  }
0x79: {  	_ =	swait.ge [sflag:s1], $0x1400  }
0x7a: {  	[sflag:s1] =	ssyncset.done $0x0  }
0x7b: {  	[sflag:s1] =	ssyncadd.s32 $0xFFFFEC00  }
0x7c: {  	_ =	swait.ge [sflag:s1], $0x1400  }
0x7d: {  	[sflag:s1] =	ssyncset.done $0x0  }
0x7e: {  	[sflag:s1] =	ssyncadd.s32 $0xFFFFEC00  }
0x7f: {  	_ =	swait.ge [sflag:s1], $0x1400  }
0x80: {  	[sflag:s1] =	ssyncset.done $0x0  }
0x81: {  	[sflag:s1] =	ssyncadd.s32 $0xFFFFEC00  }
0x82: {  	_ =	swait.ge [sflag:s1], $0x1400  }
0x83: {  	[sflag:s1] =	ssyncset.done $0x0  }
0x84: {  	[sflag:s1] =	ssyncadd.s32 $0xFFFFEC00  }
0x85: {  	_ =	swait.ge [sflag:s1], $0x1400  }
0x86: {  	[sflag:s1] =	ssyncset.done $0x0  }
0x87: {  	[sflag:s1] =	ssyncadd.s32 $0xFFFFEC00  }
0x88: {  	_ =	swait.ge [sflag:s1], $0x1400  }
0x89: {  	[sflag:s1] =	ssyncset.done $0x0  }
0x8a: {  	[sflag:s1] =	ssyncadd.s32 $0xFFFFEC00  }
0x8b: {  	_ =	swait.ge [sflag:s1], $0x1400  }
0x8c: {  	[sflag:s1] =	ssyncset.done $0x0  }
0x8d: {  	[sflag:s1] =	ssyncadd.s32 $0xFFFFEC00  }
0x8e: {  	_ =	swait.ge [sflag:s1], $0x1400  }
0x8f: {  	[sflag:s1] =	ssyncset.done $0x0  }
0x90: {  	[sflag:s1] =	ssyncadd.s32 $0xFFFFEC00  }
0x91: {  	_ =	swait.ge [sflag:s1], $0xC00  }
0x92: {  	s30 =	simm.s32 $0x11;
	[sflag:s1] =	ssyncset.done $0x0  }
0x93: {  	s28 =	simm.s32 $0x0;
	s29 =	rddreg [dreg:$0xf];
	[sflag:s1] =	ssyncadd.s32 $0xFFFFF400  }
0x94: {  	[tilespmem:s28], [sflag:$0x11] =	stream.linear.gather [hbm4b:s29+s28], $0x2780, $0x38;
	[tilespmem:$0x1C780] =	vst v63  }
0x95: {  	_ =	swait.ge [sflag:s30], $0x2780  }
0x96: {  	[sflag:s30] =	ssyncset.done $0x0  }
0x97: {  	[sflag:s30] =	ssyncadd.s32 $0xFFFFD880  }
0x98: {  	[bflag:$0x0] =	sbarrier.arrive $0xFFFF  }
.LBB2_4:
0x99: {  	s30 =	rddreg [dreg:$0x5]  }
0x9a: {  	p1 =	seq.s32 s28, $0x0;
	s30 =	sadd.s32 s28, s30  }
0x9b: {  	[tilespmem:s5], [sflag:$0x1] =	stream.linear.gather [hbm4b:s30+s4], $0xC8, $0x38;
	[tilespmem:$0x1C780] =	vst v63  }
0x9c: {  	s6 =	simm.s32 @p1 $0x0;
	s2 =	simm.s32 @p1 $0x16100;
	s30 =	sadd.s32 @p1 s28, s20  }
0x9d: {  	[tilespmem:s2], [sflag:$0x2] =	stream.linear.gather @p1 [hbm4b:s30+s6], $0x28, $0x38;
	[tilespmem:$0x1C780] =	vst v63  }
0x9e: {  	s2 =	simm.s32 @p1 $0x16180  }
0x9f: {  	[tilespmem:s2], [sflag:$0x3] =	stream.linear.gather @p1 [hbm4b:s18+s6], $0x28, $0x38;
	[tilespmem:$0x1C780] =	vst v63  }
0xa0: {  	s2 =	simm.s32 @!p1 $0xC  }
0xa1: {  	_ =	swait.ge @!p1 [sflag:s2], $0x1400  }
0xa2: {  	s29 =	simm.s32 @!p1 $0x16100;
	[sflag:s2] =	ssyncset.done @!p1 $0x0  }
0xa3: {  	s30 =	simm.s32 @!p1 $0x0;
	[sflag:s2] =	ssyncadd.s32 @!p1 $0xFFFFEC00;
	s2 =	sadd.s32 @!p1 s28, s20  }
0xa4: {  	[tilespmem:s29], [sflag:$0x2] =	stream.linear.gather @!p1 [hbm4b:s2+s30], $0x28, $0x38;
	[tilespmem:$0x1C780] =	vst v63  }
0xa5: {  	s2 =	simm.s32 @!p1 $0xD  }
0xa6: {  	_ =	swait.ge @!p1 [sflag:s2], $0x1400  }
0xa7: {  	[sflag:s2] =	ssyncset.done @!p1 $0x0  }
0xa8: {  	s29 =	simm.s32 @!p1 $0x16180;
	[sflag:s2] =	ssyncadd.s32 @!p1 $0xFFFFEC00;
	s2 =	sadd.s32 @!p1 s28, s18  }
0xa9: {  	[tilespmem:s29], [sflag:$0x3] =	stream.linear.gather @!p1 [hbm4b:s2+s30], $0x28, $0x38;
	[tilespmem:$0x1C780] =	vst v63  }
0xaa: {  	s2 =	simm.s32 @!p1 $0xE  }
0xab: {  	_ =	swait.ge @!p1 [sflag:s2], $0x1400  }
0xac: {  	s29 =	rddreg [dreg:$0x7];
	[sflag:s2] =	ssyncset.done @!p1 $0x0  }
0xad: {  	[sflag:s2] =	ssyncadd.s32 @!p1 $0xFFFFEC00;
	s29 =	sadd.s32 s28, s29  }
0xae: {  	[tilespmem:s7], [sflag:$0x4] =	stream.linear.gather [hbm4b:s29+s4], $0x28, $0x38;
	[tilespmem:$0x1C780] =	vst v63  }
0xaf: {  	s2 =	simm.s32 @p1 $0x16280  }
0xb0: {  	[tilespmem:s2], [sflag:$0x5] =	stream.linear.gather @p1 [hbm4b:s19+s6], $0x28, $0x38;
	[tilespmem:$0x1C780] =	vst v63  }
0xb1: {  	s2 =	simm.s32 @!p1 $0xF  }
0xb2: {  	_ =	swait.ge @!p1 [sflag:s2], $0x1400  }
0xb3: {  	[sflag:s2] =	ssyncset.done @!p1 $0x0  }
0xb4: {  	s6 =	simm.s32 @!p1 $0x16280;
	[sflag:s2] =	ssyncadd.s32 @!p1 $0xFFFFEC00;
	s2 =	sadd.s32 @!p1 s28, s19  }
0xb5: {  	[tilespmem:s6], [sflag:$0x5] =	stream.linear.gather @!p1 [hbm4b:s2+s30], $0x28, $0x38;
	[tilespmem:$0x1C780] =	vst v63  }
0xb6: {  	s2 =	simm.s32 @!p1 $0x10  }
0xb7: {  	_ =	swait.ge @!p1 [sflag:s2], $0x1400  }
0xb8: {  	s30 =	rddreg [dreg:$0x6];
	[sflag:s2] =	ssyncset.done @!p1 $0x0  }
0xb9: {  	[sflag:s2] =	ssyncadd.s32 @!p1 $0xFFFFEC00;
	s6 =	sadd.s32 s28, s30  }
0xba: {  	[tilespmem:s8], [sflag:$0x6] =	stream.linear.gather [hbm4b:s6+s4], $0x28, $0x38;
	[tilespmem:$0x1C780] =	vst v63  }
0xbb: {  	_ =	swait.ge [sflag:s1], $0xC8  }
0xbc: {  	[sflag:s1] =	ssyncset.done $0x0  }
0xbd: {  	[sflag:s1] =	ssyncadd.s32 $0xFFFFFF38  }
0xbe: {  	[tilespmem:s31], [sflag:$0x7] =	stream.indirect.gather [hbm4b:s0+s9], $0x80, s5, s9, $0xb8;
	[tilespmem:$0x1C780] =	vst v63  }
0xbf: {  	s29 =	rddreg [dreg:$0x8]  }
0xc0: {  	[tilespmem:s10], [sflag:$0x8] =	stream.indirect.gather [hbm4b:s0+s9], $0x80, s29, s9, $0xb8;
	[tilespmem:$0x1C780] =	vst v63  }
0xc1: {  	s30 =	rddreg [dreg:$0x9]  }
0xc2: {  	[tilespmem:s11], [sflag:$0x9] =	stream.indirect.gather [hbm4b:s0+s9], $0x80, s30, s9, $0xb8;
	[tilespmem:$0x1C780] =	vst v63  }
0xc3: {  	s29 =	rddreg [dreg:$0xa]  }
0xc4: {  	[tilespmem:s12], [sflag:$0xA] =	stream.indirect.gather [hbm4b:s0+s9], $0x80, s29, s9, $0xb8;
	[tilespmem:$0x1C780] =	vst v63  }
0xc5: {  	s30 =	rddreg [dreg:$0xb]  }
0xc6: {  	[tilespmem:s13], [sflag:$0xB] =	stream.indirect.gather [hbm4b:s0+s9], $0x80, s30, s9, $0xb8;
	[tilespmem:$0x1C780] =	vst v63  }
0xc7: {  	_ =	swait.ge [sflag:s14], $0x1400  }
0xc8: {  	[sflag:s14] =	ssyncset.done $0x0  }
0xc9: {  	[sflag:s14] =	ssyncadd.s32 $0xFFFFEC00  }
0xca: {  	_ =	swait.ge [sflag:s15], $0x28  }
0xcb: {  	[sflag:s15] =	ssyncset.done $0x0  }
0xcc: {  	s6 =	rddreg [dreg:$0xc];
	[sflag:s15] =	ssyncadd.s32 $0xFFFFFFD8  }
0xcd: {  	[spmem:s3] =	stream.indirect.scatter.add.f32 [tilespmem:s31], [sflag:$0xC], $0x80, s6, s9, $0xb8;
	[tilespmem:$0x1C780] =	vst v63  }
0xce: {  	v2 =	vld [tilespmem:$0x16100];
	_ =	sdelay $0x7  }
0xcf: {  	[tilespmem:v2+s4+$0x0] =	vst.idx.add.f32.msk $0xffff, v1  }
0xd0: {  	v2 =	vld [tilespmem:$0x16110];
	_ =	sdelay $0x7  }
0xd1: {  	[tilespmem:v2+s4+$0x0] =	vst.idx.add.f32.msk $0xffff, v1  }
0xd2: {  	v2 =	vld [tilespmem:$0x16118];
	_ =	sdelay $0x7  }
0xd3: {  	[tilespmem:v2+s4+$0x0] =	vst.idx.add.f32.msk vm0, v1  }
0xd4: {  	_ =	swait.ge [sflag:s16], $0x1400  }
0xd5: {  	[sflag:s16] =	ssyncset.done $0x0  }
0xd6: {  	[sflag:s16] =	ssyncadd.s32 $0xFFFFEC00  }
0xd7: {  	_ =	swait.ge [sflag:s17], $0x28  }
0xd8: {  	[sflag:s17] =	ssyncset.done $0x0  }
0xd9: {  	s29 =	rddreg [dreg:$0xd];
	[sflag:s17] =	ssyncadd.s32 $0xFFFFFFD8  }
0xda: {  	[spmem:s3] =	stream.indirect.scatter.add.f32 [tilespmem:s10], [sflag:$0xD], $0x80, s29, s9, $0xb8;
	[tilespmem:$0x1C780] =	vst v63  }
0xdb: {  	v2 =	vld [tilespmem:$0x16180];
	_ =	sdelay $0x7  }
0xdc: {  	[tilespmem:v2+s4+$0x0] =	vst.idx.add.f32.msk $0xffff, v1  }
0xdd: {  	v2 =	vld [tilespmem:$0x16190];
	_ =	sdelay $0x7  }
0xde: {  	[tilespmem:v2+s4+$0x0] =	vst.idx.add.f32.msk $0xffff, v1  }
0xdf: {  	v2 =	vld [tilespmem:$0x16198];
	_ =	sdelay $0x7  }
0xe0: {  	[tilespmem:v2+s4+$0x0] =	vst.idx.add.f32.msk vm0, v1  }
0xe1: {  	_ =	swait.ge [sflag:s21], $0x1400  }
0xe2: {  	[sflag:s21] =	ssyncset.done $0x0  }
0xe3: {  	[sflag:s21] =	ssyncadd.s32 $0xFFFFEC00  }
0xe4: {  	_ =	swait.ge [sflag:s22], $0x28  }
0xe5: {  	[sflag:s22] =	ssyncset.done $0x0  }
0xe6: {  	[sflag:s22] =	ssyncadd.s32 $0xFFFFFFD8  }
0xe7: {  	[spmem:s3] =	stream.indirect.scatter.add.f32 [tilespmem:s11], [sflag:$0xE], $0x80, s7, s9, $0xb8;
	[tilespmem:$0x1C780] =	vst v63  }
0xe8: {  	v2 =	vld [tilespmem:$0x16200];
	_ =	sdelay $0x7  }
0xe9: {  	[tilespmem:v2+s4+$0x0] =	vst.idx.add.f32.msk $0xffff, v1  }
0xea: {  	v2 =	vld [tilespmem:$0x16210];
	_ =	sdelay $0x7  }
0xeb: {  	[tilespmem:v2+s4+$0x0] =	vst.idx.add.f32.msk $0xffff, v1  }
0xec: {  	v2 =	vld [tilespmem:$0x16218];
	_ =	sdelay $0x7  }
0xed: {  	[tilespmem:v2+s4+$0x0] =	vst.idx.add.f32.msk vm0, v1  }
0xee: {  	_ =	swait.ge [sflag:s23], $0x1400  }
0xef: {  	[sflag:s23] =	ssyncset.done $0x0  }
0xf0: {  	[sflag:s23] =	ssyncadd.s32 $0xFFFFEC00  }
0xf1: {  	_ =	swait.ge [sflag:s24], $0x28  }
0xf2: {  	[sflag:s24] =	ssyncset.done $0x0  }
0xf3: {  	s30 =	rddreg [dreg:$0xe];
	[sflag:s24] =	ssyncadd.s32 $0xFFFFFFD8  }
0xf4: {  	[spmem:s3] =	stream.indirect.scatter.add.f32 [tilespmem:s12], [sflag:$0xF], $0x80, s30, s9, $0xb8;
	[tilespmem:$0x1C780] =	vst v63  }
0xf5: {  	v2 =	vld [tilespmem:$0x16280];
	_ =	sdelay $0x7  }
0xf6: {  	[tilespmem:v2+s4+$0x0] =	vst.idx.add.f32.msk $0xffff, v1  }
0xf7: {  	v2 =	vld [tilespmem:$0x16290];
	_ =	sdelay $0x7  }
0xf8: {  	[tilespmem:v2+s4+$0x0] =	vst.idx.add.f32.msk $0xffff, v1  }
0xf9: {  	v2 =	vld [tilespmem:$0x16298];
	_ =	sdelay $0x7  }
0xfa: {  	[tilespmem:v2+s4+$0x0] =	vst.idx.add.f32.msk vm0, v1  }
0xfb: {  	_ =	swait.ge [sflag:s25], $0x1400  }
0xfc: {  	[sflag:s25] =	ssyncset.done $0x0  }
0xfd: {  	[sflag:s25] =	ssyncadd.s32 $0xFFFFEC00  }
0xfe: {  	_ =	swait.ge [sflag:s26], $0x28  }
0xff: {  	[sflag:s26] =	ssyncset.done $0x0  }
0x100: {  	[sflag:s26] =	ssyncadd.s32 $0xFFFFFFD8  }
0x101: {  	[spmem:s3] =	stream.indirect.scatter.add.f32 [tilespmem:s13], [sflag:$0x10], $0x80, s8, s9, $0xb8;
	[tilespmem:$0x1C780] =	vst v63  }
0x102: {  	v2 =	vld [tilespmem:$0x16300];
	_ =	sdelay $0x7  }
0x103: {  	[tilespmem:v2+s4+$0x0] =	vst.idx.add.f32.msk $0xffff, v1  }
0x104: {  	v2 =	vld [tilespmem:$0x16310];
	_ =	sdelay $0x7  }
0x105: {  	[tilespmem:v2+s4+$0x0] =	vst.idx.add.f32.msk $0xffff, v1  }
0x106: {  	v2 =	vld [tilespmem:$0x16318];
	_ =	sdelay $0x1  }
0x107: {  	s28 =	sadd.s32 $0x19, s28  }
0x108: {  	p1 =	sne.s32 s28, $0x4E2  }
.Ltmp1:
0x109: {  	_ = 	snop;
	(pc) =	sbr.rel @p1 .LBB2_4-.Ltmp1, $2  }
0x10a: {  	_ =	sdelay $0x2  }
0x10b: {  	[tilespmem:v2+s4+$0x0] =	vst.idx.add.f32.msk vm0, v1  }
0x10c: {  	s2 =	simm.s32 $0xC  }
0x10d: {  	_ =	swait.ge [sflag:s2], $0x1400  }
0x10e: {  	[sflag:s2] =	ssyncset.done $0x0  }
0x10f: {  	s30 =	simm.s32 $0xD;
	[sflag:s2] =	ssyncadd.s32 $0xFFFFEC00  }
0x110: {  	_ =	swait.ge [sflag:s30], $0x1400  }
0x111: {  	[sflag:s30] =	ssyncset.done $0x0  }
0x112: {  	s6 =	simm.s32 $0xE;
	[sflag:s30] =	ssyncadd.s32 $0xFFFFEC00  }
0x113: {  	_ =	swait.ge [sflag:s6], $0x1400  }
0x114: {  	[sflag:s6] =	ssyncset.done $0x0  }
0x115: {  	s28 =	simm.s32 $0xF;
	[sflag:s6] =	ssyncadd.s32 $0xFFFFEC00  }
0x116: {  	_ =	swait.ge [sflag:s28], $0x1400  }
0x117: {  	[sflag:s28] =	ssyncset.done $0x0  }
0x118: {  	s30 =	simm.s32 $0x10;
	[sflag:s28] =	ssyncadd.s32 $0xFFFFEC00  }
0x119: {  	_ =	swait.ge [sflag:s30], $0x1400  }
0x11a: {  	[sflag:s30] =	ssyncset.done $0x0  }
0x11b: {  	s6 =	stileid.u32;
	[sflag:s30] =	ssyncadd.s32 $0xFFFFEC00  }
0x11c: {  	s2 =	sshll.u32 s6, $0x6;
	[bflag:$0x0] =	sbarrier.arrive $0xFFFF  }
0x11d: {  	s2 =	sor.u32 $0x1C11, s2;
	s29 =	rddreg [dreg:$0x10]  }
0x11e: {  	s30 =	simm.s32 $0x11;
	s28 =	rddreg [dreg:$0x1b];
	s6 =	sshrl.u32 s29, $0x3  }
0x11f: {  	[hbm:s28], [sflag:s2] =	dma.local [spmem:s6], $0x2700  }
0x120: {  	_ =	swait.ge [sflag:s30], $0x2700  }
0x121: {  	s6 =	sld [smem:$0x7FD];
	_ =	sdelay $0x1  }
0x122: {  	[sflag:s30] =	ssyncset.done $0x0  }
0x123: {  	s28 =	rddreg [dreg:$0x1e];
	[sflag:s30] =	ssyncadd.s32 $0xFFFFD900;
	s6 =	sshrl.u32 @!p0 s6, $0x3  }
0x124: {  	[hbm:s28], [sflag:s2] =	dma.local @!p0 [spmem:s6], $0x100  }
0x125: {  	s2 =	simm.s32 @!p0 $0x11  }
0x126: {  	_ =	swait.ge @!p0 [sflag:s2], $0x100  }
0x127: {  	[sflag:s2] =	ssyncset.done @!p0 $0x0  }
0x128: {  	s28 =	rddreg [dreg:$0x1f];
	[sflag:s2] =	ssyncadd.s32 @!p0 $0xFFFFFF00  }
0x129: {  	[hbm4b:s28+s4] =	stream.linear.scatter [tilespmem:s4], [sflag:$0x11], $0x2710, $0x38;
	[tilespmem:$0x1C780] =	vst v63  }
0x12a: {  	_ =	swait.ge [sflag:s30], $0x2710  }
0x12b: {  	s2 =	sld [smem:$0x7F8]  }
0x12c: {  	s28 =	sld [smem:$0x7F9];
	_ =	sdelay $0x1  }
0x12d: {  	s6 =	sadd.s32 $0x1, s2  }
0x12e: {  	p1 =	sne.s32 s6, s28  }
.Ltmp2:
0x12f: {  	_ = 	snop;
	(pc) =	sbr.rel @p1 .LBB2_1-.Ltmp2, $3  }
0x130: {  	_ =	sdelay $0x1  }
0x131: {  	[sflag:s30] =	ssyncset.done $0x0  }
0x132: {  	[sflag:s30] =	ssyncadd.s32 $0xFFFFD8F0  }
0x133: {  	_ =	sfence.sel $0x180000  }
0x134: {  	[bflag:$0x0] =	sbarrier.arrive $0xFFFF  }
0x135: {  	_ =	strace $0x90000047  }
0x136: {  	s0 =	stileid.u32;
	[bflag:$0x2] =	sbarrier.arrive $0xFFFF  }
0x137: {  	p0 =	sne.s32 s0, $0x0;
	s0 =	rddreg [dreg:$0x4]  }
0x138: {  	s0 =	sadd.s32 @!p0 $0x100000, s0  }
0x139: {  	[sflag:s0] =	ssyncadd.tile.s32 @!p0 $0x1;
	_ =	shalt  }
.Lfunc_end2:
_tile_overlayer_lowered:
.L_overlay_start_2:
0x13a: {  	(tag) =	ssettag $0x2  }
0x13b: {  	s0 =	rddreg [dreg:$0x0];
	s2 =	stileid.u32  }
0x13c: {  	s1 =	rddreg [dreg:$0x1];
	p0 =	sne.s32 s2, $0x0  }
0x13d: {  	s3 =	rddreg [dreg:$0x2];
	[bflag:$0x3] =	sbarrier.arrive $0xFFFF;
	s2 =	simm.s32 @!p0 $0x1C11  }
0x13e: {  	[timem:s3], [sflag:s2] =	dma.local @!p0 [hbm:s0], s1  }
0x13f: {  	s0 =	simm.s32 @!p0 $0x11  }
0x140: {  	_ =	swait.ge @!p0 [sflag:s0], s1  }
0x141: {  	s1 =	ssub.s32 @!p0 $0x0, s1;
	[sflag:s0] =	ssyncset.done @!p0 $0x0  }
0x142: {  	[sflag:s0] =	ssyncadd.s32 @!p0 s1  }
0x143: {  	[bflag:$0x3] =	sbarrier.arrive $0xFFFF  }
0x144: {  	_ =	shalt  }

</sc_bundles>
